<compile_context>
chip_gen: v7x
topology: tpu7x:2x2x1
jax: 0.10.2.dev20260603
libtpu: 0.0.44.dev20260713+nightly
codegen_flags: <defaults>
</compile_context>

<pallas_src>
import jax
import jax.numpy as jnp
from jax import lax
from jax.experimental import pallas as pl
from jax.experimental.pallas import tpu as pltpu
from jax.experimental.pallas import tpu_sc as plsc

EMB = 128
BATCH = 16384
NC, NS = 2, 16
NW = NC * NS
BPW = BATCH // NW
CHUNK = 128
NSPLIT = 4
SUB = CHUNK // NSPLIT
NCHUNK = BPW // CHUNK
V_OSS = 40 * 3 * 6
V_XY = 32 * 32
BLOCK = 2048


def _tables_body(se, sce, oe, xe, ye, w1, b1, toss, txy):
    def tmat(src, lo):
        return lax.dot_general(src[...], w1[pl.ds(lo, EMB), :],
                               (((1,), (0,)), ((), ())),
                               preferred_element_type=jnp.float32)

    t_s, t_sc, t_o = tmat(se, 0), tmat(sce, EMB), tmat(oe, 2 * EMB)
    t_x, t_y = tmat(xe, 3 * EMB), tmat(ye, 4 * EMB)
    half_b1 = (b1[...] * 0.5)[None, :]

    def onehot_expand(n, idx_of_r, t, v):
        r = jax.lax.broadcasted_iota(jnp.int32, (n, v), 0)
        k = jax.lax.broadcasted_iota(jnp.int32, (n, v), 1)
        oh = (k == idx_of_r(r)).astype(jnp.float32)
        return lax.dot_general(oh, t, (((1,), (0,)), ((), ())),
                               preferred_element_type=jnp.float32)

    toss[...] = (onehot_expand(V_OSS, lambda r: r // 18, t_o, 40)
                 + onehot_expand(V_OSS, lambda r: (r % 18) // 6, t_s, 3)
                 + onehot_expand(V_OSS, lambda r: r % 6, t_sc, 6)
                 + half_b1)
    txy[...] = (onehot_expand(V_XY, lambda r: r // 32, t_x, 32)
                + onehot_expand(V_XY, lambda r: r % 32, t_y, 32)
                + half_b1)


def _make_tables(se, sce, oe, xe, ye, w1, b1):
    full = lambda shape: pl.BlockSpec(shape, lambda: (0,) * len(shape))
    return pl.pallas_call(
        _tables_body,
        in_specs=[full((3, EMB)), full((6, EMB)), full((40, EMB)),
                  full((32, EMB)), full((32, EMB)),
                  full((EMB * 5, EMB)), full((EMB,))],
        out_specs=[full((V_OSS, EMB)), full((V_XY, EMB))],
        out_shape=[jax.ShapeDtypeStruct((V_OSS, EMB), jnp.float32),
                   jax.ShapeDtypeStruct((V_XY, EMB), jnp.float32)],
    )(se, sce, oe, xe, ye, w1, b1)


def _gather_body(lat_hbm, toss_hbm, txy_hbm, g0_hbm, g1_hbm,
                 lat_v, ia0, ia1, ib0, ib1, p0a, p1a, p0b, p1b,
                 gsa, gsb, osa, osb):
    wid = lax.axis_index("s") * NC + lax.axis_index("c")
    base = wid * BPW
    pltpu.sync_copy(lat_hbm.at[pl.ds(base * 6, BPW * 6)], lat_v)
    lane = jnp.arange(16, dtype=jnp.int32)

    idx_refs = ((ia0, ia1), (ib0, ib1))
    bufs = ((p0a, p1a), (p0b, p1b))
    gsems = (gsa, gsb)
    osems = (osa, osb)

    def build_idx(c, i_oss, i_xy):
        for g in range(CHUNK // 16):
            flat = (c * CHUNK + g * 16 + lane) * 6
            l1 = plsc.load_gather(lat_v, [flat + 1])
            l2 = plsc.load_gather(lat_v, [flat + 2])
            l3 = plsc.load_gather(lat_v, [flat + 3])
            l4 = plsc.load_gather(lat_v, [flat + 4])
            l5 = plsc.load_gather(lat_v, [flat + 5])
            i_oss[pl.ds(g * 16, 16)] = l3 * 18 + l1 * 6 + l2
            i_xy[pl.ds(g * 16, 16)] = l4 * 32 + l5

    def fire_gathers(c, s):
        cops = []
        for tab, (ir, br) in zip((toss_hbm, txy_hbm),
                                 ((idx_refs[s][0], bufs[s][0]),
                                  (idx_refs[s][1], bufs[s][1]))):
            for q in range(NSPLIT):
                cops.append(pltpu.async_copy(
                    tab.at[ir.at[pl.ds(q * SUB, SUB)]],
                    br.at[pl.ds(q * SUB, SUB), :], gsems[s]))
        return cops

    build_idx(0, *idx_refs[0])
    gcops = [fire_gathers(0, 0), None]
    build_idx(1, *idx_refs[1])
    gcops[1] = fire_gathers(1, 1)

    for c in range(NCHUNK):
        s = c % 2
        for cp in gcops[s]:
            cp.wait()
        rows = pl.ds(base + c * CHUNK, CHUNK)
        ocops = [pltpu.async_copy(bufs[s][0], g0_hbm.at[rows, :], osems[s]),
                 pltpu.async_copy(bufs[s][1], g1_hbm.at[rows, :], osems[s])]
        if c + 2 < NCHUNK:
            build_idx(c + 2, *idx_refs[s])
            for cp in ocops:
                cp.wait()
            gcops[s] = fire_gathers(c + 2, s)
        else:
            for cp in ocops:
                cp.wait()


def _gather_sum_fn():
    return pl.kernel(
        _gather_body,
        out_type=[jax.ShapeDtypeStruct((BATCH, EMB), jnp.float32),
                  jax.ShapeDtypeStruct((BATCH, EMB), jnp.float32)],
        mesh=plsc.VectorSubcoreMesh(core_axis_name="c", subcore_axis_name="s",
                                    num_cores=NC, num_subcores=NS),
        compiler_params=pltpu.CompilerParams(needs_layout_passes=False),
        scratch_types=(
            [pltpu.VMEM((BPW * 6,), jnp.int32)]
            + [pltpu.VMEM((CHUNK,), jnp.int32) for _ in range(4)]
            + [pltpu.VMEM((CHUNK, EMB), jnp.float32) for _ in range(4)]
            + [pltpu.SemaphoreType.DMA for _ in range(4)]
        ))


def _mlp_body(g0_ref, g1_ref, w2_ref, b2_ref, out_ref):
    g = g0_ref[...] + g1_ref[...]
    h = g * jax.nn.sigmoid(g)
    o = lax.dot_general(h, w2_ref[...], (((1,), (0,)), ((), ())),
                        preferred_element_type=jnp.float32)
    out_ref[...] = o + b2_ref[...][None, :]


def _mlp(g0, g1, w2, b2):
    return pl.pallas_call(
        _mlp_body,
        grid=(BATCH // BLOCK,),
        in_specs=[pl.BlockSpec((BLOCK, EMB), lambda i: (i, 0)),
                  pl.BlockSpec((BLOCK, EMB), lambda i: (i, 0)),
                  pl.BlockSpec((EMB, EMB), lambda i: (0, 0)),
                  pl.BlockSpec((EMB,), lambda i: (0,))],
        out_specs=pl.BlockSpec((BLOCK, EMB), lambda i: (i, 0)),
        out_shape=jax.ShapeDtypeStruct((BATCH, EMB), jnp.float32),
    )(g0, g1, w2, b2)


@jax.jit
def kernel(latents, shape_emb, scale_emb, orient_emb, pos_x_emb, pos_y_emb,
           W1, b1, W2, b2):
    toss, txy = _make_tables(shape_emb, scale_emb, orient_emb,
                             pos_x_emb, pos_y_emb, W1, b1)
    g0, g1 = _gather_sum_fn()(latents.reshape(-1), toss, txy)
    return _mlp(g0, g1, W2, b2)

# --- scband reference (transcript-rebuilt; emitter-appended) ---
"""Pipeline reference for scband-conditional-embedding-24764781429039 (READ-ONLY COPY).

The authoritative reference and input builder live on the scoring server;
editing this copy changes nothing except your own understanding.
"""

import jax, jax.numpy as jnp
import numpy as np

EMB_DIM = 128
BATCH = 16384


def setup_inputs(seed: int = 0) -> dict:
    key = jax.random.key(seed)
    ks = jax.random.split(key, 10)
    latents = jax.random.randint(ks[0], (BATCH, 6), 0, 3, dtype=jnp.int64 if jax.config.jax_enable_x64 else jnp.int32).astype(jnp.int32)
    shape_emb = jax.random.normal(ks[1], (3, EMB_DIM), dtype=jnp.float32)
    scale_emb = jax.random.normal(ks[2], (6, EMB_DIM), dtype=jnp.float32)
    orient_emb = jax.random.normal(ks[3], (40, EMB_DIM), dtype=jnp.float32)
    pos_x_emb = jax.random.normal(ks[4], (32, EMB_DIM), dtype=jnp.float32)
    pos_y_emb = jax.random.normal(ks[5], (32, EMB_DIM), dtype=jnp.float32)
    # Linear(emb_dim*5 -> emb_dim), SiLU, Linear(emb_dim -> emb_dim)
    W1 = jax.random.normal(ks[6], (EMB_DIM * 5, EMB_DIM), dtype=jnp.float32) * (1.0 / np.sqrt(EMB_DIM * 5))
    b1 = jnp.zeros((EMB_DIM,), dtype=jnp.float32)
    W2 = jax.random.normal(ks[7], (EMB_DIM, EMB_DIM), dtype=jnp.float32) * (1.0 / np.sqrt(EMB_DIM))
    b2 = jnp.zeros((EMB_DIM,), dtype=jnp.float32)
    return {
        "latents": latents,
        "shape_emb": shape_emb,
        "scale_emb": scale_emb,
        "orient_emb": orient_emb,
        "pos_x_emb": pos_x_emb,
        "pos_y_emb": pos_y_emb,
        "W1": W1,
        "b1": b1,
        "W2": W2,
        "b2": b2,
    }


def reference(latents, shape_emb, scale_emb, orient_emb, pos_x_emb, pos_y_emb, W1, b1, W2, b2):
    s = jnp.take(shape_emb, latents[:, 1], axis=0)
    sc = jnp.take(scale_emb, latents[:, 2], axis=0)
    o = jnp.take(orient_emb, latents[:, 3], axis=0)
    x = jnp.take(pos_x_emb, latents[:, 4], axis=0)
    y = jnp.take(pos_y_emb, latents[:, 5], axis=0)
    h = jnp.concatenate([s, sc, o, x, y], axis=1)
    h = h @ W1 + b1
    h = h * jax.nn.sigmoid(h)  # SiLU
    out = h @ W2 + b2
    return out

if __name__ == "__main__":
    import jax
    _d = setup_inputs()
    print(jax.jit(kernel)(*tuple(_d.values())))

</pallas_src>

<mosaic_0001>
#map = affine_map<(d0, d1) -> (0)>
#map1 = affine_map<(d0, d1) -> (0, 0)>
module attributes {stable_mosaic.version = 14 : i64} {
  func.func @_gather_body(%arg0: i32, %arg1: i32, %arg2: memref<98304xi32, #tpu.memory_space<hbm>>, %arg3: memref<720x128xf32, #tpu.memory_space<hbm>>, %arg4: memref<1024x128xf32, #tpu.memory_space<hbm>>, %arg5: memref<16384x128xf32, #tpu.memory_space<hbm>>, %arg6: memref<16384x128xf32, #tpu.memory_space<hbm>>, %arg7: memref<3072xi32, #tpu.memory_space<vmem>>, %arg8: memref<128xi32, #tpu.memory_space<vmem>>, %arg9: memref<128xi32, #tpu.memory_space<vmem>>, %arg10: memref<128xi32, #tpu.memory_space<vmem>>, %arg11: memref<128xi32, #tpu.memory_space<vmem>>, %arg12: memref<128x128xf32, #tpu.memory_space<vmem>>, %arg13: memref<128x128xf32, #tpu.memory_space<vmem>>, %arg14: memref<128x128xf32, #tpu.memory_space<vmem>>, %arg15: memref<128x128xf32, #tpu.memory_space<vmem>>, %arg16: memref<!tpu.dma_semaphore, #tpu.memory_space<semaphore_mem>>, %arg17: memref<!tpu.dma_semaphore, #tpu.memory_space<semaphore_mem>>, %arg18: memref<!tpu.dma_semaphore, #tpu.memory_space<semaphore_mem>>, %arg19: memref<!tpu.dma_semaphore, #tpu.memory_space<semaphore_mem>>) attributes {dimension_semantics = [#tpu.dimension_semantics<core_parallel>, #tpu.dimension_semantics<subcore_parallel>], iteration_bounds = array<i64: 2, 16>, scalar_prefetch = 0 : i64, scratch_operands = 13 : i64, tpu.core_type = #tpu.core_type<sc_vector_subcore>, window_params = [{transform_indices = #map}, {transform_indices = #map1}, {transform_indices = #map1}, {transform_indices = #map1}, {transform_indices = #map1}]} {
    %mul3A = arith.constant 2 : i32
    %mul3A_0 = arith.muli %arg1, %mul3A : i32
    %add3A = arith.addi %mul3A_0, %arg0 : i32
    %mul3A_1 = arith.constant 512 : i32
    %mul3A_2 = arith.muli %add3A, %mul3A_1 : i32
    %mul3A_3 = arith.constant 6 : i32
    %mul3A_4 = arith.muli %mul3A_2, %mul3A_3 : i32
    "tpu.region"() ({
      %run_scoped3A = tpu.sem_alloc : memref<!tpu.dma_semaphore, #tpu.memory_space<semaphore_mem>>
      %dma_start3A_1929 = tpu.memref_slice %arg2[%mul3A_4] : memref<98304xi32, #tpu.memory_space<hbm>> -> memref<3072xi32, #tpu.memory_space<hbm>>
      %dma_start3A_1930 = tpu.memref_slice %arg2[%mul3A_4] : memref<98304xi32, #tpu.memory_space<hbm>> -> memref<3072xi32, #tpu.memory_space<hbm>>
      tpu.enqueue_dma source(%dma_start3A_1930 : memref<3072xi32, #tpu.memory_space<hbm>>) target(%arg7 : memref<3072xi32, #tpu.memory_space<vmem>>) target_semaphore(%run_scoped3A : memref<!tpu.dma_semaphore, #tpu.memory_space<semaphore_mem>>)
      %dma_wait3A_1931 = tpu.memref_slice %arg2[%mul3A_4] : memref<98304xi32, #tpu.memory_space<hbm>> -> memref<3072xi32, #tpu.memory_space<hbm>>
      %dma_wait3A_1932 = tpu.memref_slice %arg2[%mul3A_4] : memref<98304xi32, #tpu.memory_space<hbm>> -> memref<3072xi32, #tpu.memory_space<hbm>>
      tpu.wait_dma2 semaphore(%run_scoped3A : memref<!tpu.dma_semaphore, #tpu.memory_space<semaphore_mem>>) src(%dma_wait3A_1932 : memref<3072xi32, #tpu.memory_space<hbm>>) dst(%arg7 : memref<3072xi32, #tpu.memory_space<vmem>>)
      tpu.yield
    }) : () -> ()
    %iota3A = tpu.iota {dimensions = array<i32: 0>} : vector<16xi32>
    %add3A_5 = arith.constant 0 : i32
    %add3A_6 = vector.broadcast %add3A_5 : i32 to vector<16xi32>
    %add3A_7 = arith.addi %add3A_6, %iota3A : vector<16xi32>
    %mul3A_8 = arith.constant 6 : i32
    %mul3A_9 = vector.broadcast %mul3A_8 : i32 to vector<16xi32>
    %mul3A_10 = arith.muli %add3A_7, %mul3A_9 : vector<16xi32>
    %add3A_11 = arith.constant 1 : i32
    %add3A_12 = vector.broadcast %add3A_11 : i32 to vector<16xi32>
    %add3A_13 = arith.addi %mul3A_10, %add3A_12 : vector<16xi32>
    %gather3A = tpu.vector_load_idx %arg7[%add3A_13] : memref<3072xi32, #tpu.memory_space<vmem>>[vector<16xi32>], vector<16xi32>,
    %add3A_14 = arith.constant 2 : i32
    %add3A_15 = vector.broadcast %add3A_14 : i32 to vector<16xi32>
    %add3A_16 = arith.addi %mul3A_10, %add3A_15 : vector<16xi32>
    %gather3A_17 = tpu.vector_load_idx %arg7[%add3A_16] : memref<3072xi32, #tpu.memory_space<vmem>>[vector<16xi32>], vector<16xi32>,
    %add3A_18 = arith.constant 3 : i32
    %add3A_19 = vector.broadcast %add3A_18 : i32 to vector<16xi32>
    %add3A_20 = arith.addi %mul3A_10, %add3A_19 : vector<16xi32>
    %gather3A_21 = tpu.vector_load_idx %arg7[%add3A_20] : memref<3072xi32, #tpu.memory_space<vmem>>[vector<16xi32>], vector<16xi32>,
    %add3A_22 = arith.constant 4 : i32
    %add3A_23 = vector.broadcast %add3A_22 : i32 to vector<16xi32>
    %add3A_24 = arith.addi %mul3A_10, %add3A_23 : vector<16xi32>
    %gather3A_25 = tpu.vector_load_idx %arg7[%add3A_24] : memref<3072xi32, #tpu.memory_space<vmem>>[vector<16xi32>], vector<16xi32>,
    %add3A_26 = arith.constant 5 : i32
    %add3A_27 = vector.broadcast %add3A_26 : i32 to vector<16xi32>
    %add3A_28 = arith.addi %mul3A_10, %add3A_27 : vector<16xi32>
    %gather3A_29 = tpu.vector_load_idx %arg7[%add3A_28] : memref<3072xi32, #tpu.memory_space<vmem>>[vector<16xi32>], vector<16xi32>,
    %mul3A_30 = arith.constant 18 : i32
    %mul3A_31 = vector.broadcast %mul3A_30 : i32 to vector<16xi32>
    %mul3A_32 = arith.muli %gather3A_21, %mul3A_31 : vector<16xi32>
    %mul3A_33 = arith.constant 6 : i32
    %mul3A_34 = vector.broadcast %mul3A_33 : i32 to vector<16xi32>
    %mul3A_35 = arith.muli %gather3A, %mul3A_34 : vector<16xi32>
    %add3A_36 = arith.addi %mul3A_32, %mul3A_35 : vector<16xi32>
    %add3A_37 = arith.addi %add3A_36, %gather3A_17 : vector<16xi32>
    %swap3A = arith.constant 0 : index
    %swap3A_38 = tpu.vector_load %arg8[%swap3A] {strides = array<i32>} : memref<128xi32, #tpu.memory_space<vmem>>, vector<16xi32>,
    tpu.vector_store %arg8[%swap3A], %add3A_37 {strides = array<i32>} : memref<128xi32, #tpu.memory_space<vmem>>, vector<16xi32>,
    %mul3A_39 = arith.constant 32 : i32
    %mul3A_40 = vector.broadcast %mul3A_39 : i32 to vector<16xi32>
    %mul3A_41 = arith.muli %gather3A_25, %mul3A_40 : vector<16xi32>
    %add3A_42 = arith.addi %mul3A_41, %gather3A_29 : vector<16xi32>
    %swap3A_43 = arith.constant 0 : index
    %swap3A_44 = tpu.vector_load %arg9[%swap3A_43] {strides = array<i32>} : memref<128xi32, #tpu.memory_space<vmem>>, vector<16xi32>,
    tpu.vector_store %arg9[%swap3A_43], %add3A_42 {strides = array<i32>} : memref<128xi32, #tpu.memory_space<vmem>>, vector<16xi32>,
    %add3A_45 = arith.constant 16 : i32
    %add3A_46 = vector.broadcast %add3A_45 : i32 to vector<16xi32>
    %add3A_47 = arith.addi %add3A_46, %iota3A : vector<16xi32>
    %mul3A_48 = arith.constant 6 : i32
    %mul3A_49 = vector.broadcast %mul3A_48 : i32 to vector<16xi32>
    %mul3A_50 = arith.muli %add3A_47, %mul3A_49 : vector<16xi32>
    %add3A_51 = arith.constant 1 : i32
    %add3A_52 = vector.broadcast %add3A_51 : i32 to vector<16xi32>
    %add3A_53 = arith.addi %mul3A_50, %add3A_52 : vector<16xi32>
    %gather3A_54 = tpu.vector_load_idx %arg7[%add3A_53] : memref<3072xi32, #tpu.memory_space<vmem>>[vector<16xi32>], vector<16xi32>,
    %add3A_55 = arith.constant 2 : i32
    %add3A_56 = vector.broadcast %add3A_55 : i32 to vector<16xi32>
    %add3A_57 = arith.addi %mul3A_50, %add3A_56 : vector<16xi32>
    %gather3A_58 = tpu.vector_load_idx %arg7[%add3A_57] : memref<3072xi32, #tpu.memory_space<vmem>>[vector<16xi32>], vector<16xi32>,
    %add3A_59 = arith.constant 3 : i32
    %add3A_60 = vector.broadcast %add3A_59 : i32 to vector<16xi32>
    %add3A_61 = arith.addi %mul3A_50, %add3A_60 : vector<16xi32>
    %gather3A_62 = tpu.vector_load_idx %arg7[%add3A_61] : memref<3072xi32, #tpu.memory_space<vmem>>[vector<16xi32>], vector<16xi32>,
    %add3A_63 = arith.constant 4 : i32
    %add3A_64 = vector.broadcast %add3A_63 : i32 to vector<16xi32>
    %add3A_65 = arith.addi %mul3A_50, %add3A_64 : vector<16xi32>
    %gather3A_66 = tpu.vector_load_idx %arg7[%add3A_65] : memref<3072xi32, #tpu.memory_space<vmem>>[vector<16xi32>], vector<16xi32>,
    %add3A_67 = arith.constant 5 : i32
    %add3A_68 = vector.broadcast %add3A_67 : i32 to vector<16xi32>
    %add3A_69 = arith.addi %mul3A_50, %add3A_68 : vector<16xi32>
    %gather3A_70 = tpu.vector_load_idx %arg7[%add3A_69] : memref<3072xi32, #tpu.memory_space<vmem>>[vector<16xi32>], vector<16xi32>,
    %mul3A_71 = arith.constant 18 : i32
    %mul3A_72 = vector.broadcast %mul3A_71 : i32 to vector<16xi32>
    %mul3A_73 = arith.muli %gather3A_62, %mul3A_72 : vector<16xi32>
    %mul3A_74 = arith.constant 6 : i32
    %mul3A_75 = vector.broadcast %mul3A_74 : i32 to vector<16xi32>
    %mul3A_76 = arith.muli %gather3A_54, %mul3A_75 : vector<16xi32>
    %add3A_77 = arith.addi %mul3A_73, %mul3A_76 : vector<16xi32>
    %add3A_78 = arith.addi %add3A_77, %gather3A_58 : vector<16xi32>
    %swap3A_79 = arith.constant 16 : index
    %swap3A_80 = tpu.vector_load %arg8[%swap3A_79] {strides = array<i32>} : memref<128xi32, #tpu.memory_space<vmem>>, vector<16xi32>,
    tpu.vector_store %arg8[%swap3A_79], %add3A_78 {strides = array<i32>} : memref<128xi32, #tpu.memory_space<vmem>>, vector<16xi32>,
    %mul3A_81 = arith.constant 32 : i32
    %mul3A_82 = vector.broadcast %mul3A_81 : i32 to vector<16xi32>
    %mul3A_83 = arith.muli %gather3A_66, %mul3A_82 : vector<16xi32>
    %add3A_84 = arith.addi %mul3A_83, %gather3A_70 : vector<16xi32>
    %swap3A_85 = arith.constant 16 : index
    %swap3A_86 = tpu.vector_load %arg9[%swap3A_85] {strides = array<i32>} : memref<128xi32, #tpu.memory_space<vmem>>, vector<16xi32>,
    tpu.vector_store %arg9[%swap3A_85], %add3A_84 {strides = array<i32>} : memref<128xi32, #tpu.memory_space<vmem>>, vector<16xi32>,
    %add3A_87 = arith.constant 32 : i32
    %add3A_88 = vector.broadcast %add3A_87 : i32 to vector<16xi32>
    %add3A_89 = arith.addi %add3A_88, %iota3A : vector<16xi32>
    %mul3A_90 = arith.constant 6 : i32
    %mul3A_91 = vector.broadcast %mul3A_90 : i32 to vector<16xi32>
    %mul3A_92 = arith.muli %add3A_89, %mul3A_91 : vector<16xi32>
    %add3A_93 = arith.constant 1 : i32
    %add3A_94 = vector.broadcast %add3A_93 : i32 to vector<16xi32>
    %add3A_95 = arith.addi %mul3A_92, %add3A_94 : vector<16xi32>
    %gather3A_96 = tpu.vector_load_idx %arg7[%add3A_95] : memref<3072xi32, #tpu.memory_space<vmem>>[vector<16xi32>], vector<16xi32>,
    %add3A_97 = arith.constant 2 : i32
    %add3A_98 = vector.broadcast %add3A_97 : i32 to vector<16xi32>
    %add3A_99 = arith.addi %mul3A_92, %add3A_98 : vector<16xi32>
    %gather3A_100 = tpu.vector_load_idx %arg7[%add3A_99] : memref<3072xi32, #tpu.memory_space<vmem>>[vector<16xi32>], vector<16xi32>,
    %add3A_101 = arith.constant 3 : i32
    %add3A_102 = vector.broadcast %add3A_101 : i32 to vector<16xi32>
    %add3A_103 = arith.addi %mul3A_92, %add3A_102 : vector<16xi32>
    %gather3A_104 = tpu.vector_load_idx %arg7[%add3A_103] : memref<3072xi32, #tpu.memory_space<vmem>>[vector<16xi32>], vector<16xi32>,
    %add3A_105 = arith.constant 4 : i32
    %add3A_106 = vector.broadcast %add3A_105 : i32 to vector<16xi32>
    %add3A_107 = arith.addi %mul3A_92, %add3A_106 : vector<16xi32>
    %gather3A_108 = tpu.vector_load_idx %arg7[%add3A_107] : memref<3072xi32, #tpu.memory_space<vmem>>[vector<16xi32>], vector<16xi32>,
    %add3A_109 = arith.constant 5 : i32
    %add3A_110 = vector.broadcast %add3A_109 : i32 to vector<16xi32>
    %add3A_111 = arith.addi %mul3A_92, %add3A_110 : vector<16xi32>
    %gather3A_112 = tpu.vector_load_idx %arg7[%add3A_111] : memref<3072xi32, #tpu.memory_space<vmem>>[vector<16xi32>], vector<16xi32>,
    %mul3A_113 = arith.constant 18 : i32
    %mul3A_114 = vector.broadcast %mul3A_113 : i32 to vector<16xi32>
    %mul3A_115 = arith.muli %gather3A_104, %mul3A_114 : vector<16xi32>
    %mul3A_116 = arith.constant 6 : i32
    %mul3A_117 = vector.broadcast %mul3A_116 : i32 to vector<16xi32>
    %mul3A_118 = arith.muli %gather3A_96, %mul3A_117 : vector<16xi32>
    %add3A_119 = arith.addi %mul3A_115, %mul3A_118 : vector<16xi32>
    %add3A_120 = arith.addi %add3A_119, %gather3A_100 : vector<16xi32>
    %swap3A_121 = arith.constant 32 : index
    %swap3A_122 = tpu.vector_load %arg8[%swap3A_121] {strides = array<i32>} : memref<128xi32, #tpu.memory_space<vmem>>, vector<16xi32>,
    tpu.vector_store %arg8[%swap3A_121], %add3A_120 {strides = array<i32>} : memref<128xi32, #tpu.memory_space<vmem>>, vector<16xi32>,
    %mul3A_123 = arith.constant 32 : i32
    %mul3A_124 = vector.broadcast %mul3A_123 : i32 to vector<16xi32>
    %mul3A_125 = arith.muli %gather3A_108, %mul3A_124 : vector<16xi32>
    %add3A_126 = arith.addi %mul3A_125, %gather3A_112 : vector<16xi32>
    %swap3A_127 = arith.constant 32 : index
    %swap3A_128 = tpu.vector_load %arg9[%swap3A_127] {strides = array<i32>} : memref<128xi32, #tpu.memory_space<vmem>>, vector<16xi32>,
    tpu.vector_store %arg9[%swap3A_127], %add3A_126 {strides = array<i32>} : memref<128xi32, #tpu.memory_space<vmem>>, vector<16xi32>,
    %add3A_129 = arith.constant 48 : i32
    %add3A_130 = vector.broadcast %add3A_129 : i32 to vector<16xi32>
    %add3A_131 = arith.addi %add3A_130, %iota3A : vector<16xi32>
    %mul3A_132 = arith.constant 6 : i32
    %mul3A_133 = vector.broadcast %mul3A_132 : i32 to vector<16xi32>
    %mul3A_134 = arith.muli %add3A_131, %mul3A_133 : vector<16xi32>
    %add3A_135 = arith.constant 1 : i32
    %add3A_136 = vector.broadcast %add3A_135 : i32 to vector<16xi32>
    %add3A_137 = arith.addi %mul3A_134, %add3A_136 : vector<16xi32>
    %gather3A_138 = tpu.vector_load_idx %arg7[%add3A_137] : memref<3072xi32, #tpu.memory_space<vmem>>[vector<16xi32>], vector<16xi32>,
    %add3A_139 = arith.constant 2 : i32
    %add3A_140 = vector.broadcast %add3A_139 : i32 to vector<16xi32>
    %add3A_141 = arith.addi %mul3A_134, %add3A_140 : vector<16xi32>
    %gather3A_142 = tpu.vector_load_idx %arg7[%add3A_141] : memref<3072xi32, #tpu.memory_space<vmem>>[vector<16xi32>], vector<16xi32>,
    %add3A_143 = arith.constant 3 : i32
    %add3A_144 = vector.broadcast %add3A_143 : i32 to vector<16xi32>
    %add3A_145 = arith.addi %mul3A_134, %add3A_144 : vector<16xi32>
    %gather3A_146 = tpu.vector_load_idx %arg7[%add3A_145] : memref<3072xi32, #tpu.memory_space<vmem>>[vector<16xi32>], vector<16xi32>,
    %add3A_147 = arith.constant 4 : i32
    %add3A_148 = vector.broadcast %add3A_147 : i32 to vector<16xi32>
    %add3A_149 = arith.addi %mul3A_134, %add3A_148 : vector<16xi32>
    %gather3A_150 = tpu.vector_load_idx %arg7[%add3A_149] : memref<3072xi32, #tpu.memory_space<vmem>>[vector<16xi32>], vector<16xi32>,
    %add3A_151 = arith.constant 5 : i32
    %add3A_152 = vector.broadcast %add3A_151 : i32 to vector<16xi32>
    %add3A_153 = arith.addi %mul3A_134, %add3A_152 : vector<16xi32>
    %gather3A_154 = tpu.vector_load_idx %arg7[%add3A_153] : memref<3072xi32, #tpu.memory_space<vmem>>[vector<16xi32>], vector<16xi32>,
    %mul3A_155 = arith.constant 18 : i32
    %mul3A_156 = vector.broadcast %mul3A_155 : i32 to vector<16xi32>
    %mul3A_157 = arith.muli %gather3A_146, %mul3A_156 : vector<16xi32>
    %mul3A_158 = arith.constant 6 : i32
    %mul3A_159 = vector.broadcast %mul3A_158 : i32 to vector<16xi32>
    %mul3A_160 = arith.muli %gather3A_138, %mul3A_159 : vector<16xi32>
    %add3A_161 = arith.addi %mul3A_157, %mul3A_160 : vector<16xi32>
    %add3A_162 = arith.addi %add3A_161, %gather3A_142 : vector<16xi32>
    %swap3A_163 = arith.constant 48 : index
    %swap3A_164 = tpu.vector_load %arg8[%swap3A_163] {strides = array<i32>} : memref<128xi32, #tpu.memory_space<vmem>>, vector<16xi32>,
    tpu.vector_store %arg8[%swap3A_163], %add3A_162 {strides = array<i32>} : memref<128xi32, #tpu.memory_space<vmem>>, vector<16xi32>,
    %mul3A_165 = arith.constant 32 : i32
    %mul3A_166 = vector.broadcast %mul3A_165 : i32 to vector<16xi32>
    %mul3A_167 = arith.muli %gather3A_150, %mul3A_166 : vector<16xi32>
    %add3A_168 = arith.addi %mul3A_167, %gather3A_154 : vector<16xi32>
    %swap3A_169 = arith.constant 48 : index
    %swap3A_170 = tpu.vector_load %arg9[%swap3A_169] {strides = array<i32>} : memref<128xi32, #tpu.memory_space<vmem>>, vector<16xi32>,
    tpu.vector_store %arg9[%swap3A_169], %add3A_168 {strides = array<i32>} : memref<128xi32, #tpu.memory_space<vmem>>, vector<16xi32>,
    %add3A_171 = arith.constant 64 : i32
    %add3A_172 = vector.broadcast %add3A_171 : i32 to vector<16xi32>
    %add3A_173 = arith.addi %add3A_172, %iota3A : vector<16xi32>
    %mul3A_174 = arith.constant 6 : i32
    %mul3A_175 = vector.broadcast %mul3A_174 : i32 to vector<16xi32>
    %mul3A_176 = arith.muli %add3A_173, %mul3A_175 : vector<16xi32>
    %add3A_177 = arith.constant 1 : i32
    %add3A_178 = vector.broadcast %add3A_177 : i32 to vector<16xi32>
    %add3A_179 = arith.addi %mul3A_176, %add3A_178 : vector<16xi32>
    %gather3A_180 = tpu.vector_load_idx %arg7[%add3A_179] : memref<3072xi32, #tpu.memory_space<vmem>>[vector<16xi32>], vector<16xi32>,
    %add3A_181 = arith.constant 2 : i32
    %add3A_182 = vector.broadcast %add3A_181 : i32 to vector<16xi32>
    %add3A_183 = arith.addi %mul3A_176, %add3A_182 : vector<16xi32>
    %gather3A_184 = tpu.vector_load_idx %arg7[%add3A_183] : memref<3072xi32, #tpu.memory_space<vmem>>[vector<16xi32>], vector<16xi32>,
    %add3A_185 = arith.constant 3 : i32
    %add3A_186 = vector.broadcast %add3A_185 : i32 to vector<16xi32>
    %add3A_187 = arith.addi %mul3A_176, %add3A_186 : vector<16xi32>
    %gather3A_188 = tpu.vector_load_idx %arg7[%add3A_187] : memref<3072xi32, #tpu.memory_space<vmem>>[vector<16xi32>], vector<16xi32>,
    %add3A_189 = arith.constant 4 : i32
    %add3A_190 = vector.broadcast %add3A_189 : i32 to vector<16xi32>
    %add3A_191 = arith.addi %mul3A_176, %add3A_190 : vector<16xi32>
    %gather3A_192 = tpu.vector_load_idx %arg7[%add3A_191] : memref<3072xi32, #tpu.memory_space<vmem>>[vector<16xi32>], vector<16xi32>,
    %add3A_193 = arith.constant 5 : i32
    %add3A_194 = vector.broadcast %add3A_193 : i32 to vector<16xi32>
    %add3A_195 = arith.addi %mul3A_176, %add3A_194 : vector<16xi32>
    %gather3A_196 = tpu.vector_load_idx %arg7[%add3A_195] : memref<3072xi32, #tpu.memory_space<vmem>>[vector<16xi32>], vector<16xi32>,
    %mul3A_197 = arith.constant 18 : i32
    %mul3A_198 = vector.broadcast %mul3A_197 : i32 to vector<16xi32>
    %mul3A_199 = arith.muli %gather3A_188, %mul3A_198 : vector<16xi32>
    %mul3A_200 = arith.constant 6 : i32
    %mul3A_201 = vector.broadcast %mul3A_200 : i32 to vector<16xi32>
    %mul3A_202 = arith.muli %gather3A_180, %mul3A_201 : vector<16xi32>
    %add3A_203 = arith.addi %mul3A_199, %mul3A_202 : vector<16xi32>
    %add3A_204 = arith.addi %add3A_203, %gather3A_184 : vector<16xi32>
    %swap3A_205 = arith.constant 64 : index
    %swap3A_206 = tpu.vector_load %arg8[%swap3A_205] {strides = array<i32>} : memref<128xi32, #tpu.memory_space<vmem>>, vector<16xi32>,
    tpu.vector_store %arg8[%swap3A_205], %add3A_204 {strides = array<i32>} : memref<128xi32, #tpu.memory_space<vmem>>, vector<16xi32>,
    %mul3A_207 = arith.constant 32 : i32
    %mul3A_208 = vector.broadcast %mul3A_207 : i32 to vector<16xi32>
    %mul3A_209 = arith.muli %gather3A_192, %mul3A_208 : vector<16xi32>
    %add3A_210 = arith.addi %mul3A_209, %gather3A_196 : vector<16xi32>
    %swap3A_211 = arith.constant 64 : index
    %swap3A_212 = tpu.vector_load %arg9[%swap3A_211] {strides = array<i32>} : memref<128xi32, #tpu.memory_space<vmem>>, vector<16xi32>,
    tpu.vector_store %arg9[%swap3A_211], %add3A_210 {strides = array<i32>} : memref<128xi32, #tpu.memory_space<vmem>>, vector<16xi32>,
    %add3A_213 = arith.constant 80 : i32
    %add3A_214 = vector.broadcast %add3A_213 : i32 to vector<16xi32>
    %add3A_215 = arith.addi %add3A_214, %iota3A : vector<16xi32>
    %mul3A_216 = arith.constant 6 : i32
    %mul3A_217 = vector.broadcast %mul3A_216 : i32 to vector<16xi32>
    %mul3A_218 = arith.muli %add3A_215, %mul3A_217 : vector<16xi32>
    %add3A_219 = arith.constant 1 : i32
    %add3A_220 = vector.broadcast %add3A_219 : i32 to vector<16xi32>
    %add3A_221 = arith.addi %mul3A_218, %add3A_220 : vector<16xi32>
    %gather3A_222 = tpu.vector_load_idx %arg7[%add3A_221] : memref<3072xi32, #tpu.memory_space<vmem>>[vector<16xi32>], vector<16xi32>,
    %add3A_223 = arith.constant 2 : i32
    %add3A_224 = vector.broadcast %add3A_223 : i32 to vector<16xi32>
    %add3A_225 = arith.addi %mul3A_218, %add3A_224 : vector<16xi32>
    %gather3A_226 = tpu.vector_load_idx %arg7[%add3A_225] : memref<3072xi32, #tpu.memory_space<vmem>>[vector<16xi32>], vector<16xi32>,
    %add3A_227 = arith.constant 3 : i32
    %add3A_228 = vector.broadcast %add3A_227 : i32 to vector<16xi32>
    %add3A_229 = arith.addi %mul3A_218, %add3A_228 : vector<16xi32>
    %gather3A_230 = tpu.vector_load_idx %arg7[%add3A_229] : memref<3072xi32, #tpu.memory_space<vmem>>[vector<16xi32>], vector<16xi32>,
    %add3A_231 = arith.constant 4 : i32
    %add3A_232 = vector.broadcast %add3A_231 : i32 to vector<16xi32>
    %add3A_233 = arith.addi %mul3A_218, %add3A_232 : vector<16xi32>
    %gather3A_234 = tpu.vector_load_idx %arg7[%add3A_233] : memref<3072xi32, #tpu.memory_space<vmem>>[vector<16xi32>], vector<16xi32>,
    %add3A_235 = arith.constant 5 : i32
    %add3A_236 = vector.broadcast %add3A_235 : i32 to vector<16xi32>
    %add3A_237 = arith.addi %mul3A_218, %add3A_236 : vector<16xi32>
    %gather3A_238 = tpu.vector_load_idx %arg7[%add3A_237] : memref<3072xi32, #tpu.memory_space<vmem>>[vector<16xi32>], vector<16xi32>,
    %mul3A_239 = arith.constant 18 : i32
    %mul3A_240 = vector.broadcast %mul3A_239 : i32 to vector<16xi32>
    %mul3A_241 = arith.muli %gather3A_230, %mul3A_240 : vector<16xi32>
    %mul3A_242 = arith.constant 6 : i32
    %mul3A_243 = vector.broadcast %mul3A_242 : i32 to vector<16xi32>
    %mul3A_244 = arith.muli %gather3A_222, %mul3A_243 : vector<16xi32>
    %add3A_245 = arith.addi %mul3A_241, %mul3A_244 : vector<16xi32>
    %add3A_246 = arith.addi %add3A_245, %gather3A_226 : vector<16xi32>
    %swap3A_247 = arith.constant 80 : index
    %swap3A_248 = tpu.vector_load %arg8[%swap3A_247] {strides = array<i32>} : memref<128xi32, #tpu.memory_space<vmem>>, vector<16xi32>,
    tpu.vector_store %arg8[%swap3A_247], %add3A_246 {strides = array<i32>} : memref<128xi32, #tpu.memory_space<vmem>>, vector<16xi32>,
    %mul3A_249 = arith.constant 32 : i32
    %mul3A_250 = vector.broadcast %mul3A_249 : i32 to vector<16xi32>
    %mul3A_251 = arith.muli %gather3A_234, %mul3A_250 : vector<16xi32>
    %add3A_252 = arith.addi %mul3A_251, %gather3A_238 : vector<16xi32>
    %swap3A_253 = arith.constant 80 : index
    %swap3A_254 = tpu.vector_load %arg9[%swap3A_253] {strides = array<i32>} : memref<128xi32, #tpu.memory_space<vmem>>, vector<16xi32>,
    tpu.vector_store %arg9[%swap3A_253], %add3A_252 {strides = array<i32>} : memref<128xi32, #tpu.memory_space<vmem>>, vector<16xi32>,
    %add3A_255 = arith.constant 96 : i32
    %add3A_256 = vector.broadcast %add3A_255 : i32 to vector<16xi32>
    %add3A_257 = arith.addi %add3A_256, %iota3A : vector<16xi32>
    %mul3A_258 = arith.constant 6 : i32
    %mul3A_259 = vector.broadcast %mul3A_258 : i32 to vector<16xi32>
    %mul3A_260 = arith.muli %add3A_257, %mul3A_259 : vector<16xi32>
    %add3A_261 = arith.constant 1 : i32
    %add3A_262 = vector.broadcast %add3A_261 : i32 to vector<16xi32>
    %add3A_263 = arith.addi %mul3A_260, %add3A_262 : vector<16xi32>
    %gather3A_264 = tpu.vector_load_idx %arg7[%add3A_263] : memref<3072xi32, #tpu.memory_space<vmem>>[vector<16xi32>], vector<16xi32>,
    %add3A_265 = arith.constant 2 : i32
    %add3A_266 = vector.broadcast %add3A_265 : i32 to vector<16xi32>
    %add3A_267 = arith.addi %mul3A_260, %add3A_266 : vector<16xi32>
    %gather3A_268 = tpu.vector_load_idx %arg7[%add3A_267] : memref<3072xi32, #tpu.memory_space<vmem>>[vector<16xi32>], vector<16xi32>,
    %add3A_269 = arith.constant 3 : i32
    %add3A_270 = vector.broadcast %add3A_269 : i32 to vector<16xi32>
    %add3A_271 = arith.addi %mul3A_260, %add3A_270 : vector<16xi32>
    %gather3A_272 = tpu.vector_load_idx %arg7[%add3A_271] : memref<3072xi32, #tpu.memory_space<vmem>>[vector<16xi32>], vector<16xi32>,
    %add3A_273 = arith.constant 4 : i32
    %add3A_274 = vector.broadcast %add3A_273 : i32 to vector<16xi32>
    %add3A_275 = arith.addi %mul3A_260, %add3A_274 : vector<16xi32>
    %gather3A_276 = tpu.vector_load_idx %arg7[%add3A_275] : memref<3072xi32, #tpu.memory_space<vmem>>[vector<16xi32>], vector<16xi32>,
    %add3A_277 = arith.constant 5 : i32
    %add3A_278 = vector.broadcast %add3A_277 : i32 to vector<16xi32>
    %add3A_279 = arith.addi %mul3A_260, %add3A_278 : vector<16xi32>
    %gather3A_280 = tpu.vector_load_idx %arg7[%add3A_279] : memref<3072xi32, #tpu.memory_space<vmem>>[vector<16xi32>], vector<16xi32>,
    %mul3A_281 = arith.constant 18 : i32
    %mul3A_282 = vector.broadcast %mul3A_281 : i32 to vector<16xi32>
    %mul3A_283 = arith.muli %gather3A_272, %mul3A_282 : vector<16xi32>
    %mul3A_284 = arith.constant 6 : i32
    %mul3A_285 = vector.broadcast %mul3A_284 : i32 to vector<16xi32>
    %mul3A_286 = arith.muli %gather3A_264, %mul3A_285 : vector<16xi32>
    %add3A_287 = arith.addi %mul3A_283, %mul3A_286 : vector<16xi32>
    %add3A_288 = arith.addi %add3A_287, %gather3A_268 : vector<16xi32>
    %swap3A_289 = arith.constant 96 : index
    %swap3A_290 = tpu.vector_load %arg8[%swap3A_289] {strides = array<i32>} : memref<128xi32, #tpu.memory_space<vmem>>, vector<16xi32>,
    tpu.vector_store %arg8[%swap3A_289], %add3A_288 {strides = array<i32>} : memref<128xi32, #tpu.memory_space<vmem>>, vector<16xi32>,
    %mul3A_291 = arith.constant 32 : i32
    %mul3A_292 = vector.broadcast %mul3A_291 : i32 to vector<16xi32>
    %mul3A_293 = arith.muli %gather3A_276, %mul3A_292 : vector<16xi32>
    %add3A_294 = arith.addi %mul3A_293, %gather3A_280 : vector<16xi32>
    %swap3A_295 = arith.constant 96 : index
    %swap3A_296 = tpu.vector_load %arg9[%swap3A_295] {strides = array<i32>} : memref<128xi32, #tpu.memory_space<vmem>>, vector<16xi32>,
    tpu.vector_store %arg9[%swap3A_295], %add3A_294 {strides = array<i32>} : memref<128xi32, #tpu.memory_space<vmem>>, vector<16xi32>,
    %add3A_297 = arith.constant 112 : i32
    %add3A_298 = vector.broadcast %add3A_297 : i32 to vector<16xi32>
    %add3A_299 = arith.addi %add3A_298, %iota3A : vector<16xi32>
    %mul3A_300 = arith.constant 6 : i32
    %mul3A_301 = vector.broadcast %mul3A_300 : i32 to vector<16xi32>
    %mul3A_302 = arith.muli %add3A_299, %mul3A_301 : vector<16xi32>
    %add3A_303 = arith.constant 1 : i32
    %add3A_304 = vector.broadcast %add3A_303 : i32 to vector<16xi32>
    %add3A_305 = arith.addi %mul3A_302, %add3A_304 : vector<16xi32>
    %gather3A_306 = tpu.vector_load_idx %arg7[%add3A_305] : memref<3072xi32, #tpu.memory_space<vmem>>[vector<16xi32>], vector<16xi32>,
    %add3A_307 = arith.constant 2 : i32
    %add3A_308 = vector.broadcast %add3A_307 : i32 to vector<16xi32>
    %add3A_309 = arith.addi %mul3A_302, %add3A_308 : vector<16xi32>
    %gather3A_310 = tpu.vector_load_idx %arg7[%add3A_309] : memref<3072xi32, #tpu.memory_space<vmem>>[vector<16xi32>], vector<16xi32>,
    %add3A_311 = arith.constant 3 : i32
    %add3A_312 = vector.broadcast %add3A_311 : i32 to vector<16xi32>
    %add3A_313 = arith.addi %mul3A_302, %add3A_312 : vector<16xi32>
    %gather3A_314 = tpu.vector_load_idx %arg7[%add3A_313] : memref<3072xi32, #tpu.memory_space<vmem>>[vector<16xi32>], vector<16xi32>,
    %add3A_315 = arith.constant 4 : i32
    %add3A_316 = vector.broadcast %add3A_315 : i32 to vector<16xi32>
    %add3A_317 = arith.addi %mul3A_302, %add3A_316 : vector<16xi32>
    %gather3A_318 = tpu.vector_load_idx %arg7[%add3A_317] : memref<3072xi32, #tpu.memory_space<vmem>>[vector<16xi32>], vector<16xi32>,
    %add3A_319 = arith.constant 5 : i32
    %add3A_320 = vector.broadcast %add3A_319 : i32 to vector<16xi32>
    %add3A_321 = arith.addi %mul3A_302, %add3A_320 : vector<16xi32>
    %gather3A_322 = tpu.vector_load_idx %arg7[%add3A_321] : memref<3072xi32, #tpu.memory_space<vmem>>[vector<16xi32>], vector<16xi32>,
    %mul3A_323 = arith.constant 18 : i32
    %mul3A_324 = vector.broadcast %mul3A_323 : i32 to vector<16xi32>
    %mul3A_325 = arith.muli %gather3A_314, %mul3A_324 : vector<16xi32>
    %mul3A_326 = arith.constant 6 : i32
    %mul3A_327 = vector.broadcast %mul3A_326 : i32 to vector<16xi32>
    %mul3A_328 = arith.muli %gather3A_306, %mul3A_327 : vector<16xi32>
    %add3A_329 = arith.addi %mul3A_325, %mul3A_328 : vector<16xi32>
    %add3A_330 = arith.addi %add3A_329, %gather3A_310 : vector<16xi32>
    %swap3A_331 = arith.constant 112 : index
    %swap3A_332 = tpu.vector_load %arg8[%swap3A_331] {strides = array<i32>} : memref<128xi32, #tpu.memory_space<vmem>>, vector<16xi32>,
    tpu.vector_store %arg8[%swap3A_331], %add3A_330 {strides = array<i32>} : memref<128xi32, #tpu.memory_space<vmem>>, vector<16xi32>,
    %mul3A_333 = arith.constant 32 : i32
    %mul3A_334 = vector.broadcast %mul3A_333 : i32 to vector<16xi32>
    %mul3A_335 = arith.muli %gather3A_318, %mul3A_334 : vector<16xi32>
    %add3A_336 = arith.addi %mul3A_335, %gather3A_322 : vector<16xi32>
    %swap3A_337 = arith.constant 112 : index
    %swap3A_338 = tpu.vector_load %arg9[%swap3A_337] {strides = array<i32>} : memref<128xi32, #tpu.memory_space<vmem>>, vector<16xi32>,
    tpu.vector_store %arg9[%swap3A_337], %add3A_336 {strides = array<i32>} : memref<128xi32, #tpu.memory_space<vmem>>, vector<16xi32>,
    %dma_start3A = arith.constant 0 : i32
    %dma_start3A_339 = arith.constant 0 : i32
    %dma_start3A_340 = tpu.memref_slice %arg12[%dma_start3A, %dma_start3A_339] : memref<128x128xf32, #tpu.memory_space<vmem>> -> memref<32x128xf32, #tpu.memory_space<vmem>>
    %dma_start3A_341 = arith.constant 0 : i32
    %dma_start3A_342 = tpu.memref_slice %arg8[%dma_start3A_341] : memref<128xi32, #tpu.memory_space<vmem>> -> memref<32xi32, #tpu.memory_space<vmem>>
    %dma_start3A_343 = arith.constant 0 : i32
    %dma_start3A_344 = arith.constant 0 : i32
    %dma_start3A_345 = tpu.memref_slice %arg3[%dma_start3A_343, %dma_start3A_344] : memref<720x128xf32, #tpu.memory_space<hbm>> -> memref<720x128xf32, #tpu.memory_space<hbm>>
    tpu.enqueue_indirect_dma source(%dma_start3A_345 : memref<720x128xf32, #tpu.memory_space<hbm>>) target(%dma_start3A_340 : memref<32x128xf32, #tpu.memory_space<vmem>>) offsets(%dma_start3A_342 : memref<32xi32, #tpu.memory_space<vmem>>) semaphore(%arg16 : memref<!tpu.dma_semaphore, #tpu.memory_space<semaphore_mem>>)
    %dma_start3A_346 = arith.constant 32 : i32
    %dma_start3A_347 = arith.constant 0 : i32
    %dma_start3A_348 = tpu.memref_slice %arg12[%dma_start3A_346, %dma_start3A_347] : memref<128x128xf32, #tpu.memory_space<vmem>> -> memref<32x128xf32, #tpu.memory_space<vmem>>
    %dma_start3A_349 = arith.constant 32 : i32
    %dma_start3A_350 = tpu.memref_slice %arg8[%dma_start3A_349] : memref<128xi32, #tpu.memory_space<vmem>> -> memref<32xi32, #tpu.memory_space<vmem>>
    %dma_start3A_351 = arith.constant 0 : i32
    %dma_start3A_352 = arith.constant 0 : i32
    %dma_start3A_353 = tpu.memref_slice %arg3[%dma_start3A_351, %dma_start3A_352] : memref<720x128xf32, #tpu.memory_space<hbm>> -> memref<720x128xf32, #tpu.memory_space<hbm>>
    tpu.enqueue_indirect_dma source(%dma_start3A_353 : memref<720x128xf32, #tpu.memory_space<hbm>>) target(%dma_start3A_348 : memref<32x128xf32, #tpu.memory_space<vmem>>) offsets(%dma_start3A_350 : memref<32xi32, #tpu.memory_space<vmem>>) semaphore(%arg16 : memref<!tpu.dma_semaphore, #tpu.memory_space<semaphore_mem>>)
    %dma_start3A_354 = arith.constant 64 : i32
    %dma_start3A_355 = arith.constant 0 : i32
    %dma_start3A_356 = tpu.memref_slice %arg12[%dma_start3A_354, %dma_start3A_355] : memref<128x128xf32, #tpu.memory_space<vmem>> -> memref<32x128xf32, #tpu.memory_space<vmem>>
    %dma_start3A_357 = arith.constant 64 : i32
    %dma_start3A_358 = tpu.memref_slice %arg8[%dma_start3A_357] : memref<128xi32, #tpu.memory_space<vmem>> -> memref<32xi32, #tpu.memory_space<vmem>>
    %dma_start3A_359 = arith.constant 0 : i32
    %dma_start3A_360 = arith.constant 0 : i32
    %dma_start3A_361 = tpu.memref_slice %arg3[%dma_start3A_359, %dma_start3A_360] : memref<720x128xf32, #tpu.memory_space<hbm>> -> memref<720x128xf32, #tpu.memory_space<hbm>>
    tpu.enqueue_indirect_dma source(%dma_start3A_361 : memref<720x128xf32, #tpu.memory_space<hbm>>) target(%dma_start3A_356 : memref<32x128xf32, #tpu.memory_space<vmem>>) offsets(%dma_start3A_358 : memref<32xi32, #tpu.memory_space<vmem>>) semaphore(%arg16 : memref<!tpu.dma_semaphore, #tpu.memory_space<semaphore_mem>>)
    %dma_start3A_362 = arith.constant 96 : i32
    %dma_start3A_363 = arith.constant 0 : i32
    %dma_start3A_364 = tpu.memref_slice %arg12[%dma_start3A_362, %dma_start3A_363] : memref<128x128xf32, #tpu.memory_space<vmem>> -> memref<32x128xf32, #tpu.memory_space<vmem>>
    %dma_start3A_365 = arith.constant 96 : i32
    %dma_start3A_366 = tpu.memref_slice %arg8[%dma_start3A_365] : memref<128xi32, #tpu.memory_space<vmem>> -> memref<32xi32, #tpu.memory_space<vmem>>
    %dma_start3A_367 = arith.constant 0 : i32
    %dma_start3A_368 = arith.constant 0 : i32
    %dma_start3A_369 = tpu.memref_slice %arg3[%dma_start3A_367, %dma_start3A_368] : memref<720x128xf32, #tpu.memory_space<hbm>> -> memref<720x128xf32, #tpu.memory_space<hbm>>
    tpu.enqueue_indirect_dma source(%dma_start3A_369 : memref<720x128xf32, #tpu.memory_space<hbm>>) target(%dma_start3A_364 : memref<32x128xf32, #tpu.memory_space<vmem>>) offsets(%dma_start3A_366 : memref<32xi32, #tpu.memory_space<vmem>>) semaphore(%arg16 : memref<!tpu.dma_semaphore, #tpu.memory_space<semaphore_mem>>)
    %dma_start3A_370 = arith.constant 0 : i32
    %dma_start3A_371 = arith.constant 0 : i32
    %dma_start3A_372 = tpu.memref_slice %arg13[%dma_start3A_370, %dma_start3A_371] : memref<128x128xf32, #tpu.memory_space<vmem>> -> memref<32x128xf32, #tpu.memory_space<vmem>>
    %dma_start3A_373 = arith.constant 0 : i32
    %dma_start3A_374 = tpu.memref_slice %arg9[%dma_start3A_373] : memref<128xi32, #tpu.memory_space<vmem>> -> memref<32xi32, #tpu.memory_space<vmem>>
    %dma_start3A_375 = arith.constant 0 : i32
    %dma_start3A_376 = arith.constant 0 : i32
    %dma_start3A_377 = tpu.memref_slice %arg4[%dma_start3A_375, %dma_start3A_376] : memref<1024x128xf32, #tpu.memory_space<hbm>> -> memref<1024x128xf32, #tpu.memory_space<hbm>>
    tpu.enqueue_indirect_dma source(%dma_start3A_377 : memref<1024x128xf32, #tpu.memory_space<hbm>>) target(%dma_start3A_372 : memref<32x128xf32, #tpu.memory_space<vmem>>) offsets(%dma_start3A_374 : memref<32xi32, #tpu.memory_space<vmem>>) semaphore(%arg16 : memref<!tpu.dma_semaphore, #tpu.memory_space<semaphore_mem>>)
    %dma_start3A_378 = arith.constant 32 : i32
    %dma_start3A_379 = arith.constant 0 : i32
    %dma_start3A_380 = tpu.memref_slice %arg13[%dma_start3A_378, %dma_start3A_379] : memref<128x128xf32, #tpu.memory_space<vmem>> -> memref<32x128xf32, #tpu.memory_space<vmem>>
    %dma_start3A_381 = arith.constant 32 : i32
    %dma_start3A_382 = tpu.memref_slice %arg9[%dma_start3A_381] : memref<128xi32, #tpu.memory_space<vmem>> -> memref<32xi32, #tpu.memory_space<vmem>>
    %dma_start3A_383 = arith.constant 0 : i32
    %dma_start3A_384 = arith.constant 0 : i32
    %dma_start3A_385 = tpu.memref_slice %arg4[%dma_start3A_383, %dma_start3A_384] : memref<1024x128xf32, #tpu.memory_space<hbm>> -> memref<1024x128xf32, #tpu.memory_space<hbm>>
    tpu.enqueue_indirect_dma source(%dma_start3A_385 : memref<1024x128xf32, #tpu.memory_space<hbm>>) target(%dma_start3A_380 : memref<32x128xf32, #tpu.memory_space<vmem>>) offsets(%dma_start3A_382 : memref<32xi32, #tpu.memory_space<vmem>>) semaphore(%arg16 : memref<!tpu.dma_semaphore, #tpu.memory_space<semaphore_mem>>)
    %dma_start3A_386 = arith.constant 64 : i32
    %dma_start3A_387 = arith.constant 0 : i32
    %dma_start3A_388 = tpu.memref_slice %arg13[%dma_start3A_386, %dma_start3A_387] : memref<128x128xf32, #tpu.memory_space<vmem>> -> memref<32x128xf32, #tpu.memory_space<vmem>>
    %dma_start3A_389 = arith.constant 64 : i32
    %dma_start3A_390 = tpu.memref_slice %arg9[%dma_start3A_389] : memref<128xi32, #tpu.memory_space<vmem>> -> memref<32xi32, #tpu.memory_space<vmem>>
    %dma_start3A_391 = arith.constant 0 : i32
    %dma_start3A_392 = arith.constant 0 : i32
    %dma_start3A_393 = tpu.memref_slice %arg4[%dma_start3A_391, %dma_start3A_392] : memref<1024x128xf32, #tpu.memory_space<hbm>> -> memref<1024x128xf32, #tpu.memory_space<hbm>>
    tpu.enqueue_indirect_dma source(%dma_start3A_393 : memref<1024x128xf32, #tpu.memory_space<hbm>>) target(%dma_start3A_388 : memref<32x128xf32, #tpu.memory_space<vmem>>) offsets(%dma_start3A_390 : memref<32xi32, #tpu.memory_space<vmem>>) semaphore(%arg16 : memref<!tpu.dma_semaphore, #tpu.memory_space<semaphore_mem>>)
    %dma_start3A_394 = arith.constant 96 : i32
    %dma_start3A_395 = arith.constant 0 : i32
    %dma_start3A_396 = tpu.memref_slice %arg13[%dma_start3A_394, %dma_start3A_395] : memref<128x128xf32, #tpu.memory_space<vmem>> -> memref<32x128xf32, #tpu.memory_space<vmem>>
    %dma_start3A_397 = arith.constant 96 : i32
    %dma_start3A_398 = tpu.memref_slice %arg9[%dma_start3A_397] : memref<128xi32, #tpu.memory_space<vmem>> -> memref<32xi32, #tpu.memory_space<vmem>>
    %dma_start3A_399 = arith.constant 0 : i32
    %dma_start3A_400 = arith.constant 0 : i32
    %dma_start3A_401 = tpu.memref_slice %arg4[%dma_start3A_399, %dma_start3A_400] : memref<1024x128xf32, #tpu.memory_space<hbm>> -> memref<1024x128xf32, #tpu.memory_space<hbm>>
    tpu.enqueue_indirect_dma source(%dma_start3A_401 : memref<1024x128xf32, #tpu.memory_space<hbm>>) target(%dma_start3A_396 : memref<32x128xf32, #tpu.memory_space<vmem>>) offsets(%dma_start3A_398 : memref<32xi32, #tpu.memory_space<vmem>>) semaphore(%arg16 : memref<!tpu.dma_semaphore, #tpu.memory_space<semaphore_mem>>)
    %add3A_402 = arith.constant 128 : i32
    %add3A_403 = vector.broadcast %add3A_402 : i32 to vector<16xi32>
    %add3A_404 = arith.addi %add3A_403, %iota3A : vector<16xi32>
    %mul3A_405 = arith.constant 6 : i32
    %mul3A_406 = vector.broadcast %mul3A_405 : i32 to vector<16xi32>
    %mul3A_407 = arith.muli %add3A_404, %mul3A_406 : vector<16xi32>
    %add3A_408 = arith.constant 1 : i32
    %add3A_409 = vector.broadcast %add3A_408 : i32 to vector<16xi32>
    %add3A_410 = arith.addi %mul3A_407, %add3A_409 : vector<16xi32>
    %gather3A_411 = tpu.vector_load_idx %arg7[%add3A_410] : memref<3072xi32, #tpu.memory_space<vmem>>[vector<16xi32>], vector<16xi32>,
    %add3A_412 = arith.constant 2 : i32
    %add3A_413 = vector.broadcast %add3A_412 : i32 to vector<16xi32>
    %add3A_414 = arith.addi %mul3A_407, %add3A_413 : vector<16xi32>
    %gather3A_415 = tpu.vector_load_idx %arg7[%add3A_414] : memref<3072xi32, #tpu.memory_space<vmem>>[vector<16xi32>], vector<16xi32>,
    %add3A_416 = arith.constant 3 : i32
    %add3A_417 = vector.broadcast %add3A_416 : i32 to vector<16xi32>
    %add3A_418 = arith.addi %mul3A_407, %add3A_417 : vector<16xi32>
    %gather3A_419 = tpu.vector_load_idx %arg7[%add3A_418] : memref<3072xi32, #tpu.memory_space<vmem>>[vector<16xi32>], vector<16xi32>,
    %add3A_420 = arith.constant 4 : i32
    %add3A_421 = vector.broadcast %add3A_420 : i32 to vector<16xi32>
    %add3A_422 = arith.addi %mul3A_407, %add3A_421 : vector<16xi32>
    %gather3A_423 = tpu.vector_load_idx %arg7[%add3A_422] : memref<3072xi32, #tpu.memory_space<vmem>>[vector<16xi32>], vector<16xi32>,
    %add3A_424 = arith.constant 5 : i32
    %add3A_425 = vector.broadcast %add3A_424 : i32 to vector<16xi32>
    %add3A_426 = arith.addi %mul3A_407, %add3A_425 : vector<16xi32>
    %gather3A_427 = tpu.vector_load_idx %arg7[%add3A_426] : memref<3072xi32, #tpu.memory_space<vmem>>[vector<16xi32>], vector<16xi32>,
    %mul3A_428 = arith.constant 18 : i32
    %mul3A_429 = vector.broadcast %mul3A_428 : i32 to vector<16xi32>
    %mul3A_430 = arith.muli %gather3A_419, %mul3A_429 : vector<16xi32>
    %mul3A_431 = arith.constant 6 : i32
    %mul3A_432 = vector.broadcast %mul3A_431 : i32 to vector<16xi32>
    %mul3A_433 = arith.muli %gather3A_411, %mul3A_432 : vector<16xi32>
    %add3A_434 = arith.addi %mul3A_430, %mul3A_433 : vector<16xi32>
    %add3A_435 = arith.addi %add3A_434, %gather3A_415 : vector<16xi32>
    %swap3A_436 = arith.constant 0 : index
    %swap3A_437 = tpu.vector_load %arg10[%swap3A_436] {strides = array<i32>} : memref<128xi32, #tpu.memory_space<vmem>>, vector<16xi32>,
    tpu.vector_store %arg10[%swap3A_436], %add3A_435 {strides = array<i32>} : memref<128xi32, #tpu.memory_space<vmem>>, vector<16xi32>,
    %mul3A_438 = arith.constant 32 : i32
    %mul3A_439 = vector.broadcast %mul3A_438 : i32 to vector<16xi32>
    %mul3A_440 = arith.muli %gather3A_423, %mul3A_439 : vector<16xi32>
    %add3A_441 = arith.addi %mul3A_440, %gather3A_427 : vector<16xi32>
    %swap3A_442 = arith.constant 0 : index
    %swap3A_443 = tpu.vector_load %arg11[%swap3A_442] {strides = array<i32>} : memref<128xi32, #tpu.memory_space<vmem>>, vector<16xi32>,
    tpu.vector_store %arg11[%swap3A_442], %add3A_441 {strides = array<i32>} : memref<128xi32, #tpu.memory_space<vmem>>, vector<16xi32>,
    %add3A_444 = arith.constant 144 : i32
    %add3A_445 = vector.broadcast %add3A_444 : i32 to vector<16xi32>
    %add3A_446 = arith.addi %add3A_445, %iota3A : vector<16xi32>
    %mul3A_447 = arith.constant 6 : i32
    %mul3A_448 = vector.broadcast %mul3A_447 : i32 to vector<16xi32>
    %mul3A_449 = arith.muli %add3A_446, %mul3A_448 : vector<16xi32>
    %add3A_450 = arith.constant 1 : i32
    %add3A_451 = vector.broadcast %add3A_450 : i32 to vector<16xi32>
    %add3A_452 = arith.addi %mul3A_449, %add3A_451 : vector<16xi32>
    %gather3A_453 = tpu.vector_load_idx %arg7[%add3A_452] : memref<3072xi32, #tpu.memory_space<vmem>>[vector<16xi32>], vector<16xi32>,
    %add3A_454 = arith.constant 2 : i32
    %add3A_455 = vector.broadcast %add3A_454 : i32 to vector<16xi32>
    %add3A_456 = arith.addi %mul3A_449, %add3A_455 : vector<16xi32>
    %gather3A_457 = tpu.vector_load_idx %arg7[%add3A_456] : memref<3072xi32, #tpu.memory_space<vmem>>[vector<16xi32>], vector<16xi32>,
    %add3A_458 = arith.constant 3 : i32
    %add3A_459 = vector.broadcast %add3A_458 : i32 to vector<16xi32>
    %add3A_460 = arith.addi %mul3A_449, %add3A_459 : vector<16xi32>
    %gather3A_461 = tpu.vector_load_idx %arg7[%add3A_460] : memref<3072xi32, #tpu.memory_space<vmem>>[vector<16xi32>], vector<16xi32>,
    %add3A_462 = arith.constant 4 : i32
    %add3A_463 = vector.broadcast %add3A_462 : i32 to vector<16xi32>
    %add3A_464 = arith.addi %mul3A_449, %add3A_463 : vector<16xi32>
    %gather3A_465 = tpu.vector_load_idx %arg7[%add3A_464] : memref<3072xi32, #tpu.memory_space<vmem>>[vector<16xi32>], vector<16xi32>,
    %add3A_466 = arith.constant 5 : i32
    %add3A_467 = vector.broadcast %add3A_466 : i32 to vector<16xi32>
    %add3A_468 = arith.addi %mul3A_449, %add3A_467 : vector<16xi32>
    %gather3A_469 = tpu.vector_load_idx %arg7[%add3A_468] : memref<3072xi32, #tpu.memory_space<vmem>>[vector<16xi32>], vector<16xi32>,
    %mul3A_470 = arith.constant 18 : i32
    %mul3A_471 = vector.broadcast %mul3A_470 : i32 to vector<16xi32>
    %mul3A_472 = arith.muli %gather3A_461, %mul3A_471 : vector<16xi32>
    %mul3A_473 = arith.constant 6 : i32
    %mul3A_474 = vector.broadcast %mul3A_473 : i32 to vector<16xi32>
    %mul3A_475 = arith.muli %gather3A_453, %mul3A_474 : vector<16xi32>
    %add3A_476 = arith.addi %mul3A_472, %mul3A_475 : vector<16xi32>
    %add3A_477 = arith.addi %add3A_476, %gather3A_457 : vector<16xi32>
    %swap3A_478 = arith.constant 16 : index
    %swap3A_479 = tpu.vector_load %arg10[%swap3A_478] {strides = array<i32>} : memref<128xi32, #tpu.memory_space<vmem>>, vector<16xi32>,
    tpu.vector_store %arg10[%swap3A_478], %add3A_477 {strides = array<i32>} : memref<128xi32, #tpu.memory_space<vmem>>, vector<16xi32>,
    %mul3A_480 = arith.constant 32 : i32
    %mul3A_481 = vector.broadcast %mul3A_480 : i32 to vector<16xi32>
    %mul3A_482 = arith.muli %gather3A_465, %mul3A_481 : vector<16xi32>
    %add3A_483 = arith.addi %mul3A_482, %gather3A_469 : vector<16xi32>
    %swap3A_484 = arith.constant 16 : index
    %swap3A_485 = tpu.vector_load %arg11[%swap3A_484] {strides = array<i32>} : memref<128xi32, #tpu.memory_space<vmem>>, vector<16xi32>,
    tpu.vector_store %arg11[%swap3A_484], %add3A_483 {strides = array<i32>} : memref<128xi32, #tpu.memory_space<vmem>>, vector<16xi32>,
    %add3A_486 = arith.constant 160 : i32
    %add3A_487 = vector.broadcast %add3A_486 : i32 to vector<16xi32>
    %add3A_488 = arith.addi %add3A_487, %iota3A : vector<16xi32>
    %mul3A_489 = arith.constant 6 : i32
    %mul3A_490 = vector.broadcast %mul3A_489 : i32 to vector<16xi32>
    %mul3A_491 = arith.muli %add3A_488, %mul3A_490 : vector<16xi32>
    %add3A_492 = arith.constant 1 : i32
    %add3A_493 = vector.broadcast %add3A_492 : i32 to vector<16xi32>
    %add3A_494 = arith.addi %mul3A_491, %add3A_493 : vector<16xi32>
    %gather3A_495 = tpu.vector_load_idx %arg7[%add3A_494] : memref<3072xi32, #tpu.memory_space<vmem>>[vector<16xi32>], vector<16xi32>,
    %add3A_496 = arith.constant 2 : i32
    %add3A_497 = vector.broadcast %add3A_496 : i32 to vector<16xi32>
    %add3A_498 = arith.addi %mul3A_491, %add3A_497 : vector<16xi32>
    %gather3A_499 = tpu.vector_load_idx %arg7[%add3A_498] : memref<3072xi32, #tpu.memory_space<vmem>>[vector<16xi32>], vector<16xi32>,
    %add3A_500 = arith.constant 3 : i32
    %add3A_501 = vector.broadcast %add3A_500 : i32 to vector<16xi32>
    %add3A_502 = arith.addi %mul3A_491, %add3A_501 : vector<16xi32>
    %gather3A_503 = tpu.vector_load_idx %arg7[%add3A_502] : memref<3072xi32, #tpu.memory_space<vmem>>[vector<16xi32>], vector<16xi32>,
    %add3A_504 = arith.constant 4 : i32
    %add3A_505 = vector.broadcast %add3A_504 : i32 to vector<16xi32>
    %add3A_506 = arith.addi %mul3A_491, %add3A_505 : vector<16xi32>
    %gather3A_507 = tpu.vector_load_idx %arg7[%add3A_506] : memref<3072xi32, #tpu.memory_space<vmem>>[vector<16xi32>], vector<16xi32>,
    %add3A_508 = arith.constant 5 : i32
    %add3A_509 = vector.broadcast %add3A_508 : i32 to vector<16xi32>
    %add3A_510 = arith.addi %mul3A_491, %add3A_509 : vector<16xi32>
    %gather3A_511 = tpu.vector_load_idx %arg7[%add3A_510] : memref<3072xi32, #tpu.memory_space<vmem>>[vector<16xi32>], vector<16xi32>,
    %mul3A_512 = arith.constant 18 : i32
    %mul3A_513 = vector.broadcast %mul3A_512 : i32 to vector<16xi32>
    %mul3A_514 = arith.muli %gather3A_503, %mul3A_513 : vector<16xi32>
    %mul3A_515 = arith.constant 6 : i32
    %mul3A_516 = vector.broadcast %mul3A_515 : i32 to vector<16xi32>
    %mul3A_517 = arith.muli %gather3A_495, %mul3A_516 : vector<16xi32>
    %add3A_518 = arith.addi %mul3A_514, %mul3A_517 : vector<16xi32>
    %add3A_519 = arith.addi %add3A_518, %gather3A_499 : vector<16xi32>
    %swap3A_520 = arith.constant 32 : index
    %swap3A_521 = tpu.vector_load %arg10[%swap3A_520] {strides = array<i32>} : memref<128xi32, #tpu.memory_space<vmem>>, vector<16xi32>,
    tpu.vector_store %arg10[%swap3A_520], %add3A_519 {strides = array<i32>} : memref<128xi32, #tpu.memory_space<vmem>>, vector<16xi32>,
    %mul3A_522 = arith.constant 32 : i32
    %mul3A_523 = vector.broadcast %mul3A_522 : i32 to vector<16xi32>
    %mul3A_524 = arith.muli %gather3A_507, %mul3A_523 : vector<16xi32>
    %add3A_525 = arith.addi %mul3A_524, %gather3A_511 : vector<16xi32>
    %swap3A_526 = arith.constant 32 : index
    %swap3A_527 = tpu.vector_load %arg11[%swap3A_526] {strides = array<i32>} : memref<128xi32, #tpu.memory_space<vmem>>, vector<16xi32>,
    tpu.vector_store %arg11[%swap3A_526], %add3A_525 {strides = array<i32>} : memref<128xi32, #tpu.memory_space<vmem>>, vector<16xi32>,
    %add3A_528 = arith.constant 176 : i32
    %add3A_529 = vector.broadcast %add3A_528 : i32 to vector<16xi32>
    %add3A_530 = arith.addi %add3A_529, %iota3A : vector<16xi32>
    %mul3A_531 = arith.constant 6 : i32
    %mul3A_532 = vector.broadcast %mul3A_531 : i32 to vector<16xi32>
    %mul3A_533 = arith.muli %add3A_530, %mul3A_532 : vector<16xi32>
    %add3A_534 = arith.constant 1 : i32
    %add3A_535 = vector.broadcast %add3A_534 : i32 to vector<16xi32>
    %add3A_536 = arith.addi %mul3A_533, %add3A_535 : vector<16xi32>
    %gather3A_537 = tpu.vector_load_idx %arg7[%add3A_536] : memref<3072xi32, #tpu.memory_space<vmem>>[vector<16xi32>], vector<16xi32>,
    %add3A_538 = arith.constant 2 : i32
    %add3A_539 = vector.broadcast %add3A_538 : i32 to vector<16xi32>
    %add3A_540 = arith.addi %mul3A_533, %add3A_539 : vector<16xi32>
    %gather3A_541 = tpu.vector_load_idx %arg7[%add3A_540] : memref<3072xi32, #tpu.memory_space<vmem>>[vector<16xi32>], vector<16xi32>,
    %add3A_542 = arith.constant 3 : i32
    %add3A_543 = vector.broadcast %add3A_542 : i32 to vector<16xi32>
    %add3A_544 = arith.addi %mul3A_533, %add3A_543 : vector<16xi32>
    %gather3A_545 = tpu.vector_load_idx %arg7[%add3A_544] : memref<3072xi32, #tpu.memory_space<vmem>>[vector<16xi32>], vector<16xi32>,
    %add3A_546 = arith.constant 4 : i32
    %add3A_547 = vector.broadcast %add3A_546 : i32 to vector<16xi32>
    %add3A_548 = arith.addi %mul3A_533, %add3A_547 : vector<16xi32>
    %gather3A_549 = tpu.vector_load_idx %arg7[%add3A_548] : memref<3072xi32, #tpu.memory_space<vmem>>[vector<16xi32>], vector<16xi32>,
    %add3A_550 = arith.constant 5 : i32
    %add3A_551 = vector.broadcast %add3A_550 : i32 to vector<16xi32>
    %add3A_552 = arith.addi %mul3A_533, %add3A_551 : vector<16xi32>
    %gather3A_553 = tpu.vector_load_idx %arg7[%add3A_552] : memref<3072xi32, #tpu.memory_space<vmem>>[vector<16xi32>], vector<16xi32>,
    %mul3A_554 = arith.constant 18 : i32
    %mul3A_555 = vector.broadcast %mul3A_554 : i32 to vector<16xi32>
    %mul3A_556 = arith.muli %gather3A_545, %mul3A_555 : vector<16xi32>
    %mul3A_557 = arith.constant 6 : i32
    %mul3A_558 = vector.broadcast %mul3A_557 : i32 to vector<16xi32>
    %mul3A_559 = arith.muli %gather3A_537, %mul3A_558 : vector<16xi32>
    %add3A_560 = arith.addi %mul3A_556, %mul3A_559 : vector<16xi32>
    %add3A_561 = arith.addi %add3A_560, %gather3A_541 : vector<16xi32>
    %swap3A_562 = arith.constant 48 : index
    %swap3A_563 = tpu.vector_load %arg10[%swap3A_562] {strides = array<i32>} : memref<128xi32, #tpu.memory_space<vmem>>, vector<16xi32>,
    tpu.vector_store %arg10[%swap3A_562], %add3A_561 {strides = array<i32>} : memref<128xi32, #tpu.memory_space<vmem>>, vector<16xi32>,
    %mul3A_564 = arith.constant 32 : i32
    %mul3A_565 = vector.broadcast %mul3A_564 : i32 to vector<16xi32>
    %mul3A_566 = arith.muli %gather3A_549, %mul3A_565 : vector<16xi32>
    %add3A_567 = arith.addi %mul3A_566, %gather3A_553 : vector<16xi32>
    %swap3A_568 = arith.constant 48 : index
    %swap3A_569 = tpu.vector_load %arg11[%swap3A_568] {strides = array<i32>} : memref<128xi32, #tpu.memory_space<vmem>>, vector<16xi32>,
    tpu.vector_store %arg11[%swap3A_568], %add3A_567 {strides = array<i32>} : memref<128xi32, #tpu.memory_space<vmem>>, vector<16xi32>,
    %add3A_570 = arith.constant 192 : i32
    %add3A_571 = vector.broadcast %add3A_570 : i32 to vector<16xi32>
    %add3A_572 = arith.addi %add3A_571, %iota3A : vector<16xi32>
    %mul3A_573 = arith.constant 6 : i32
    %mul3A_574 = vector.broadcast %mul3A_573 : i32 to vector<16xi32>
    %mul3A_575 = arith.muli %add3A_572, %mul3A_574 : vector<16xi32>
    %add3A_576 = arith.constant 1 : i32
    %add3A_577 = vector.broadcast %add3A_576 : i32 to vector<16xi32>
    %add3A_578 = arith.addi %mul3A_575, %add3A_577 : vector<16xi32>
    %gather3A_579 = tpu.vector_load_idx %arg7[%add3A_578] : memref<3072xi32, #tpu.memory_space<vmem>>[vector<16xi32>], vector<16xi32>,
    %add3A_580 = arith.constant 2 : i32
    %add3A_581 = vector.broadcast %add3A_580 : i32 to vector<16xi32>
    %add3A_582 = arith.addi %mul3A_575, %add3A_581 : vector<16xi32>
    %gather3A_583 = tpu.vector_load_idx %arg7[%add3A_582] : memref<3072xi32, #tpu.memory_space<vmem>>[vector<16xi32>], vector<16xi32>,
    %add3A_584 = arith.constant 3 : i32
    %add3A_585 = vector.broadcast %add3A_584 : i32 to vector<16xi32>
    %add3A_586 = arith.addi %mul3A_575, %add3A_585 : vector<16xi32>
    %gather3A_587 = tpu.vector_load_idx %arg7[%add3A_586] : memref<3072xi32, #tpu.memory_space<vmem>>[vector<16xi32>], vector<16xi32>,
    %add3A_588 = arith.constant 4 : i32
    %add3A_589 = vector.broadcast %add3A_588 : i32 to vector<16xi32>
    %add3A_590 = arith.addi %mul3A_575, %add3A_589 : vector<16xi32>
    %gather3A_591 = tpu.vector_load_idx %arg7[%add3A_590] : memref<3072xi32, #tpu.memory_space<vmem>>[vector<16xi32>], vector<16xi32>,
    %add3A_592 = arith.constant 5 : i32
    %add3A_593 = vector.broadcast %add3A_592 : i32 to vector<16xi32>
    %add3A_594 = arith.addi %mul3A_575, %add3A_593 : vector<16xi32>
    %gather3A_595 = tpu.vector_load_idx %arg7[%add3A_594] : memref<3072xi32, #tpu.memory_space<vmem>>[vector<16xi32>], vector<16xi32>,
    %mul3A_596 = arith.constant 18 : i32
    %mul3A_597 = vector.broadcast %mul3A_596 : i32 to vector<16xi32>
    %mul3A_598 = arith.muli %gather3A_587, %mul3A_597 : vector<16xi32>
    %mul3A_599 = arith.constant 6 : i32
    %mul3A_600 = vector.broadcast %mul3A_599 : i32 to vector<16xi32>
    %mul3A_601 = arith.muli %gather3A_579, %mul3A_600 : vector<16xi32>
    %add3A_602 = arith.addi %mul3A_598, %mul3A_601 : vector<16xi32>
    %add3A_603 = arith.addi %add3A_602, %gather3A_583 : vector<16xi32>
    %swap3A_604 = arith.constant 64 : index
    %swap3A_605 = tpu.vector_load %arg10[%swap3A_604] {strides = array<i32>} : memref<128xi32, #tpu.memory_space<vmem>>, vector<16xi32>,
    tpu.vector_store %arg10[%swap3A_604], %add3A_603 {strides = array<i32>} : memref<128xi32, #tpu.memory_space<vmem>>, vector<16xi32>,
    %mul3A_606 = arith.constant 32 : i32
    %mul3A_607 = vector.broadcast %mul3A_606 : i32 to vector<16xi32>
    %mul3A_608 = arith.muli %gather3A_591, %mul3A_607 : vector<16xi32>
    %add3A_609 = arith.addi %mul3A_608, %gather3A_595 : vector<16xi32>
    %swap3A_610 = arith.constant 64 : index
    %swap3A_611 = tpu.vector_load %arg11[%swap3A_610] {strides = array<i32>} : memref<128xi32, #tpu.memory_space<vmem>>, vector<16xi32>,
    tpu.vector_store %arg11[%swap3A_610], %add3A_609 {strides = array<i32>} : memref<128xi32, #tpu.memory_space<vmem>>, vector<16xi32>,
    %add3A_612 = arith.constant 208 : i32
    %add3A_613 = vector.broadcast %add3A_612 : i32 to vector<16xi32>
    %add3A_614 = arith.addi %add3A_613, %iota3A : vector<16xi32>
    %mul3A_615 = arith.constant 6 : i32
    %mul3A_616 = vector.broadcast %mul3A_615 : i32 to vector<16xi32>
    %mul3A_617 = arith.muli %add3A_614, %mul3A_616 : vector<16xi32>
    %add3A_618 = arith.constant 1 : i32
    %add3A_619 = vector.broadcast %add3A_618 : i32 to vector<16xi32>
    %add3A_620 = arith.addi %mul3A_617, %add3A_619 : vector<16xi32>
    %gather3A_621 = tpu.vector_load_idx %arg7[%add3A_620] : memref<3072xi32, #tpu.memory_space<vmem>>[vector<16xi32>], vector<16xi32>,
    %add3A_622 = arith.constant 2 : i32
    %add3A_623 = vector.broadcast %add3A_622 : i32 to vector<16xi32>
    %add3A_624 = arith.addi %mul3A_617, %add3A_623 : vector<16xi32>
    %gather3A_625 = tpu.vector_load_idx %arg7[%add3A_624] : memref<3072xi32, #tpu.memory_space<vmem>>[vector<16xi32>], vector<16xi32>,
    %add3A_626 = arith.constant 3 : i32
    %add3A_627 = vector.broadcast %add3A_626 : i32 to vector<16xi32>
    %add3A_628 = arith.addi %mul3A_617, %add3A_627 : vector<16xi32>
    %gather3A_629 = tpu.vector_load_idx %arg7[%add3A_628] : memref<3072xi32, #tpu.memory_space<vmem>>[vector<16xi32>], vector<16xi32>,
    %add3A_630 = arith.constant 4 : i32
    %add3A_631 = vector.broadcast %add3A_630 : i32 to vector<16xi32>
    %add3A_632 = arith.addi %mul3A_617, %add3A_631 : vector<16xi32>
    %gather3A_633 = tpu.vector_load_idx %arg7[%add3A_632] : memref<3072xi32, #tpu.memory_space<vmem>>[vector<16xi32>], vector<16xi32>,
    %add3A_634 = arith.constant 5 : i32
    %add3A_635 = vector.broadcast %add3A_634 : i32 to vector<16xi32>
    %add3A_636 = arith.addi %mul3A_617, %add3A_635 : vector<16xi32>
    %gather3A_637 = tpu.vector_load_idx %arg7[%add3A_636] : memref<3072xi32, #tpu.memory_space<vmem>>[vector<16xi32>], vector<16xi32>,
    %mul3A_638 = arith.constant 18 : i32
    %mul3A_639 = vector.broadcast %mul3A_638 : i32 to vector<16xi32>
    %mul3A_640 = arith.muli %gather3A_629, %mul3A_639 : vector<16xi32>
    %mul3A_641 = arith.constant 6 : i32
    %mul3A_642 = vector.broadcast %mul3A_641 : i32 to vector<16xi32>
    %mul3A_643 = arith.muli %gather3A_621, %mul3A_642 : vector<16xi32>
    %add3A_644 = arith.addi %mul3A_640, %mul3A_643 : vector<16xi32>
    %add3A_645 = arith.addi %add3A_644, %gather3A_625 : vector<16xi32>
    %swap3A_646 = arith.constant 80 : index
    %swap3A_647 = tpu.vector_load %arg10[%swap3A_646] {strides = array<i32>} : memref<128xi32, #tpu.memory_space<vmem>>, vector<16xi32>,
    tpu.vector_store %arg10[%swap3A_646], %add3A_645 {strides = array<i32>} : memref<128xi32, #tpu.memory_space<vmem>>, vector<16xi32>,
    %mul3A_648 = arith.constant 32 : i32
    %mul3A_649 = vector.broadcast %mul3A_648 : i32 to vector<16xi32>
    %mul3A_650 = arith.muli %gather3A_633, %mul3A_649 : vector<16xi32>
    %add3A_651 = arith.addi %mul3A_650, %gather3A_637 : vector<16xi32>
    %swap3A_652 = arith.constant 80 : index
    %swap3A_653 = tpu.vector_load %arg11[%swap3A_652] {strides = array<i32>} : memref<128xi32, #tpu.memory_space<vmem>>, vector<16xi32>,
    tpu.vector_store %arg11[%swap3A_652], %add3A_651 {strides = array<i32>} : memref<128xi32, #tpu.memory_space<vmem>>, vector<16xi32>,
    %add3A_654 = arith.constant 224 : i32
    %add3A_655 = vector.broadcast %add3A_654 : i32 to vector<16xi32>
    %add3A_656 = arith.addi %add3A_655, %iota3A : vector<16xi32>
    %mul3A_657 = arith.constant 6 : i32
    %mul3A_658 = vector.broadcast %mul3A_657 : i32 to vector<16xi32>
    %mul3A_659 = arith.muli %add3A_656, %mul3A_658 : vector<16xi32>
    %add3A_660 = arith.constant 1 : i32
    %add3A_661 = vector.broadcast %add3A_660 : i32 to vector<16xi32>
    %add3A_662 = arith.addi %mul3A_659, %add3A_661 : vector<16xi32>
    %gather3A_663 = tpu.vector_load_idx %arg7[%add3A_662] : memref<3072xi32, #tpu.memory_space<vmem>>[vector<16xi32>], vector<16xi32>,
    %add3A_664 = arith.constant 2 : i32
    %add3A_665 = vector.broadcast %add3A_664 : i32 to vector<16xi32>
    %add3A_666 = arith.addi %mul3A_659, %add3A_665 : vector<16xi32>
    %gather3A_667 = tpu.vector_load_idx %arg7[%add3A_666] : memref<3072xi32, #tpu.memory_space<vmem>>[vector<16xi32>], vector<16xi32>,
    %add3A_668 = arith.constant 3 : i32
    %add3A_669 = vector.broadcast %add3A_668 : i32 to vector<16xi32>
    %add3A_670 = arith.addi %mul3A_659, %add3A_669 : vector<16xi32>
    %gather3A_671 = tpu.vector_load_idx %arg7[%add3A_670] : memref<3072xi32, #tpu.memory_space<vmem>>[vector<16xi32>], vector<16xi32>,
    %add3A_672 = arith.constant 4 : i32
    %add3A_673 = vector.broadcast %add3A_672 : i32 to vector<16xi32>
    %add3A_674 = arith.addi %mul3A_659, %add3A_673 : vector<16xi32>
    %gather3A_675 = tpu.vector_load_idx %arg7[%add3A_674] : memref<3072xi32, #tpu.memory_space<vmem>>[vector<16xi32>], vector<16xi32>,
    %add3A_676 = arith.constant 5 : i32
    %add3A_677 = vector.broadcast %add3A_676 : i32 to vector<16xi32>
    %add3A_678 = arith.addi %mul3A_659, %add3A_677 : vector<16xi32>
    %gather3A_679 = tpu.vector_load_idx %arg7[%add3A_678] : memref<3072xi32, #tpu.memory_space<vmem>>[vector<16xi32>], vector<16xi32>,
    %mul3A_680 = arith.constant 18 : i32
    %mul3A_681 = vector.broadcast %mul3A_680 : i32 to vector<16xi32>
    %mul3A_682 = arith.muli %gather3A_671, %mul3A_681 : vector<16xi32>
    %mul3A_683 = arith.constant 6 : i32
    %mul3A_684 = vector.broadcast %mul3A_683 : i32 to vector<16xi32>
    %mul3A_685 = arith.muli %gather3A_663, %mul3A_684 : vector<16xi32>
    %add3A_686 = arith.addi %mul3A_682, %mul3A_685 : vector<16xi32>
    %add3A_687 = arith.addi %add3A_686, %gather3A_667 : vector<16xi32>
    %swap3A_688 = arith.constant 96 : index
    %swap3A_689 = tpu.vector_load %arg10[%swap3A_688] {strides = array<i32>} : memref<128xi32, #tpu.memory_space<vmem>>, vector<16xi32>,
    tpu.vector_store %arg10[%swap3A_688], %add3A_687 {strides = array<i32>} : memref<128xi32, #tpu.memory_space<vmem>>, vector<16xi32>,
    %mul3A_690 = arith.constant 32 : i32
    %mul3A_691 = vector.broadcast %mul3A_690 : i32 to vector<16xi32>
    %mul3A_692 = arith.muli %gather3A_675, %mul3A_691 : vector<16xi32>
    %add3A_693 = arith.addi %mul3A_692, %gather3A_679 : vector<16xi32>
    %swap3A_694 = arith.constant 96 : index
    %swap3A_695 = tpu.vector_load %arg11[%swap3A_694] {strides = array<i32>} : memref<128xi32, #tpu.memory_space<vmem>>, vector<16xi32>,
    tpu.vector_store %arg11[%swap3A_694], %add3A_693 {strides = array<i32>} : memref<128xi32, #tpu.memory_space<vmem>>, vector<16xi32>,
    %add3A_696 = arith.constant 240 : i32
    %add3A_697 = vector.broadcast %add3A_696 : i32 to vector<16xi32>
    %add3A_698 = arith.addi %add3A_697, %iota3A : vector<16xi32>
    %mul3A_699 = arith.constant 6 : i32
    %mul3A_700 = vector.broadcast %mul3A_699 : i32 to vector<16xi32>
    %mul3A_701 = arith.muli %add3A_698, %mul3A_700 : vector<16xi32>
    %add3A_702 = arith.constant 1 : i32
    %add3A_703 = vector.broadcast %add3A_702 : i32 to vector<16xi32>
    %add3A_704 = arith.addi %mul3A_701, %add3A_703 : vector<16xi32>
    %gather3A_705 = tpu.vector_load_idx %arg7[%add3A_704] : memref<3072xi32, #tpu.memory_space<vmem>>[vector<16xi32>], vector<16xi32>,
    %add3A_706 = arith.constant 2 : i32
    %add3A_707 = vector.broadcast %add3A_706 : i32 to vector<16xi32>
    %add3A_708 = arith.addi %mul3A_701, %add3A_707 : vector<16xi32>
    %gather3A_709 = tpu.vector_load_idx %arg7[%add3A_708] : memref<3072xi32, #tpu.memory_space<vmem>>[vector<16xi32>], vector<16xi32>,
    %add3A_710 = arith.constant 3 : i32
    %add3A_711 = vector.broadcast %add3A_710 : i32 to vector<16xi32>
    %add3A_712 = arith.addi %mul3A_701, %add3A_711 : vector<16xi32>
    %gather3A_713 = tpu.vector_load_idx %arg7[%add3A_712] : memref<3072xi32, #tpu.memory_space<vmem>>[vector<16xi32>], vector<16xi32>,
    %add3A_714 = arith.constant 4 : i32
    %add3A_715 = vector.broadcast %add3A_714 : i32 to vector<16xi32>
    %add3A_716 = arith.addi %mul3A_701, %add3A_715 : vector<16xi32>
    %gather3A_717 = tpu.vector_load_idx %arg7[%add3A_716] : memref<3072xi32, #tpu.memory_space<vmem>>[vector<16xi32>], vector<16xi32>,
    %add3A_718 = arith.constant 5 : i32
    %add3A_719 = vector.broadcast %add3A_718 : i32 to vector<16xi32>
    %add3A_720 = arith.addi %mul3A_701, %add3A_719 : vector<16xi32>
    %gather3A_721 = tpu.vector_load_idx %arg7[%add3A_720] : memref<3072xi32, #tpu.memory_space<vmem>>[vector<16xi32>], vector<16xi32>,
    %mul3A_722 = arith.constant 18 : i32
    %mul3A_723 = vector.broadcast %mul3A_722 : i32 to vector<16xi32>
    %mul3A_724 = arith.muli %gather3A_713, %mul3A_723 : vector<16xi32>
    %mul3A_725 = arith.constant 6 : i32
    %mul3A_726 = vector.broadcast %mul3A_725 : i32 to vector<16xi32>
    %mul3A_727 = arith.muli %gather3A_705, %mul3A_726 : vector<16xi32>
    %add3A_728 = arith.addi %mul3A_724, %mul3A_727 : vector<16xi32>
    %add3A_729 = arith.addi %add3A_728, %gather3A_709 : vector<16xi32>
    %swap3A_730 = arith.constant 112 : index
    %swap3A_731 = tpu.vector_load %arg10[%swap3A_730] {strides = array<i32>} : memref<128xi32, #tpu.memory_space<vmem>>, vector<16xi32>,
    tpu.vector_store %arg10[%swap3A_730], %add3A_729 {strides = array<i32>} : memref<128xi32, #tpu.memory_space<vmem>>, vector<16xi32>,
    %mul3A_732 = arith.constant 32 : i32
    %mul3A_733 = vector.broadcast %mul3A_732 : i32 to vector<16xi32>
    %mul3A_734 = arith.muli %gather3A_717, %mul3A_733 : vector<16xi32>
    %add3A_735 = arith.addi %mul3A_734, %gather3A_721 : vector<16xi32>
    %swap3A_736 = arith.constant 112 : index
    %swap3A_737 = tpu.vector_load %arg11[%swap3A_736] {strides = array<i32>} : memref<128xi32, #tpu.memory_space<vmem>>, vector<16xi32>,
    tpu.vector_store %arg11[%swap3A_736], %add3A_735 {strides = array<i32>} : memref<128xi32, #tpu.memory_space<vmem>>, vector<16xi32>,
    %dma_start3A_738 = arith.constant 0 : i32
    %dma_start3A_739 = arith.constant 0 : i32
    %dma_start3A_740 = tpu.memref_slice %arg14[%dma_start3A_738, %dma_start3A_739] : memref<128x128xf32, #tpu.memory_space<vmem>> -> memref<32x128xf32, #tpu.memory_space<vmem>>
    %dma_start3A_741 = arith.constant 0 : i32
    %dma_start3A_742 = tpu.memref_slice %arg10[%dma_start3A_741] : memref<128xi32, #tpu.memory_space<vmem>> -> memref<32xi32, #tpu.memory_space<vmem>>
    %dma_start3A_743 = arith.constant 0 : i32
    %dma_start3A_744 = arith.constant 0 : i32
    %dma_start3A_745 = tpu.memref_slice %arg3[%dma_start3A_743, %dma_start3A_744] : memref<720x128xf32, #tpu.memory_space<hbm>> -> memref<720x128xf32, #tpu.memory_space<hbm>>
    tpu.enqueue_indirect_dma source(%dma_start3A_745 : memref<720x128xf32, #tpu.memory_space<hbm>>) target(%dma_start3A_740 : memref<32x128xf32, #tpu.memory_space<vmem>>) offsets(%dma_start3A_742 : memref<32xi32, #tpu.memory_space<vmem>>) semaphore(%arg17 : memref<!tpu.dma_semaphore, #tpu.memory_space<semaphore_mem>>)
    %dma_start3A_746 = arith.constant 32 : i32
    %dma_start3A_747 = arith.constant 0 : i32
    %dma_start3A_748 = tpu.memref_slice %arg14[%dma_start3A_746, %dma_start3A_747] : memref<128x128xf32, #tpu.memory_space<vmem>> -> memref<32x128xf32, #tpu.memory_space<vmem>>
    %dma_start3A_749 = arith.constant 32 : i32
    %dma_start3A_750 = tpu.memref_slice %arg10[%dma_start3A_749] : memref<128xi32, #tpu.memory_space<vmem>> -> memref<32xi32, #tpu.memory_space<vmem>>
    %dma_start3A_751 = arith.constant 0 : i32
    %dma_start3A_752 = arith.constant 0 : i32
    %dma_start3A_753 = tpu.memref_slice %arg3[%dma_start3A_751, %dma_start3A_752] : memref<720x128xf32, #tpu.memory_space<hbm>> -> memref<720x128xf32, #tpu.memory_space<hbm>>
    tpu.enqueue_indirect_dma source(%dma_start3A_753 : memref<720x128xf32, #tpu.memory_space<hbm>>) target(%dma_start3A_748 : memref<32x128xf32, #tpu.memory_space<vmem>>) offsets(%dma_start3A_750 : memref<32xi32, #tpu.memory_space<vmem>>) semaphore(%arg17 : memref<!tpu.dma_semaphore, #tpu.memory_space<semaphore_mem>>)
    %dma_start3A_754 = arith.constant 64 : i32
    %dma_start3A_755 = arith.constant 0 : i32
    %dma_start3A_756 = tpu.memref_slice %arg14[%dma_start3A_754, %dma_start3A_755] : memref<128x128xf32, #tpu.memory_space<vmem>> -> memref<32x128xf32, #tpu.memory_space<vmem>>
    %dma_start3A_757 = arith.constant 64 : i32
    %dma_start3A_758 = tpu.memref_slice %arg10[%dma_start3A_757] : memref<128xi32, #tpu.memory_space<vmem>> -> memref<32xi32, #tpu.memory_space<vmem>>
    %dma_start3A_759 = arith.constant 0 : i32
    %dma_start3A_760 = arith.constant 0 : i32
    %dma_start3A_761 = tpu.memref_slice %arg3[%dma_start3A_759, %dma_start3A_760] : memref<720x128xf32, #tpu.memory_space<hbm>> -> memref<720x128xf32, #tpu.memory_space<hbm>>
    tpu.enqueue_indirect_dma source(%dma_start3A_761 : memref<720x128xf32, #tpu.memory_space<hbm>>) target(%dma_start3A_756 : memref<32x128xf32, #tpu.memory_space<vmem>>) offsets(%dma_start3A_758 : memref<32xi32, #tpu.memory_space<vmem>>) semaphore(%arg17 : memref<!tpu.dma_semaphore, #tpu.memory_space<semaphore_mem>>)
    %dma_start3A_762 = arith.constant 96 : i32
    %dma_start3A_763 = arith.constant 0 : i32
    %dma_start3A_764 = tpu.memref_slice %arg14[%dma_start3A_762, %dma_start3A_763] : memref<128x128xf32, #tpu.memory_space<vmem>> -> memref<32x128xf32, #tpu.memory_space<vmem>>
    %dma_start3A_765 = arith.constant 96 : i32
    %dma_start3A_766 = tpu.memref_slice %arg10[%dma_start3A_765] : memref<128xi32, #tpu.memory_space<vmem>> -> memref<32xi32, #tpu.memory_space<vmem>>
    %dma_start3A_767 = arith.constant 0 : i32
    %dma_start3A_768 = arith.constant 0 : i32
    %dma_start3A_769 = tpu.memref_slice %arg3[%dma_start3A_767, %dma_start3A_768] : memref<720x128xf32, #tpu.memory_space<hbm>> -> memref<720x128xf32, #tpu.memory_space<hbm>>
    tpu.enqueue_indirect_dma source(%dma_start3A_769 : memref<720x128xf32, #tpu.memory_space<hbm>>) target(%dma_start3A_764 : memref<32x128xf32, #tpu.memory_space<vmem>>) offsets(%dma_start3A_766 : memref<32xi32, #tpu.memory_space<vmem>>) semaphore(%arg17 : memref<!tpu.dma_semaphore, #tpu.memory_space<semaphore_mem>>)
    %dma_start3A_770 = arith.constant 0 : i32
    %dma_start3A_771 = arith.constant 0 : i32
    %dma_start3A_772 = tpu.memref_slice %arg15[%dma_start3A_770, %dma_start3A_771] : memref<128x128xf32, #tpu.memory_space<vmem>> -> memref<32x128xf32, #tpu.memory_space<vmem>>
    %dma_start3A_773 = arith.constant 0 : i32
    %dma_start3A_774 = tpu.memref_slice %arg11[%dma_start3A_773] : memref<128xi32, #tpu.memory_space<vmem>> -> memref<32xi32, #tpu.memory_space<vmem>>
    %dma_start3A_775 = arith.constant 0 : i32
    %dma_start3A_776 = arith.constant 0 : i32
    %dma_start3A_777 = tpu.memref_slice %arg4[%dma_start3A_775, %dma_start3A_776] : memref<1024x128xf32, #tpu.memory_space<hbm>> -> memref<1024x128xf32, #tpu.memory_space<hbm>>
    tpu.enqueue_indirect_dma source(%dma_start3A_777 : memref<1024x128xf32, #tpu.memory_space<hbm>>) target(%dma_start3A_772 : memref<32x128xf32, #tpu.memory_space<vmem>>) offsets(%dma_start3A_774 : memref<32xi32, #tpu.memory_space<vmem>>) semaphore(%arg17 : memref<!tpu.dma_semaphore, #tpu.memory_space<semaphore_mem>>)
    %dma_start3A_778 = arith.constant 32 : i32
    %dma_start3A_779 = arith.constant 0 : i32
    %dma_start3A_780 = tpu.memref_slice %arg15[%dma_start3A_778, %dma_start3A_779] : memref<128x128xf32, #tpu.memory_space<vmem>> -> memref<32x128xf32, #tpu.memory_space<vmem>>
    %dma_start3A_781 = arith.constant 32 : i32
    %dma_start3A_782 = tpu.memref_slice %arg11[%dma_start3A_781] : memref<128xi32, #tpu.memory_space<vmem>> -> memref<32xi32, #tpu.memory_space<vmem>>
    %dma_start3A_783 = arith.constant 0 : i32
    %dma_start3A_784 = arith.constant 0 : i32
    %dma_start3A_785 = tpu.memref_slice %arg4[%dma_start3A_783, %dma_start3A_784] : memref<1024x128xf32, #tpu.memory_space<hbm>> -> memref<1024x128xf32, #tpu.memory_space<hbm>>
    tpu.enqueue_indirect_dma source(%dma_start3A_785 : memref<1024x128xf32, #tpu.memory_space<hbm>>) target(%dma_start3A_780 : memref<32x128xf32, #tpu.memory_space<vmem>>) offsets(%dma_start3A_782 : memref<32xi32, #tpu.memory_space<vmem>>) semaphore(%arg17 : memref<!tpu.dma_semaphore, #tpu.memory_space<semaphore_mem>>)
    %dma_start3A_786 = arith.constant 64 : i32
    %dma_start3A_787 = arith.constant 0 : i32
    %dma_start3A_788 = tpu.memref_slice %arg15[%dma_start3A_786, %dma_start3A_787] : memref<128x128xf32, #tpu.memory_space<vmem>> -> memref<32x128xf32, #tpu.memory_space<vmem>>
    %dma_start3A_789 = arith.constant 64 : i32
    %dma_start3A_790 = tpu.memref_slice %arg11[%dma_start3A_789] : memref<128xi32, #tpu.memory_space<vmem>> -> memref<32xi32, #tpu.memory_space<vmem>>
    %dma_start3A_791 = arith.constant 0 : i32
    %dma_start3A_792 = arith.constant 0 : i32
    %dma_start3A_793 = tpu.memref_slice %arg4[%dma_start3A_791, %dma_start3A_792] : memref<1024x128xf32, #tpu.memory_space<hbm>> -> memref<1024x128xf32, #tpu.memory_space<hbm>>
    tpu.enqueue_indirect_dma source(%dma_start3A_793 : memref<1024x128xf32, #tpu.memory_space<hbm>>) target(%dma_start3A_788 : memref<32x128xf32, #tpu.memory_space<vmem>>) offsets(%dma_start3A_790 : memref<32xi32, #tpu.memory_space<vmem>>) semaphore(%arg17 : memref<!tpu.dma_semaphore, #tpu.memory_space<semaphore_mem>>)
    %dma_start3A_794 = arith.constant 96 : i32
    %dma_start3A_795 = arith.constant 0 : i32
    %dma_start3A_796 = tpu.memref_slice %arg15[%dma_start3A_794, %dma_start3A_795] : memref<128x128xf32, #tpu.memory_space<vmem>> -> memref<32x128xf32, #tpu.memory_space<vmem>>
    %dma_start3A_797 = arith.constant 96 : i32
    %dma_start3A_798 = tpu.memref_slice %arg11[%dma_start3A_797] : memref<128xi32, #tpu.memory_space<vmem>> -> memref<32xi32, #tpu.memory_space<vmem>>
    %dma_start3A_799 = arith.constant 0 : i32
    %dma_start3A_800 = arith.constant 0 : i32
    %dma_start3A_801 = tpu.memref_slice %arg4[%dma_start3A_799, %dma_start3A_800] : memref<1024x128xf32, #tpu.memory_space<hbm>> -> memref<1024x128xf32, #tpu.memory_space<hbm>>
    tpu.enqueue_indirect_dma source(%dma_start3A_801 : memref<1024x128xf32, #tpu.memory_space<hbm>>) target(%dma_start3A_796 : memref<32x128xf32, #tpu.memory_space<vmem>>) offsets(%dma_start3A_798 : memref<32xi32, #tpu.memory_space<vmem>>) semaphore(%arg17 : memref<!tpu.dma_semaphore, #tpu.memory_space<semaphore_mem>>)
    %dma_wait3A = arith.constant 0 : i32
    %dma_wait3A_802 = arith.constant 0 : i32
    %dma_wait3A_803 = tpu.memref_slice %arg12[%dma_wait3A, %dma_wait3A_802] : memref<128x128xf32, #tpu.memory_space<vmem>> -> memref<32x128xf32, #tpu.memory_space<vmem>>
    %dma_wait3A_804 = arith.constant 0 : i32
    %dma_wait3A_805 = tpu.memref_slice %arg8[%dma_wait3A_804] : memref<128xi32, #tpu.memory_space<vmem>> -> memref<32xi32, #tpu.memory_space<vmem>>
    %dma_wait3A_806 = arith.constant 0 : i32
    %dma_wait3A_807 = arith.constant 0 : i32
    %dma_wait3A_808 = tpu.memref_slice %arg3[%dma_wait3A_806, %dma_wait3A_807] : memref<720x128xf32, #tpu.memory_space<hbm>> -> memref<720x128xf32, #tpu.memory_space<hbm>>
    tpu.wait_indirect_dma semaphore(%arg16 : memref<!tpu.dma_semaphore, #tpu.memory_space<semaphore_mem>>) src(%dma_wait3A_808 : memref<720x128xf32, #tpu.memory_space<hbm>>) dst(%dma_wait3A_803 : memref<32x128xf32, #tpu.memory_space<vmem>>)
    %dma_wait3A_809 = arith.constant 32 : i32
    %dma_wait3A_810 = arith.constant 0 : i32
    %dma_wait3A_811 = tpu.memref_slice %arg12[%dma_wait3A_809, %dma_wait3A_810] : memref<128x128xf32, #tpu.memory_space<vmem>> -> memref<32x128xf32, #tpu.memory_space<vmem>>
    %dma_wait3A_812 = arith.constant 32 : i32
    %dma_wait3A_813 = tpu.memref_slice %arg8[%dma_wait3A_812] : memref<128xi32, #tpu.memory_space<vmem>> -> memref<32xi32, #tpu.memory_space<vmem>>
    %dma_wait3A_814 = arith.constant 0 : i32
    %dma_wait3A_815 = arith.constant 0 : i32
    %dma_wait3A_816 = tpu.memref_slice %arg3[%dma_wait3A_814, %dma_wait3A_815] : memref<720x128xf32, #tpu.memory_space<hbm>> -> memref<720x128xf32, #tpu.memory_space<hbm>>
    tpu.wait_indirect_dma semaphore(%arg16 : memref<!tpu.dma_semaphore, #tpu.memory_space<semaphore_mem>>) src(%dma_wait3A_816 : memref<720x128xf32, #tpu.memory_space<hbm>>) dst(%dma_wait3A_811 : memref<32x128xf32, #tpu.memory_space<vmem>>)
    %dma_wait3A_817 = arith.constant 64 : i32
    %dma_wait3A_818 = arith.constant 0 : i32
    %dma_wait3A_819 = tpu.memref_slice %arg12[%dma_wait3A_817, %dma_wait3A_818] : memref<128x128xf32, #tpu.memory_space<vmem>> -> memref<32x128xf32, #tpu.memory_space<vmem>>
    %dma_wait3A_820 = arith.constant 64 : i32
    %dma_wait3A_821 = tpu.memref_slice %arg8[%dma_wait3A_820] : memref<128xi32, #tpu.memory_space<vmem>> -> memref<32xi32, #tpu.memory_space<vmem>>
    %dma_wait3A_822 = arith.constant 0 : i32
    %dma_wait3A_823 = arith.constant 0 : i32
    %dma_wait3A_824 = tpu.memref_slice %arg3[%dma_wait3A_822, %dma_wait3A_823] : memref<720x128xf32, #tpu.memory_space<hbm>> -> memref<720x128xf32, #tpu.memory_space<hbm>>
    tpu.wait_indirect_dma semaphore(%arg16 : memref<!tpu.dma_semaphore, #tpu.memory_space<semaphore_mem>>) src(%dma_wait3A_824 : memref<720x128xf32, #tpu.memory_space<hbm>>) dst(%dma_wait3A_819 : memref<32x128xf32, #tpu.memory_space<vmem>>)
    %dma_wait3A_825 = arith.constant 96 : i32
    %dma_wait3A_826 = arith.constant 0 : i32
    %dma_wait3A_827 = tpu.memref_slice %arg12[%dma_wait3A_825, %dma_wait3A_826] : memref<128x128xf32, #tpu.memory_space<vmem>> -> memref<32x128xf32, #tpu.memory_space<vmem>>
    %dma_wait3A_828 = arith.constant 96 : i32
    %dma_wait3A_829 = tpu.memref_slice %arg8[%dma_wait3A_828] : memref<128xi32, #tpu.memory_space<vmem>> -> memref<32xi32, #tpu.memory_space<vmem>>
    %dma_wait3A_830 = arith.constant 0 : i32
    %dma_wait3A_831 = arith.constant 0 : i32
    %dma_wait3A_832 = tpu.memref_slice %arg3[%dma_wait3A_830, %dma_wait3A_831] : memref<720x128xf32, #tpu.memory_space<hbm>> -> memref<720x128xf32, #tpu.memory_space<hbm>>
    tpu.wait_indirect_dma semaphore(%arg16 : memref<!tpu.dma_semaphore, #tpu.memory_space<semaphore_mem>>) src(%dma_wait3A_832 : memref<720x128xf32, #tpu.memory_space<hbm>>) dst(%dma_wait3A_827 : memref<32x128xf32, #tpu.memory_space<vmem>>)
    %dma_wait3A_833 = arith.constant 0 : i32
    %dma_wait3A_834 = arith.constant 0 : i32
    %dma_wait3A_835 = tpu.memref_slice %arg13[%dma_wait3A_833, %dma_wait3A_834] : memref<128x128xf32, #tpu.memory_space<vmem>> -> memref<32x128xf32, #tpu.memory_space<vmem>>
    %dma_wait3A_836 = arith.constant 0 : i32
    %dma_wait3A_837 = tpu.memref_slice %arg9[%dma_wait3A_836] : memref<128xi32, #tpu.memory_space<vmem>> -> memref<32xi32, #tpu.memory_space<vmem>>
    %dma_wait3A_838 = arith.constant 0 : i32
    %dma_wait3A_839 = arith.constant 0 : i32
    %dma_wait3A_840 = tpu.memref_slice %arg4[%dma_wait3A_838, %dma_wait3A_839] : memref<1024x128xf32, #tpu.memory_space<hbm>> -> memref<1024x128xf32, #tpu.memory_space<hbm>>
    tpu.wait_indirect_dma semaphore(%arg16 : memref<!tpu.dma_semaphore, #tpu.memory_space<semaphore_mem>>) src(%dma_wait3A_840 : memref<1024x128xf32, #tpu.memory_space<hbm>>) dst(%dma_wait3A_835 : memref<32x128xf32, #tpu.memory_space<vmem>>)
    %dma_wait3A_841 = arith.constant 32 : i32
    %dma_wait3A_842 = arith.constant 0 : i32
    %dma_wait3A_843 = tpu.memref_slice %arg13[%dma_wait3A_841, %dma_wait3A_842] : memref<128x128xf32, #tpu.memory_space<vmem>> -> memref<32x128xf32, #tpu.memory_space<vmem>>
    %dma_wait3A_844 = arith.constant 32 : i32
    %dma_wait3A_845 = tpu.memref_slice %arg9[%dma_wait3A_844] : memref<128xi32, #tpu.memory_space<vmem>> -> memref<32xi32, #tpu.memory_space<vmem>>
    %dma_wait3A_846 = arith.constant 0 : i32
    %dma_wait3A_847 = arith.constant 0 : i32
    %dma_wait3A_848 = tpu.memref_slice %arg4[%dma_wait3A_846, %dma_wait3A_847] : memref<1024x128xf32, #tpu.memory_space<hbm>> -> memref<1024x128xf32, #tpu.memory_space<hbm>>
    tpu.wait_indirect_dma semaphore(%arg16 : memref<!tpu.dma_semaphore, #tpu.memory_space<semaphore_mem>>) src(%dma_wait3A_848 : memref<1024x128xf32, #tpu.memory_space<hbm>>) dst(%dma_wait3A_843 : memref<32x128xf32, #tpu.memory_space<vmem>>)
    %dma_wait3A_849 = arith.constant 64 : i32
    %dma_wait3A_850 = arith.constant 0 : i32
    %dma_wait3A_851 = tpu.memref_slice %arg13[%dma_wait3A_849, %dma_wait3A_850] : memref<128x128xf32, #tpu.memory_space<vmem>> -> memref<32x128xf32, #tpu.memory_space<vmem>>
    %dma_wait3A_852 = arith.constant 64 : i32
    %dma_wait3A_853 = tpu.memref_slice %arg9[%dma_wait3A_852] : memref<128xi32, #tpu.memory_space<vmem>> -> memref<32xi32, #tpu.memory_space<vmem>>
    %dma_wait3A_854 = arith.constant 0 : i32
    %dma_wait3A_855 = arith.constant 0 : i32
    %dma_wait3A_856 = tpu.memref_slice %arg4[%dma_wait3A_854, %dma_wait3A_855] : memref<1024x128xf32, #tpu.memory_space<hbm>> -> memref<1024x128xf32, #tpu.memory_space<hbm>>
    tpu.wait_indirect_dma semaphore(%arg16 : memref<!tpu.dma_semaphore, #tpu.memory_space<semaphore_mem>>) src(%dma_wait3A_856 : memref<1024x128xf32, #tpu.memory_space<hbm>>) dst(%dma_wait3A_851 : memref<32x128xf32, #tpu.memory_space<vmem>>)
    %dma_wait3A_857 = arith.constant 96 : i32
    %dma_wait3A_858 = arith.constant 0 : i32
    %dma_wait3A_859 = tpu.memref_slice %arg13[%dma_wait3A_857, %dma_wait3A_858] : memref<128x128xf32, #tpu.memory_space<vmem>> -> memref<32x128xf32, #tpu.memory_space<vmem>>
    %dma_wait3A_860 = arith.constant 96 : i32
    %dma_wait3A_861 = tpu.memref_slice %arg9[%dma_wait3A_860] : memref<128xi32, #tpu.memory_space<vmem>> -> memref<32xi32, #tpu.memory_space<vmem>>
    %dma_wait3A_862 = arith.constant 0 : i32
    %dma_wait3A_863 = arith.constant 0 : i32
    %dma_wait3A_864 = tpu.memref_slice %arg4[%dma_wait3A_862, %dma_wait3A_863] : memref<1024x128xf32, #tpu.memory_space<hbm>> -> memref<1024x128xf32, #tpu.memory_space<hbm>>
    tpu.wait_indirect_dma semaphore(%arg16 : memref<!tpu.dma_semaphore, #tpu.memory_space<semaphore_mem>>) src(%dma_wait3A_864 : memref<1024x128xf32, #tpu.memory_space<hbm>>) dst(%dma_wait3A_859 : memref<32x128xf32, #tpu.memory_space<vmem>>)
    %add3A_865 = arith.constant 0 : i32
    %add3A_866 = arith.addi %mul3A_2, %add3A_865 : i32
    %dma_start3A_867 = arith.constant 0 : i32
    %dma_start3A_868 = tpu.memref_slice %arg5[%add3A_866, %dma_start3A_867] : memref<16384x128xf32, #tpu.memory_space<hbm>> -> memref<128x128xf32, #tpu.memory_space<hbm>>
    %dma_start3A_869 = arith.constant 0 : i32
    %dma_start3A_870 = tpu.memref_slice %arg5[%add3A_866, %dma_start3A_869] : memref<16384x128xf32, #tpu.memory_space<hbm>> -> memref<128x128xf32, #tpu.memory_space<hbm>>
    tpu.enqueue_dma source(%arg12 : memref<128x128xf32, #tpu.memory_space<vmem>>) target(%dma_start3A_870 : memref<128x128xf32, #tpu.memory_space<hbm>>) target_semaphore(%arg18 : memref<!tpu.dma_semaphore, #tpu.memory_space<semaphore_mem>>)
    %dma_start3A_871 = arith.constant 0 : i32
    %dma_start3A_872 = tpu.memref_slice %arg6[%add3A_866, %dma_start3A_871] : memref<16384x128xf32, #tpu.memory_space<hbm>> -> memref<128x128xf32, #tpu.memory_space<hbm>>
    %dma_start3A_873 = arith.constant 0 : i32
    %dma_start3A_874 = tpu.memref_slice %arg6[%add3A_866, %dma_start3A_873] : memref<16384x128xf32, #tpu.memory_space<hbm>> -> memref<128x128xf32, #tpu.memory_space<hbm>>
    tpu.enqueue_dma source(%arg13 : memref<128x128xf32, #tpu.memory_space<vmem>>) target(%dma_start3A_874 : memref<128x128xf32, #tpu.memory_space<hbm>>) target_semaphore(%arg18 : memref<!tpu.dma_semaphore, #tpu.memory_space<semaphore_mem>>)
    %add3A_875 = arith.constant 256 : i32
    %add3A_876 = vector.broadcast %add3A_875 : i32 to vector<16xi32>
    %add3A_877 = arith.addi %add3A_876, %iota3A : vector<16xi32>
    %mul3A_878 = arith.constant 6 : i32
    %mul3A_879 = vector.broadcast %mul3A_878 : i32 to vector<16xi32>
    %mul3A_880 = arith.muli %add3A_877, %mul3A_879 : vector<16xi32>
    %add3A_881 = arith.constant 1 : i32
    %add3A_882 = vector.broadcast %add3A_881 : i32 to vector<16xi32>
    %add3A_883 = arith.addi %mul3A_880, %add3A_882 : vector<16xi32>
    %gather3A_884 = tpu.vector_load_idx %arg7[%add3A_883] : memref<3072xi32, #tpu.memory_space<vmem>>[vector<16xi32>], vector<16xi32>,
    %add3A_885 = arith.constant 2 : i32
    %add3A_886 = vector.broadcast %add3A_885 : i32 to vector<16xi32>
    %add3A_887 = arith.addi %mul3A_880, %add3A_886 : vector<16xi32>
    %gather3A_888 = tpu.vector_load_idx %arg7[%add3A_887] : memref<3072xi32, #tpu.memory_space<vmem>>[vector<16xi32>], vector<16xi32>,
    %add3A_889 = arith.constant 3 : i32
    %add3A_890 = vector.broadcast %add3A_889 : i32 to vector<16xi32>
    %add3A_891 = arith.addi %mul3A_880, %add3A_890 : vector<16xi32>
    %gather3A_892 = tpu.vector_load_idx %arg7[%add3A_891] : memref<3072xi32, #tpu.memory_space<vmem>>[vector<16xi32>], vector<16xi32>,
    %add3A_893 = arith.constant 4 : i32
    %add3A_894 = vector.broadcast %add3A_893 : i32 to vector<16xi32>
    %add3A_895 = arith.addi %mul3A_880, %add3A_894 : vector<16xi32>
    %gather3A_896 = tpu.vector_load_idx %arg7[%add3A_895] : memref<3072xi32, #tpu.memory_space<vmem>>[vector<16xi32>], vector<16xi32>,
    %add3A_897 = arith.constant 5 : i32
    %add3A_898 = vector.broadcast %add3A_897 : i32 to vector<16xi32>
    %add3A_899 = arith.addi %mul3A_880, %add3A_898 : vector<16xi32>
    %gather3A_900 = tpu.vector_load_idx %arg7[%add3A_899] : memref<3072xi32, #tpu.memory_space<vmem>>[vector<16xi32>], vector<16xi32>,
    %mul3A_901 = arith.constant 18 : i32
    %mul3A_902 = vector.broadcast %mul3A_901 : i32 to vector<16xi32>
    %mul3A_903 = arith.muli %gather3A_892, %mul3A_902 : vector<16xi32>
    %mul3A_904 = arith.constant 6 : i32
    %mul3A_905 = vector.broadcast %mul3A_904 : i32 to vector<16xi32>
    %mul3A_906 = arith.muli %gather3A_884, %mul3A_905 : vector<16xi32>
    %add3A_907 = arith.addi %mul3A_903, %mul3A_906 : vector<16xi32>
    %add3A_908 = arith.addi %add3A_907, %gather3A_888 : vector<16xi32>
    %swap3A_909 = arith.constant 0 : index
    %swap3A_910 = tpu.vector_load %arg8[%swap3A_909] {strides = array<i32>} : memref<128xi32, #tpu.memory_space<vmem>>, vector<16xi32>,
    tpu.vector_store %arg8[%swap3A_909], %add3A_908 {strides = array<i32>} : memref<128xi32, #tpu.memory_space<vmem>>, vector<16xi32>,
    %mul3A_911 = arith.constant 32 : i32
    %mul3A_912 = vector.broadcast %mul3A_911 : i32 to vector<16xi32>
    %mul3A_913 = arith.muli %gather3A_896, %mul3A_912 : vector<16xi32>
    %add3A_914 = arith.addi %mul3A_913, %gather3A_900 : vector<16xi32>
    %swap3A_915 = arith.constant 0 : index
    %swap3A_916 = tpu.vector_load %arg9[%swap3A_915] {strides = array<i32>} : memref<128xi32, #tpu.memory_space<vmem>>, vector<16xi32>,
    tpu.vector_store %arg9[%swap3A_915], %add3A_914 {strides = array<i32>} : memref<128xi32, #tpu.memory_space<vmem>>, vector<16xi32>,
    %add3A_917 = arith.constant 272 : i32
    %add3A_918 = vector.broadcast %add3A_917 : i32 to vector<16xi32>
    %add3A_919 = arith.addi %add3A_918, %iota3A : vector<16xi32>
    %mul3A_920 = arith.constant 6 : i32
    %mul3A_921 = vector.broadcast %mul3A_920 : i32 to vector<16xi32>
    %mul3A_922 = arith.muli %add3A_919, %mul3A_921 : vector<16xi32>
    %add3A_923 = arith.constant 1 : i32
    %add3A_924 = vector.broadcast %add3A_923 : i32 to vector<16xi32>
    %add3A_925 = arith.addi %mul3A_922, %add3A_924 : vector<16xi32>
    %gather3A_926 = tpu.vector_load_idx %arg7[%add3A_925] : memref<3072xi32, #tpu.memory_space<vmem>>[vector<16xi32>], vector<16xi32>,
    %add3A_927 = arith.constant 2 : i32
    %add3A_928 = vector.broadcast %add3A_927 : i32 to vector<16xi32>
    %add3A_929 = arith.addi %mul3A_922, %add3A_928 : vector<16xi32>
    %gather3A_930 = tpu.vector_load_idx %arg7[%add3A_929] : memref<3072xi32, #tpu.memory_space<vmem>>[vector<16xi32>], vector<16xi32>,
    %add3A_931 = arith.constant 3 : i32
    %add3A_932 = vector.broadcast %add3A_931 : i32 to vector<16xi32>
    %add3A_933 = arith.addi %mul3A_922, %add3A_932 : vector<16xi32>
    %gather3A_934 = tpu.vector_load_idx %arg7[%add3A_933] : memref<3072xi32, #tpu.memory_space<vmem>>[vector<16xi32>], vector<16xi32>,
    %add3A_935 = arith.constant 4 : i32
    %add3A_936 = vector.broadcast %add3A_935 : i32 to vector<16xi32>
    %add3A_937 = arith.addi %mul3A_922, %add3A_936 : vector<16xi32>
    %gather3A_938 = tpu.vector_load_idx %arg7[%add3A_937] : memref<3072xi32, #tpu.memory_space<vmem>>[vector<16xi32>], vector<16xi32>,
    %add3A_939 = arith.constant 5 : i32
    %add3A_940 = vector.broadcast %add3A_939 : i32 to vector<16xi32>
    %add3A_941 = arith.addi %mul3A_922, %add3A_940 : vector<16xi32>
    %gather3A_942 = tpu.vector_load_idx %arg7[%add3A_941] : memref<3072xi32, #tpu.memory_space<vmem>>[vector<16xi32>], vector<16xi32>,
    %mul3A_943 = arith.constant 18 : i32
    %mul3A_944 = vector.broadcast %mul3A_943 : i32 to vector<16xi32>
    %mul3A_945 = arith.muli %gather3A_934, %mul3A_944 : vector<16xi32>
    %mul3A_946 = arith.constant 6 : i32
    %mul3A_947 = vector.broadcast %mul3A_946 : i32 to vector<16xi32>
    %mul3A_948 = arith.muli %gather3A_926, %mul3A_947 : vector<16xi32>
    %add3A_949 = arith.addi %mul3A_945, %mul3A_948 : vector<16xi32>
    %add3A_950 = arith.addi %add3A_949, %gather3A_930 : vector<16xi32>
    %swap3A_951 = arith.constant 16 : index
    %swap3A_952 = tpu.vector_load %arg8[%swap3A_951] {strides = array<i32>} : memref<128xi32, #tpu.memory_space<vmem>>, vector<16xi32>,
    tpu.vector_store %arg8[%swap3A_951], %add3A_950 {strides = array<i32>} : memref<128xi32, #tpu.memory_space<vmem>>, vector<16xi32>,
    %mul3A_953 = arith.constant 32 : i32
    %mul3A_954 = vector.broadcast %mul3A_953 : i32 to vector<16xi32>
    %mul3A_955 = arith.muli %gather3A_938, %mul3A_954 : vector<16xi32>
    %add3A_956 = arith.addi %mul3A_955, %gather3A_942 : vector<16xi32>
    %swap3A_957 = arith.constant 16 : index
    %swap3A_958 = tpu.vector_load %arg9[%swap3A_957] {strides = array<i32>} : memref<128xi32, #tpu.memory_space<vmem>>, vector<16xi32>,
    tpu.vector_store %arg9[%swap3A_957], %add3A_956 {strides = array<i32>} : memref<128xi32, #tpu.memory_space<vmem>>, vector<16xi32>,
    %add3A_959 = arith.constant 288 : i32
    %add3A_960 = vector.broadcast %add3A_959 : i32 to vector<16xi32>
    %add3A_961 = arith.addi %add3A_960, %iota3A : vector<16xi32>
    %mul3A_962 = arith.constant 6 : i32
    %mul3A_963 = vector.broadcast %mul3A_962 : i32 to vector<16xi32>
    %mul3A_964 = arith.muli %add3A_961, %mul3A_963 : vector<16xi32>
    %add3A_965 = arith.constant 1 : i32
    %add3A_966 = vector.broadcast %add3A_965 : i32 to vector<16xi32>
    %add3A_967 = arith.addi %mul3A_964, %add3A_966 : vector<16xi32>
    %gather3A_968 = tpu.vector_load_idx %arg7[%add3A_967] : memref<3072xi32, #tpu.memory_space<vmem>>[vector<16xi32>], vector<16xi32>,
    %add3A_969 = arith.constant 2 : i32
    %add3A_970 = vector.broadcast %add3A_969 : i32 to vector<16xi32>
    %add3A_971 = arith.addi %mul3A_964, %add3A_970 : vector<16xi32>
    %gather3A_972 = tpu.vector_load_idx %arg7[%add3A_971] : memref<3072xi32, #tpu.memory_space<vmem>>[vector<16xi32>], vector<16xi32>,
    %add3A_973 = arith.constant 3 : i32
    %add3A_974 = vector.broadcast %add3A_973 : i32 to vector<16xi32>
    %add3A_975 = arith.addi %mul3A_964, %add3A_974 : vector<16xi32>
    %gather3A_976 = tpu.vector_load_idx %arg7[%add3A_975] : memref<3072xi32, #tpu.memory_space<vmem>>[vector<16xi32>], vector<16xi32>,
    %add3A_977 = arith.constant 4 : i32
    %add3A_978 = vector.broadcast %add3A_977 : i32 to vector<16xi32>
    %add3A_979 = arith.addi %mul3A_964, %add3A_978 : vector<16xi32>
    %gather3A_980 = tpu.vector_load_idx %arg7[%add3A_979] : memref<3072xi32, #tpu.memory_space<vmem>>[vector<16xi32>], vector<16xi32>,
    %add3A_981 = arith.constant 5 : i32
    %add3A_982 = vector.broadcast %add3A_981 : i32 to vector<16xi32>
    %add3A_983 = arith.addi %mul3A_964, %add3A_982 : vector<16xi32>
    %gather3A_984 = tpu.vector_load_idx %arg7[%add3A_983] : memref<3072xi32, #tpu.memory_space<vmem>>[vector<16xi32>], vector<16xi32>,
    %mul3A_985 = arith.constant 18 : i32
    %mul3A_986 = vector.broadcast %mul3A_985 : i32 to vector<16xi32>
    %mul3A_987 = arith.muli %gather3A_976, %mul3A_986 : vector<16xi32>
    %mul3A_988 = arith.constant 6 : i32
    %mul3A_989 = vector.broadcast %mul3A_988 : i32 to vector<16xi32>
    %mul3A_990 = arith.muli %gather3A_968, %mul3A_989 : vector<16xi32>
    %add3A_991 = arith.addi %mul3A_987, %mul3A_990 : vector<16xi32>
    %add3A_992 = arith.addi %add3A_991, %gather3A_972 : vector<16xi32>
    %swap3A_993 = arith.constant 32 : index
    %swap3A_994 = tpu.vector_load %arg8[%swap3A_993] {strides = array<i32>} : memref<128xi32, #tpu.memory_space<vmem>>, vector<16xi32>,
    tpu.vector_store %arg8[%swap3A_993], %add3A_992 {strides = array<i32>} : memref<128xi32, #tpu.memory_space<vmem>>, vector<16xi32>,
    %mul3A_995 = arith.constant 32 : i32
    %mul3A_996 = vector.broadcast %mul3A_995 : i32 to vector<16xi32>
    %mul3A_997 = arith.muli %gather3A_980, %mul3A_996 : vector<16xi32>
    %add3A_998 = arith.addi %mul3A_997, %gather3A_984 : vector<16xi32>
    %swap3A_999 = arith.constant 32 : index
    %swap3A_1000 = tpu.vector_load %arg9[%swap3A_999] {strides = array<i32>} : memref<128xi32, #tpu.memory_space<vmem>>, vector<16xi32>,
    tpu.vector_store %arg9[%swap3A_999], %add3A_998 {strides = array<i32>} : memref<128xi32, #tpu.memory_space<vmem>>, vector<16xi32>,
    %add3A_1001 = arith.constant 304 : i32
    %add3A_1002 = vector.broadcast %add3A_1001 : i32 to vector<16xi32>
    %add3A_1003 = arith.addi %add3A_1002, %iota3A : vector<16xi32>
    %mul3A_1004 = arith.constant 6 : i32
    %mul3A_1005 = vector.broadcast %mul3A_1004 : i32 to vector<16xi32>
    %mul3A_1006 = arith.muli %add3A_1003, %mul3A_1005 : vector<16xi32>
    %add3A_1007 = arith.constant 1 : i32
    %add3A_1008 = vector.broadcast %add3A_1007 : i32 to vector<16xi32>
    %add3A_1009 = arith.addi %mul3A_1006, %add3A_1008 : vector<16xi32>
    %gather3A_1010 = tpu.vector_load_idx %arg7[%add3A_1009] : memref<3072xi32, #tpu.memory_space<vmem>>[vector<16xi32>], vector<16xi32>,
    %add3A_1011 = arith.constant 2 : i32
    %add3A_1012 = vector.broadcast %add3A_1011 : i32 to vector<16xi32>
    %add3A_1013 = arith.addi %mul3A_1006, %add3A_1012 : vector<16xi32>
    %gather3A_1014 = tpu.vector_load_idx %arg7[%add3A_1013] : memref<3072xi32, #tpu.memory_space<vmem>>[vector<16xi32>], vector<16xi32>,
    %add3A_1015 = arith.constant 3 : i32
    %add3A_1016 = vector.broadcast %add3A_1015 : i32 to vector<16xi32>
    %add3A_1017 = arith.addi %mul3A_1006, %add3A_1016 : vector<16xi32>
    %gather3A_1018 = tpu.vector_load_idx %arg7[%add3A_1017] : memref<3072xi32, #tpu.memory_space<vmem>>[vector<16xi32>], vector<16xi32>,
    %add3A_1019 = arith.constant 4 : i32
    %add3A_1020 = vector.broadcast %add3A_1019 : i32 to vector<16xi32>
    %add3A_1021 = arith.addi %mul3A_1006, %add3A_1020 : vector<16xi32>
    %gather3A_1022 = tpu.vector_load_idx %arg7[%add3A_1021] : memref<3072xi32, #tpu.memory_space<vmem>>[vector<16xi32>], vector<16xi32>,
    %add3A_1023 = arith.constant 5 : i32
    %add3A_1024 = vector.broadcast %add3A_1023 : i32 to vector<16xi32>
    %add3A_1025 = arith.addi %mul3A_1006, %add3A_1024 : vector<16xi32>
    %gather3A_1026 = tpu.vector_load_idx %arg7[%add3A_1025] : memref<3072xi32, #tpu.memory_space<vmem>>[vector<16xi32>], vector<16xi32>,
    %mul3A_1027 = arith.constant 18 : i32
    %mul3A_1028 = vector.broadcast %mul3A_1027 : i32 to vector<16xi32>
    %mul3A_1029 = arith.muli %gather3A_1018, %mul3A_1028 : vector<16xi32>
    %mul3A_1030 = arith.constant 6 : i32
    %mul3A_1031 = vector.broadcast %mul3A_1030 : i32 to vector<16xi32>
    %mul3A_1032 = arith.muli %gather3A_1010, %mul3A_1031 : vector<16xi32>
    %add3A_1033 = arith.addi %mul3A_1029, %mul3A_1032 : vector<16xi32>
    %add3A_1034 = arith.addi %add3A_1033, %gather3A_1014 : vector<16xi32>
    %swap3A_1035 = arith.constant 48 : index
    %swap3A_1036 = tpu.vector_load %arg8[%swap3A_1035] {strides = array<i32>} : memref<128xi32, #tpu.memory_space<vmem>>, vector<16xi32>,
    tpu.vector_store %arg8[%swap3A_1035], %add3A_1034 {strides = array<i32>} : memref<128xi32, #tpu.memory_space<vmem>>, vector<16xi32>,
    %mul3A_1037 = arith.constant 32 : i32
    %mul3A_1038 = vector.broadcast %mul3A_1037 : i32 to vector<16xi32>
    %mul3A_1039 = arith.muli %gather3A_1022, %mul3A_1038 : vector<16xi32>
    %add3A_1040 = arith.addi %mul3A_1039, %gather3A_1026 : vector<16xi32>
    %swap3A_1041 = arith.constant 48 : index
    %swap3A_1042 = tpu.vector_load %arg9[%swap3A_1041] {strides = array<i32>} : memref<128xi32, #tpu.memory_space<vmem>>, vector<16xi32>,
    tpu.vector_store %arg9[%swap3A_1041], %add3A_1040 {strides = array<i32>} : memref<128xi32, #tpu.memory_space<vmem>>, vector<16xi32>,
    %add3A_1043 = arith.constant 320 : i32
    %add3A_1044 = vector.broadcast %add3A_1043 : i32 to vector<16xi32>
    %add3A_1045 = arith.addi %add3A_1044, %iota3A : vector<16xi32>
    %mul3A_1046 = arith.constant 6 : i32
    %mul3A_1047 = vector.broadcast %mul3A_1046 : i32 to vector<16xi32>
    %mul3A_1048 = arith.muli %add3A_1045, %mul3A_1047 : vector<16xi32>
    %add3A_1049 = arith.constant 1 : i32
    %add3A_1050 = vector.broadcast %add3A_1049 : i32 to vector<16xi32>
    %add3A_1051 = arith.addi %mul3A_1048, %add3A_1050 : vector<16xi32>
    %gather3A_1052 = tpu.vector_load_idx %arg7[%add3A_1051] : memref<3072xi32, #tpu.memory_space<vmem>>[vector<16xi32>], vector<16xi32>,
    %add3A_1053 = arith.constant 2 : i32
    %add3A_1054 = vector.broadcast %add3A_1053 : i32 to vector<16xi32>
    %add3A_1055 = arith.addi %mul3A_1048, %add3A_1054 : vector<16xi32>
    %gather3A_1056 = tpu.vector_load_idx %arg7[%add3A_1055] : memref<3072xi32, #tpu.memory_space<vmem>>[vector<16xi32>], vector<16xi32>,
    %add3A_1057 = arith.constant 3 : i32
    %add3A_1058 = vector.broadcast %add3A_1057 : i32 to vector<16xi32>
    %add3A_1059 = arith.addi %mul3A_1048, %add3A_1058 : vector<16xi32>
    %gather3A_1060 = tpu.vector_load_idx %arg7[%add3A_1059] : memref<3072xi32, #tpu.memory_space<vmem>>[vector<16xi32>], vector<16xi32>,
    %add3A_1061 = arith.constant 4 : i32
    %add3A_1062 = vector.broadcast %add3A_1061 : i32 to vector<16xi32>
    %add3A_1063 = arith.addi %mul3A_1048, %add3A_1062 : vector<16xi32>
    %gather3A_1064 = tpu.vector_load_idx %arg7[%add3A_1063] : memref<3072xi32, #tpu.memory_space<vmem>>[vector<16xi32>], vector<16xi32>,
    %add3A_1065 = arith.constant 5 : i32
    %add3A_1066 = vector.broadcast %add3A_1065 : i32 to vector<16xi32>
    %add3A_1067 = arith.addi %mul3A_1048, %add3A_1066 : vector<16xi32>
    %gather3A_1068 = tpu.vector_load_idx %arg7[%add3A_1067] : memref<3072xi32, #tpu.memory_space<vmem>>[vector<16xi32>], vector<16xi32>,
    %mul3A_1069 = arith.constant 18 : i32
    %mul3A_1070 = vector.broadcast %mul3A_1069 : i32 to vector<16xi32>
    %mul3A_1071 = arith.muli %gather3A_1060, %mul3A_1070 : vector<16xi32>
    %mul3A_1072 = arith.constant 6 : i32
    %mul3A_1073 = vector.broadcast %mul3A_1072 : i32 to vector<16xi32>
    %mul3A_1074 = arith.muli %gather3A_1052, %mul3A_1073 : vector<16xi32>
    %add3A_1075 = arith.addi %mul3A_1071, %mul3A_1074 : vector<16xi32>
    %add3A_1076 = arith.addi %add3A_1075, %gather3A_1056 : vector<16xi32>
    %swap3A_1077 = arith.constant 64 : index
    %swap3A_1078 = tpu.vector_load %arg8[%swap3A_1077] {strides = array<i32>} : memref<128xi32, #tpu.memory_space<vmem>>, vector<16xi32>,
    tpu.vector_store %arg8[%swap3A_1077], %add3A_1076 {strides = array<i32>} : memref<128xi32, #tpu.memory_space<vmem>>, vector<16xi32>,
    %mul3A_1079 = arith.constant 32 : i32
    %mul3A_1080 = vector.broadcast %mul3A_1079 : i32 to vector<16xi32>
    %mul3A_1081 = arith.muli %gather3A_1064, %mul3A_1080 : vector<16xi32>
    %add3A_1082 = arith.addi %mul3A_1081, %gather3A_1068 : vector<16xi32>
    %swap3A_1083 = arith.constant 64 : index
    %swap3A_1084 = tpu.vector_load %arg9[%swap3A_1083] {strides = array<i32>} : memref<128xi32, #tpu.memory_space<vmem>>, vector<16xi32>,
    tpu.vector_store %arg9[%swap3A_1083], %add3A_1082 {strides = array<i32>} : memref<128xi32, #tpu.memory_space<vmem>>, vector<16xi32>,
    %add3A_1085 = arith.constant 336 : i32
    %add3A_1086 = vector.broadcast %add3A_1085 : i32 to vector<16xi32>
    %add3A_1087 = arith.addi %add3A_1086, %iota3A : vector<16xi32>
    %mul3A_1088 = arith.constant 6 : i32
    %mul3A_1089 = vector.broadcast %mul3A_1088 : i32 to vector<16xi32>
    %mul3A_1090 = arith.muli %add3A_1087, %mul3A_1089 : vector<16xi32>
    %add3A_1091 = arith.constant 1 : i32
    %add3A_1092 = vector.broadcast %add3A_1091 : i32 to vector<16xi32>
    %add3A_1093 = arith.addi %mul3A_1090, %add3A_1092 : vector<16xi32>
    %gather3A_1094 = tpu.vector_load_idx %arg7[%add3A_1093] : memref<3072xi32, #tpu.memory_space<vmem>>[vector<16xi32>], vector<16xi32>,
    %add3A_1095 = arith.constant 2 : i32
    %add3A_1096 = vector.broadcast %add3A_1095 : i32 to vector<16xi32>
    %add3A_1097 = arith.addi %mul3A_1090, %add3A_1096 : vector<16xi32>
    %gather3A_1098 = tpu.vector_load_idx %arg7[%add3A_1097] : memref<3072xi32, #tpu.memory_space<vmem>>[vector<16xi32>], vector<16xi32>,
    %add3A_1099 = arith.constant 3 : i32
    %add3A_1100 = vector.broadcast %add3A_1099 : i32 to vector<16xi32>
    %add3A_1101 = arith.addi %mul3A_1090, %add3A_1100 : vector<16xi32>
    %gather3A_1102 = tpu.vector_load_idx %arg7[%add3A_1101] : memref<3072xi32, #tpu.memory_space<vmem>>[vector<16xi32>], vector<16xi32>,
    %add3A_1103 = arith.constant 4 : i32
    %add3A_1104 = vector.broadcast %add3A_1103 : i32 to vector<16xi32>
    %add3A_1105 = arith.addi %mul3A_1090, %add3A_1104 : vector<16xi32>
    %gather3A_1106 = tpu.vector_load_idx %arg7[%add3A_1105] : memref<3072xi32, #tpu.memory_space<vmem>>[vector<16xi32>], vector<16xi32>,
    %add3A_1107 = arith.constant 5 : i32
    %add3A_1108 = vector.broadcast %add3A_1107 : i32 to vector<16xi32>
    %add3A_1109 = arith.addi %mul3A_1090, %add3A_1108 : vector<16xi32>
    %gather3A_1110 = tpu.vector_load_idx %arg7[%add3A_1109] : memref<3072xi32, #tpu.memory_space<vmem>>[vector<16xi32>], vector<16xi32>,
    %mul3A_1111 = arith.constant 18 : i32
    %mul3A_1112 = vector.broadcast %mul3A_1111 : i32 to vector<16xi32>
    %mul3A_1113 = arith.muli %gather3A_1102, %mul3A_1112 : vector<16xi32>
    %mul3A_1114 = arith.constant 6 : i32
    %mul3A_1115 = vector.broadcast %mul3A_1114 : i32 to vector<16xi32>
    %mul3A_1116 = arith.muli %gather3A_1094, %mul3A_1115 : vector<16xi32>
    %add3A_1117 = arith.addi %mul3A_1113, %mul3A_1116 : vector<16xi32>
    %add3A_1118 = arith.addi %add3A_1117, %gather3A_1098 : vector<16xi32>
    %swap3A_1119 = arith.constant 80 : index
    %swap3A_1120 = tpu.vector_load %arg8[%swap3A_1119] {strides = array<i32>} : memref<128xi32, #tpu.memory_space<vmem>>, vector<16xi32>,
    tpu.vector_store %arg8[%swap3A_1119], %add3A_1118 {strides = array<i32>} : memref<128xi32, #tpu.memory_space<vmem>>, vector<16xi32>,
    %mul3A_1121 = arith.constant 32 : i32
    %mul3A_1122 = vector.broadcast %mul3A_1121 : i32 to vector<16xi32>
    %mul3A_1123 = arith.muli %gather3A_1106, %mul3A_1122 : vector<16xi32>
    %add3A_1124 = arith.addi %mul3A_1123, %gather3A_1110 : vector<16xi32>
    %swap3A_1125 = arith.constant 80 : index
    %swap3A_1126 = tpu.vector_load %arg9[%swap3A_1125] {strides = array<i32>} : memref<128xi32, #tpu.memory_space<vmem>>, vector<16xi32>,
    tpu.vector_store %arg9[%swap3A_1125], %add3A_1124 {strides = array<i32>} : memref<128xi32, #tpu.memory_space<vmem>>, vector<16xi32>,
    %add3A_1127 = arith.constant 352 : i32
    %add3A_1128 = vector.broadcast %add3A_1127 : i32 to vector<16xi32>
    %add3A_1129 = arith.addi %add3A_1128, %iota3A : vector<16xi32>
    %mul3A_1130 = arith.constant 6 : i32
    %mul3A_1131 = vector.broadcast %mul3A_1130 : i32 to vector<16xi32>
    %mul3A_1132 = arith.muli %add3A_1129, %mul3A_1131 : vector<16xi32>
    %add3A_1133 = arith.constant 1 : i32
    %add3A_1134 = vector.broadcast %add3A_1133 : i32 to vector<16xi32>
    %add3A_1135 = arith.addi %mul3A_1132, %add3A_1134 : vector<16xi32>
    %gather3A_1136 = tpu.vector_load_idx %arg7[%add3A_1135] : memref<3072xi32, #tpu.memory_space<vmem>>[vector<16xi32>], vector<16xi32>,
    %add3A_1137 = arith.constant 2 : i32
    %add3A_1138 = vector.broadcast %add3A_1137 : i32 to vector<16xi32>
    %add3A_1139 = arith.addi %mul3A_1132, %add3A_1138 : vector<16xi32>
    %gather3A_1140 = tpu.vector_load_idx %arg7[%add3A_1139] : memref<3072xi32, #tpu.memory_space<vmem>>[vector<16xi32>], vector<16xi32>,
    %add3A_1141 = arith.constant 3 : i32
    %add3A_1142 = vector.broadcast %add3A_1141 : i32 to vector<16xi32>
    %add3A_1143 = arith.addi %mul3A_1132, %add3A_1142 : vector<16xi32>
    %gather3A_1144 = tpu.vector_load_idx %arg7[%add3A_1143] : memref<3072xi32, #tpu.memory_space<vmem>>[vector<16xi32>], vector<16xi32>,
    %add3A_1145 = arith.constant 4 : i32
    %add3A_1146 = vector.broadcast %add3A_1145 : i32 to vector<16xi32>
    %add3A_1147 = arith.addi %mul3A_1132, %add3A_1146 : vector<16xi32>
    %gather3A_1148 = tpu.vector_load_idx %arg7[%add3A_1147] : memref<3072xi32, #tpu.memory_space<vmem>>[vector<16xi32>], vector<16xi32>,
    %add3A_1149 = arith.constant 5 : i32
    %add3A_1150 = vector.broadcast %add3A_1149 : i32 to vector<16xi32>
    %add3A_1151 = arith.addi %mul3A_1132, %add3A_1150 : vector<16xi32>
    %gather3A_1152 = tpu.vector_load_idx %arg7[%add3A_1151] : memref<3072xi32, #tpu.memory_space<vmem>>[vector<16xi32>], vector<16xi32>,
    %mul3A_1153 = arith.constant 18 : i32
    %mul3A_1154 = vector.broadcast %mul3A_1153 : i32 to vector<16xi32>
    %mul3A_1155 = arith.muli %gather3A_1144, %mul3A_1154 : vector<16xi32>
    %mul3A_1156 = arith.constant 6 : i32
    %mul3A_1157 = vector.broadcast %mul3A_1156 : i32 to vector<16xi32>
    %mul3A_1158 = arith.muli %gather3A_1136, %mul3A_1157 : vector<16xi32>
    %add3A_1159 = arith.addi %mul3A_1155, %mul3A_1158 : vector<16xi32>
    %add3A_1160 = arith.addi %add3A_1159, %gather3A_1140 : vector<16xi32>
    %swap3A_1161 = arith.constant 96 : index
    %swap3A_1162 = tpu.vector_load %arg8[%swap3A_1161] {strides = array<i32>} : memref<128xi32, #tpu.memory_space<vmem>>, vector<16xi32>,
    tpu.vector_store %arg8[%swap3A_1161], %add3A_1160 {strides = array<i32>} : memref<128xi32, #tpu.memory_space<vmem>>, vector<16xi32>,
    %mul3A_1163 = arith.constant 32 : i32
    %mul3A_1164 = vector.broadcast %mul3A_1163 : i32 to vector<16xi32>
    %mul3A_1165 = arith.muli %gather3A_1148, %mul3A_1164 : vector<16xi32>
    %add3A_1166 = arith.addi %mul3A_1165, %gather3A_1152 : vector<16xi32>
    %swap3A_1167 = arith.constant 96 : index
    %swap3A_1168 = tpu.vector_load %arg9[%swap3A_1167] {strides = array<i32>} : memref<128xi32, #tpu.memory_space<vmem>>, vector<16xi32>,
    tpu.vector_store %arg9[%swap3A_1167], %add3A_1166 {strides = array<i32>} : memref<128xi32, #tpu.memory_space<vmem>>, vector<16xi32>,
    %add3A_1169 = arith.constant 368 : i32
    %add3A_1170 = vector.broadcast %add3A_1169 : i32 to vector<16xi32>
    %add3A_1171 = arith.addi %add3A_1170, %iota3A : vector<16xi32>
    %mul3A_1172 = arith.constant 6 : i32
    %mul3A_1173 = vector.broadcast %mul3A_1172 : i32 to vector<16xi32>
    %mul3A_1174 = arith.muli %add3A_1171, %mul3A_1173 : vector<16xi32>
    %add3A_1175 = arith.constant 1 : i32
    %add3A_1176 = vector.broadcast %add3A_1175 : i32 to vector<16xi32>
    %add3A_1177 = arith.addi %mul3A_1174, %add3A_1176 : vector<16xi32>
    %gather3A_1178 = tpu.vector_load_idx %arg7[%add3A_1177] : memref<3072xi32, #tpu.memory_space<vmem>>[vector<16xi32>], vector<16xi32>,
    %add3A_1179 = arith.constant 2 : i32
    %add3A_1180 = vector.broadcast %add3A_1179 : i32 to vector<16xi32>
    %add3A_1181 = arith.addi %mul3A_1174, %add3A_1180 : vector<16xi32>
    %gather3A_1182 = tpu.vector_load_idx %arg7[%add3A_1181] : memref<3072xi32, #tpu.memory_space<vmem>>[vector<16xi32>], vector<16xi32>,
    %add3A_1183 = arith.constant 3 : i32
    %add3A_1184 = vector.broadcast %add3A_1183 : i32 to vector<16xi32>
    %add3A_1185 = arith.addi %mul3A_1174, %add3A_1184 : vector<16xi32>
    %gather3A_1186 = tpu.vector_load_idx %arg7[%add3A_1185] : memref<3072xi32, #tpu.memory_space<vmem>>[vector<16xi32>], vector<16xi32>,
    %add3A_1187 = arith.constant 4 : i32
    %add3A_1188 = vector.broadcast %add3A_1187 : i32 to vector<16xi32>
    %add3A_1189 = arith.addi %mul3A_1174, %add3A_1188 : vector<16xi32>
    %gather3A_1190 = tpu.vector_load_idx %arg7[%add3A_1189] : memref<3072xi32, #tpu.memory_space<vmem>>[vector<16xi32>], vector<16xi32>,
    %add3A_1191 = arith.constant 5 : i32
    %add3A_1192 = vector.broadcast %add3A_1191 : i32 to vector<16xi32>
    %add3A_1193 = arith.addi %mul3A_1174, %add3A_1192 : vector<16xi32>
    %gather3A_1194 = tpu.vector_load_idx %arg7[%add3A_1193] : memref<3072xi32, #tpu.memory_space<vmem>>[vector<16xi32>], vector<16xi32>,
    %mul3A_1195 = arith.constant 18 : i32
    %mul3A_1196 = vector.broadcast %mul3A_1195 : i32 to vector<16xi32>
    %mul3A_1197 = arith.muli %gather3A_1186, %mul3A_1196 : vector<16xi32>
    %mul3A_1198 = arith.constant 6 : i32
    %mul3A_1199 = vector.broadcast %mul3A_1198 : i32 to vector<16xi32>
    %mul3A_1200 = arith.muli %gather3A_1178, %mul3A_1199 : vector<16xi32>
    %add3A_1201 = arith.addi %mul3A_1197, %mul3A_1200 : vector<16xi32>
    %add3A_1202 = arith.addi %add3A_1201, %gather3A_1182 : vector<16xi32>
    %swap3A_1203 = arith.constant 112 : index
    %swap3A_1204 = tpu.vector_load %arg8[%swap3A_1203] {strides = array<i32>} : memref<128xi32, #tpu.memory_space<vmem>>, vector<16xi32>,
    tpu.vector_store %arg8[%swap3A_1203], %add3A_1202 {strides = array<i32>} : memref<128xi32, #tpu.memory_space<vmem>>, vector<16xi32>,
    %mul3A_1205 = arith.constant 32 : i32
    %mul3A_1206 = vector.broadcast %mul3A_1205 : i32 to vector<16xi32>
    %mul3A_1207 = arith.muli %gather3A_1190, %mul3A_1206 : vector<16xi32>
    %add3A_1208 = arith.addi %mul3A_1207, %gather3A_1194 : vector<16xi32>
    %swap3A_1209 = arith.constant 112 : index
    %swap3A_1210 = tpu.vector_load %arg9[%swap3A_1209] {strides = array<i32>} : memref<128xi32, #tpu.memory_space<vmem>>, vector<16xi32>,
    tpu.vector_store %arg9[%swap3A_1209], %add3A_1208 {strides = array<i32>} : memref<128xi32, #tpu.memory_space<vmem>>, vector<16xi32>,
    %dma_wait3A_1211 = arith.constant 0 : i32
    %dma_wait3A_1212 = tpu.memref_slice %arg5[%add3A_866, %dma_wait3A_1211] : memref<16384x128xf32, #tpu.memory_space<hbm>> -> memref<128x128xf32, #tpu.memory_space<hbm>>
    %dma_wait3A_1213 = arith.constant 0 : i32
    %dma_wait3A_1214 = tpu.memref_slice %arg5[%add3A_866, %dma_wait3A_1213] : memref<16384x128xf32, #tpu.memory_space<hbm>> -> memref<128x128xf32, #tpu.memory_space<hbm>>
    tpu.wait_dma2 semaphore(%arg18 : memref<!tpu.dma_semaphore, #tpu.memory_space<semaphore_mem>>) src(%arg12 : memref<128x128xf32, #tpu.memory_space<vmem>>) dst(%dma_wait3A_1214 : memref<128x128xf32, #tpu.memory_space<hbm>>)
    %dma_wait3A_1215 = arith.constant 0 : i32
    %dma_wait3A_1216 = tpu.memref_slice %arg6[%add3A_866, %dma_wait3A_1215] : memref<16384x128xf32, #tpu.memory_space<hbm>> -> memref<128x128xf32, #tpu.memory_space<hbm>>
    %dma_wait3A_1217 = arith.constant 0 : i32
    %dma_wait3A_1218 = tpu.memref_slice %arg6[%add3A_866, %dma_wait3A_1217] : memref<16384x128xf32, #tpu.memory_space<hbm>> -> memref<128x128xf32, #tpu.memory_space<hbm>>
    tpu.wait_dma2 semaphore(%arg18 : memref<!tpu.dma_semaphore, #tpu.memory_space<semaphore_mem>>) src(%arg13 : memref<128x128xf32, #tpu.memory_space<vmem>>) dst(%dma_wait3A_1218 : memref<128x128xf32, #tpu.memory_space<hbm>>)
    %dma_start3A_1219 = arith.constant 0 : i32
    %dma_start3A_1220 = arith.constant 0 : i32
    %dma_start3A_1221 = tpu.memref_slice %arg12[%dma_start3A_1219, %dma_start3A_1220] : memref<128x128xf32, #tpu.memory_space<vmem>> -> memref<32x128xf32, #tpu.memory_space<vmem>>
    %dma_start3A_1222 = arith.constant 0 : i32
    %dma_start3A_1223 = tpu.memref_slice %arg8[%dma_start3A_1222] : memref<128xi32, #tpu.memory_space<vmem>> -> memref<32xi32, #tpu.memory_space<vmem>>
    %dma_start3A_1224 = arith.constant 0 : i32
    %dma_start3A_1225 = arith.constant 0 : i32
    %dma_start3A_1226 = tpu.memref_slice %arg3[%dma_start3A_1224, %dma_start3A_1225] : memref<720x128xf32, #tpu.memory_space<hbm>> -> memref<720x128xf32, #tpu.memory_space<hbm>>
    tpu.enqueue_indirect_dma source(%dma_start3A_1226 : memref<720x128xf32, #tpu.memory_space<hbm>>) target(%dma_start3A_1221 : memref<32x128xf32, #tpu.memory_space<vmem>>) offsets(%dma_start3A_1223 : memref<32xi32, #tpu.memory_space<vmem>>) semaphore(%arg16 : memref<!tpu.dma_semaphore, #tpu.memory_space<semaphore_mem>>)
    %dma_start3A_1227 = arith.constant 32 : i32
    %dma_start3A_1228 = arith.constant 0 : i32
    %dma_start3A_1229 = tpu.memref_slice %arg12[%dma_start3A_1227, %dma_start3A_1228] : memref<128x128xf32, #tpu.memory_space<vmem>> -> memref<32x128xf32, #tpu.memory_space<vmem>>
    %dma_start3A_1230 = arith.constant 32 : i32
    %dma_start3A_1231 = tpu.memref_slice %arg8[%dma_start3A_1230] : memref<128xi32, #tpu.memory_space<vmem>> -> memref<32xi32, #tpu.memory_space<vmem>>
    %dma_start3A_1232 = arith.constant 0 : i32
    %dma_start3A_1233 = arith.constant 0 : i32
    %dma_start3A_1234 = tpu.memref_slice %arg3[%dma_start3A_1232, %dma_start3A_1233] : memref<720x128xf32, #tpu.memory_space<hbm>> -> memref<720x128xf32, #tpu.memory_space<hbm>>
    tpu.enqueue_indirect_dma source(%dma_start3A_1234 : memref<720x128xf32, #tpu.memory_space<hbm>>) target(%dma_start3A_1229 : memref<32x128xf32, #tpu.memory_space<vmem>>) offsets(%dma_start3A_1231 : memref<32xi32, #tpu.memory_space<vmem>>) semaphore(%arg16 : memref<!tpu.dma_semaphore, #tpu.memory_space<semaphore_mem>>)
    %dma_start3A_1235 = arith.constant 64 : i32
    %dma_start3A_1236 = arith.constant 0 : i32
    %dma_start3A_1237 = tpu.memref_slice %arg12[%dma_start3A_1235, %dma_start3A_1236] : memref<128x128xf32, #tpu.memory_space<vmem>> -> memref<32x128xf32, #tpu.memory_space<vmem>>
    %dma_start3A_1238 = arith.constant 64 : i32
    %dma_start3A_1239 = tpu.memref_slice %arg8[%dma_start3A_1238] : memref<128xi32, #tpu.memory_space<vmem>> -> memref<32xi32, #tpu.memory_space<vmem>>
    %dma_start3A_1240 = arith.constant 0 : i32
    %dma_start3A_1241 = arith.constant 0 : i32
    %dma_start3A_1242 = tpu.memref_slice %arg3[%dma_start3A_1240, %dma_start3A_1241] : memref<720x128xf32, #tpu.memory_space<hbm>> -> memref<720x128xf32, #tpu.memory_space<hbm>>
    tpu.enqueue_indirect_dma source(%dma_start3A_1242 : memref<720x128xf32, #tpu.memory_space<hbm>>) target(%dma_start3A_1237 : memref<32x128xf32, #tpu.memory_space<vmem>>) offsets(%dma_start3A_1239 : memref<32xi32, #tpu.memory_space<vmem>>) semaphore(%arg16 : memref<!tpu.dma_semaphore, #tpu.memory_space<semaphore_mem>>)
    %dma_start3A_1243 = arith.constant 96 : i32
    %dma_start3A_1244 = arith.constant 0 : i32
    %dma_start3A_1245 = tpu.memref_slice %arg12[%dma_start3A_1243, %dma_start3A_1244] : memref<128x128xf32, #tpu.memory_space<vmem>> -> memref<32x128xf32, #tpu.memory_space<vmem>>
    %dma_start3A_1246 = arith.constant 96 : i32
    %dma_start3A_1247 = tpu.memref_slice %arg8[%dma_start3A_1246] : memref<128xi32, #tpu.memory_space<vmem>> -> memref<32xi32, #tpu.memory_space<vmem>>
    %dma_start3A_1248 = arith.constant 0 : i32
    %dma_start3A_1249 = arith.constant 0 : i32
    %dma_start3A_1250 = tpu.memref_slice %arg3[%dma_start3A_1248, %dma_start3A_1249] : memref<720x128xf32, #tpu.memory_space<hbm>> -> memref<720x128xf32, #tpu.memory_space<hbm>>
    tpu.enqueue_indirect_dma source(%dma_start3A_1250 : memref<720x128xf32, #tpu.memory_space<hbm>>) target(%dma_start3A_1245 : memref<32x128xf32, #tpu.memory_space<vmem>>) offsets(%dma_start3A_1247 : memref<32xi32, #tpu.memory_space<vmem>>) semaphore(%arg16 : memref<!tpu.dma_semaphore, #tpu.memory_space<semaphore_mem>>)
    %dma_start3A_1251 = arith.constant 0 : i32
    %dma_start3A_1252 = arith.constant 0 : i32
    %dma_start3A_1253 = tpu.memref_slice %arg13[%dma_start3A_1251, %dma_start3A_1252] : memref<128x128xf32, #tpu.memory_space<vmem>> -> memref<32x128xf32, #tpu.memory_space<vmem>>
    %dma_start3A_1254 = arith.constant 0 : i32
    %dma_start3A_1255 = tpu.memref_slice %arg9[%dma_start3A_1254] : memref<128xi32, #tpu.memory_space<vmem>> -> memref<32xi32, #tpu.memory_space<vmem>>
    %dma_start3A_1256 = arith.constant 0 : i32
    %dma_start3A_1257 = arith.constant 0 : i32
    %dma_start3A_1258 = tpu.memref_slice %arg4[%dma_start3A_1256, %dma_start3A_1257] : memref<1024x128xf32, #tpu.memory_space<hbm>> -> memref<1024x128xf32, #tpu.memory_space<hbm>>
    tpu.enqueue_indirect_dma source(%dma_start3A_1258 : memref<1024x128xf32, #tpu.memory_space<hbm>>) target(%dma_start3A_1253 : memref<32x128xf32, #tpu.memory_space<vmem>>) offsets(%dma_start3A_1255 : memref<32xi32, #tpu.memory_space<vmem>>) semaphore(%arg16 : memref<!tpu.dma_semaphore, #tpu.memory_space<semaphore_mem>>)
    %dma_start3A_1259 = arith.constant 32 : i32
    %dma_start3A_1260 = arith.constant 0 : i32
    %dma_start3A_1261 = tpu.memref_slice %arg13[%dma_start3A_1259, %dma_start3A_1260] : memref<128x128xf32, #tpu.memory_space<vmem>> -> memref<32x128xf32, #tpu.memory_space<vmem>>
    %dma_start3A_1262 = arith.constant 32 : i32
    %dma_start3A_1263 = tpu.memref_slice %arg9[%dma_start3A_1262] : memref<128xi32, #tpu.memory_space<vmem>> -> memref<32xi32, #tpu.memory_space<vmem>>
    %dma_start3A_1264 = arith.constant 0 : i32
    %dma_start3A_1265 = arith.constant 0 : i32
    %dma_start3A_1266 = tpu.memref_slice %arg4[%dma_start3A_1264, %dma_start3A_1265] : memref<1024x128xf32, #tpu.memory_space<hbm>> -> memref<1024x128xf32, #tpu.memory_space<hbm>>
    tpu.enqueue_indirect_dma source(%dma_start3A_1266 : memref<1024x128xf32, #tpu.memory_space<hbm>>) target(%dma_start3A_1261 : memref<32x128xf32, #tpu.memory_space<vmem>>) offsets(%dma_start3A_1263 : memref<32xi32, #tpu.memory_space<vmem>>) semaphore(%arg16 : memref<!tpu.dma_semaphore, #tpu.memory_space<semaphore_mem>>)
    %dma_start3A_1267 = arith.constant 64 : i32
    %dma_start3A_1268 = arith.constant 0 : i32
    %dma_start3A_1269 = tpu.memref_slice %arg13[%dma_start3A_1267, %dma_start3A_1268] : memref<128x128xf32, #tpu.memory_space<vmem>> -> memref<32x128xf32, #tpu.memory_space<vmem>>
    %dma_start3A_1270 = arith.constant 64 : i32
    %dma_start3A_1271 = tpu.memref_slice %arg9[%dma_start3A_1270] : memref<128xi32, #tpu.memory_space<vmem>> -> memref<32xi32, #tpu.memory_space<vmem>>
    %dma_start3A_1272 = arith.constant 0 : i32
    %dma_start3A_1273 = arith.constant 0 : i32
    %dma_start3A_1274 = tpu.memref_slice %arg4[%dma_start3A_1272, %dma_start3A_1273] : memref<1024x128xf32, #tpu.memory_space<hbm>> -> memref<1024x128xf32, #tpu.memory_space<hbm>>
    tpu.enqueue_indirect_dma source(%dma_start3A_1274 : memref<1024x128xf32, #tpu.memory_space<hbm>>) target(%dma_start3A_1269 : memref<32x128xf32, #tpu.memory_space<vmem>>) offsets(%dma_start3A_1271 : memref<32xi32, #tpu.memory_space<vmem>>) semaphore(%arg16 : memref<!tpu.dma_semaphore, #tpu.memory_space<semaphore_mem>>)
    %dma_start3A_1275 = arith.constant 96 : i32
    %dma_start3A_1276 = arith.constant 0 : i32
    %dma_start3A_1277 = tpu.memref_slice %arg13[%dma_start3A_1275, %dma_start3A_1276] : memref<128x128xf32, #tpu.memory_space<vmem>> -> memref<32x128xf32, #tpu.memory_space<vmem>>
    %dma_start3A_1278 = arith.constant 96 : i32
    %dma_start3A_1279 = tpu.memref_slice %arg9[%dma_start3A_1278] : memref<128xi32, #tpu.memory_space<vmem>> -> memref<32xi32, #tpu.memory_space<vmem>>
    %dma_start3A_1280 = arith.constant 0 : i32
    %dma_start3A_1281 = arith.constant 0 : i32
    %dma_start3A_1282 = tpu.memref_slice %arg4[%dma_start3A_1280, %dma_start3A_1281] : memref<1024x128xf32, #tpu.memory_space<hbm>> -> memref<1024x128xf32, #tpu.memory_space<hbm>>
    tpu.enqueue_indirect_dma source(%dma_start3A_1282 : memref<1024x128xf32, #tpu.memory_space<hbm>>) target(%dma_start3A_1277 : memref<32x128xf32, #tpu.memory_space<vmem>>) offsets(%dma_start3A_1279 : memref<32xi32, #tpu.memory_space<vmem>>) semaphore(%arg16 : memref<!tpu.dma_semaphore, #tpu.memory_space<semaphore_mem>>)
    %dma_wait3A_1283 = arith.constant 0 : i32
    %dma_wait3A_1284 = arith.constant 0 : i32
    %dma_wait3A_1285 = tpu.memref_slice %arg14[%dma_wait3A_1283, %dma_wait3A_1284] : memref<128x128xf32, #tpu.memory_space<vmem>> -> memref<32x128xf32, #tpu.memory_space<vmem>>
    %dma_wait3A_1286 = arith.constant 0 : i32
    %dma_wait3A_1287 = tpu.memref_slice %arg10[%dma_wait3A_1286] : memref<128xi32, #tpu.memory_space<vmem>> -> memref<32xi32, #tpu.memory_space<vmem>>
    %dma_wait3A_1288 = arith.constant 0 : i32
    %dma_wait3A_1289 = arith.constant 0 : i32
    %dma_wait3A_1290 = tpu.memref_slice %arg3[%dma_wait3A_1288, %dma_wait3A_1289] : memref<720x128xf32, #tpu.memory_space<hbm>> -> memref<720x128xf32, #tpu.memory_space<hbm>>
    tpu.wait_indirect_dma semaphore(%arg17 : memref<!tpu.dma_semaphore, #tpu.memory_space<semaphore_mem>>) src(%dma_wait3A_1290 : memref<720x128xf32, #tpu.memory_space<hbm>>) dst(%dma_wait3A_1285 : memref<32x128xf32, #tpu.memory_space<vmem>>)
    %dma_wait3A_1291 = arith.constant 32 : i32
    %dma_wait3A_1292 = arith.constant 0 : i32
    %dma_wait3A_1293 = tpu.memref_slice %arg14[%dma_wait3A_1291, %dma_wait3A_1292] : memref<128x128xf32, #tpu.memory_space<vmem>> -> memref<32x128xf32, #tpu.memory_space<vmem>>
    %dma_wait3A_1294 = arith.constant 32 : i32
    %dma_wait3A_1295 = tpu.memref_slice %arg10[%dma_wait3A_1294] : memref<128xi32, #tpu.memory_space<vmem>> -> memref<32xi32, #tpu.memory_space<vmem>>
    %dma_wait3A_1296 = arith.constant 0 : i32
    %dma_wait3A_1297 = arith.constant 0 : i32
    %dma_wait3A_1298 = tpu.memref_slice %arg3[%dma_wait3A_1296, %dma_wait3A_1297] : memref<720x128xf32, #tpu.memory_space<hbm>> -> memref<720x128xf32, #tpu.memory_space<hbm>>
    tpu.wait_indirect_dma semaphore(%arg17 : memref<!tpu.dma_semaphore, #tpu.memory_space<semaphore_mem>>) src(%dma_wait3A_1298 : memref<720x128xf32, #tpu.memory_space<hbm>>) dst(%dma_wait3A_1293 : memref<32x128xf32, #tpu.memory_space<vmem>>)
    %dma_wait3A_1299 = arith.constant 64 : i32
    %dma_wait3A_1300 = arith.constant 0 : i32
    %dma_wait3A_1301 = tpu.memref_slice %arg14[%dma_wait3A_1299, %dma_wait3A_1300] : memref<128x128xf32, #tpu.memory_space<vmem>> -> memref<32x128xf32, #tpu.memory_space<vmem>>
    %dma_wait3A_1302 = arith.constant 64 : i32
    %dma_wait3A_1303 = tpu.memref_slice %arg10[%dma_wait3A_1302] : memref<128xi32, #tpu.memory_space<vmem>> -> memref<32xi32, #tpu.memory_space<vmem>>
    %dma_wait3A_1304 = arith.constant 0 : i32
    %dma_wait3A_1305 = arith.constant 0 : i32
    %dma_wait3A_1306 = tpu.memref_slice %arg3[%dma_wait3A_1304, %dma_wait3A_1305] : memref<720x128xf32, #tpu.memory_space<hbm>> -> memref<720x128xf32, #tpu.memory_space<hbm>>
    tpu.wait_indirect_dma semaphore(%arg17 : memref<!tpu.dma_semaphore, #tpu.memory_space<semaphore_mem>>) src(%dma_wait3A_1306 : memref<720x128xf32, #tpu.memory_space<hbm>>) dst(%dma_wait3A_1301 : memref<32x128xf32, #tpu.memory_space<vmem>>)
    %dma_wait3A_1307 = arith.constant 96 : i32
    %dma_wait3A_1308 = arith.constant 0 : i32
    %dma_wait3A_1309 = tpu.memref_slice %arg14[%dma_wait3A_1307, %dma_wait3A_1308] : memref<128x128xf32, #tpu.memory_space<vmem>> -> memref<32x128xf32, #tpu.memory_space<vmem>>
    %dma_wait3A_1310 = arith.constant 96 : i32
    %dma_wait3A_1311 = tpu.memref_slice %arg10[%dma_wait3A_1310] : memref<128xi32, #tpu.memory_space<vmem>> -> memref<32xi32, #tpu.memory_space<vmem>>
    %dma_wait3A_1312 = arith.constant 0 : i32
    %dma_wait3A_1313 = arith.constant 0 : i32
    %dma_wait3A_1314 = tpu.memref_slice %arg3[%dma_wait3A_1312, %dma_wait3A_1313] : memref<720x128xf32, #tpu.memory_space<hbm>> -> memref<720x128xf32, #tpu.memory_space<hbm>>
    tpu.wait_indirect_dma semaphore(%arg17 : memref<!tpu.dma_semaphore, #tpu.memory_space<semaphore_mem>>) src(%dma_wait3A_1314 : memref<720x128xf32, #tpu.memory_space<hbm>>) dst(%dma_wait3A_1309 : memref<32x128xf32, #tpu.memory_space<vmem>>)
    %dma_wait3A_1315 = arith.constant 0 : i32
    %dma_wait3A_1316 = arith.constant 0 : i32
    %dma_wait3A_1317 = tpu.memref_slice %arg15[%dma_wait3A_1315, %dma_wait3A_1316] : memref<128x128xf32, #tpu.memory_space<vmem>> -> memref<32x128xf32, #tpu.memory_space<vmem>>
    %dma_wait3A_1318 = arith.constant 0 : i32
    %dma_wait3A_1319 = tpu.memref_slice %arg11[%dma_wait3A_1318] : memref<128xi32, #tpu.memory_space<vmem>> -> memref<32xi32, #tpu.memory_space<vmem>>
    %dma_wait3A_1320 = arith.constant 0 : i32
    %dma_wait3A_1321 = arith.constant 0 : i32
    %dma_wait3A_1322 = tpu.memref_slice %arg4[%dma_wait3A_1320, %dma_wait3A_1321] : memref<1024x128xf32, #tpu.memory_space<hbm>> -> memref<1024x128xf32, #tpu.memory_space<hbm>>
    tpu.wait_indirect_dma semaphore(%arg17 : memref<!tpu.dma_semaphore, #tpu.memory_space<semaphore_mem>>) src(%dma_wait3A_1322 : memref<1024x128xf32, #tpu.memory_space<hbm>>) dst(%dma_wait3A_1317 : memref<32x128xf32, #tpu.memory_space<vmem>>)
    %dma_wait3A_1323 = arith.constant 32 : i32
    %dma_wait3A_1324 = arith.constant 0 : i32
    %dma_wait3A_1325 = tpu.memref_slice %arg15[%dma_wait3A_1323, %dma_wait3A_1324] : memref<128x128xf32, #tpu.memory_space<vmem>> -> memref<32x128xf32, #tpu.memory_space<vmem>>
    %dma_wait3A_1326 = arith.constant 32 : i32
    %dma_wait3A_1327 = tpu.memref_slice %arg11[%dma_wait3A_1326] : memref<128xi32, #tpu.memory_space<vmem>> -> memref<32xi32, #tpu.memory_space<vmem>>
    %dma_wait3A_1328 = arith.constant 0 : i32
    %dma_wait3A_1329 = arith.constant 0 : i32
    %dma_wait3A_1330 = tpu.memref_slice %arg4[%dma_wait3A_1328, %dma_wait3A_1329] : memref<1024x128xf32, #tpu.memory_space<hbm>> -> memref<1024x128xf32, #tpu.memory_space<hbm>>
    tpu.wait_indirect_dma semaphore(%arg17 : memref<!tpu.dma_semaphore, #tpu.memory_space<semaphore_mem>>) src(%dma_wait3A_1330 : memref<1024x128xf32, #tpu.memory_space<hbm>>) dst(%dma_wait3A_1325 : memref<32x128xf32, #tpu.memory_space<vmem>>)
    %dma_wait3A_1331 = arith.constant 64 : i32
    %dma_wait3A_1332 = arith.constant 0 : i32
    %dma_wait3A_1333 = tpu.memref_slice %arg15[%dma_wait3A_1331, %dma_wait3A_1332] : memref<128x128xf32, #tpu.memory_space<vmem>> -> memref<32x128xf32, #tpu.memory_space<vmem>>
    %dma_wait3A_1334 = arith.constant 64 : i32
    %dma_wait3A_1335 = tpu.memref_slice %arg11[%dma_wait3A_1334] : memref<128xi32, #tpu.memory_space<vmem>> -> memref<32xi32, #tpu.memory_space<vmem>>
    %dma_wait3A_1336 = arith.constant 0 : i32
    %dma_wait3A_1337 = arith.constant 0 : i32
    %dma_wait3A_1338 = tpu.memref_slice %arg4[%dma_wait3A_1336, %dma_wait3A_1337] : memref<1024x128xf32, #tpu.memory_space<hbm>> -> memref<1024x128xf32, #tpu.memory_space<hbm>>
    tpu.wait_indirect_dma semaphore(%arg17 : memref<!tpu.dma_semaphore, #tpu.memory_space<semaphore_mem>>) src(%dma_wait3A_1338 : memref<1024x128xf32, #tpu.memory_space<hbm>>) dst(%dma_wait3A_1333 : memref<32x128xf32, #tpu.memory_space<vmem>>)
    %dma_wait3A_1339 = arith.constant 96 : i32
    %dma_wait3A_1340 = arith.constant 0 : i32
    %dma_wait3A_1341 = tpu.memref_slice %arg15[%dma_wait3A_1339, %dma_wait3A_1340] : memref<128x128xf32, #tpu.memory_space<vmem>> -> memref<32x128xf32, #tpu.memory_space<vmem>>
    %dma_wait3A_1342 = arith.constant 96 : i32
    %dma_wait3A_1343 = tpu.memref_slice %arg11[%dma_wait3A_1342] : memref<128xi32, #tpu.memory_space<vmem>> -> memref<32xi32, #tpu.memory_space<vmem>>
    %dma_wait3A_1344 = arith.constant 0 : i32
    %dma_wait3A_1345 = arith.constant 0 : i32
    %dma_wait3A_1346 = tpu.memref_slice %arg4[%dma_wait3A_1344, %dma_wait3A_1345] : memref<1024x128xf32, #tpu.memory_space<hbm>> -> memref<1024x128xf32, #tpu.memory_space<hbm>>
    tpu.wait_indirect_dma semaphore(%arg17 : memref<!tpu.dma_semaphore, #tpu.memory_space<semaphore_mem>>) src(%dma_wait3A_1346 : memref<1024x128xf32, #tpu.memory_space<hbm>>) dst(%dma_wait3A_1341 : memref<32x128xf32, #tpu.memory_space<vmem>>)
    %add3A_1347 = arith.constant 128 : i32
    %add3A_1348 = arith.addi %mul3A_2, %add3A_1347 : i32
    %dma_start3A_1349 = arith.constant 0 : i32
    %dma_start3A_1350 = tpu.memref_slice %arg5[%add3A_1348, %dma_start3A_1349] : memref<16384x128xf32, #tpu.memory_space<hbm>> -> memref<128x128xf32, #tpu.memory_space<hbm>>
    %dma_start3A_1351 = arith.constant 0 : i32
    %dma_start3A_1352 = tpu.memref_slice %arg5[%add3A_1348, %dma_start3A_1351] : memref<16384x128xf32, #tpu.memory_space<hbm>> -> memref<128x128xf32, #tpu.memory_space<hbm>>
    tpu.enqueue_dma source(%arg14 : memref<128x128xf32, #tpu.memory_space<vmem>>) target(%dma_start3A_1352 : memref<128x128xf32, #tpu.memory_space<hbm>>) target_semaphore(%arg19 : memref<!tpu.dma_semaphore, #tpu.memory_space<semaphore_mem>>)
    %dma_start3A_1353 = arith.constant 0 : i32
    %dma_start3A_1354 = tpu.memref_slice %arg6[%add3A_1348, %dma_start3A_1353] : memref<16384x128xf32, #tpu.memory_space<hbm>> -> memref<128x128xf32, #tpu.memory_space<hbm>>
    %dma_start3A_1355 = arith.constant 0 : i32
    %dma_start3A_1356 = tpu.memref_slice %arg6[%add3A_1348, %dma_start3A_1355] : memref<16384x128xf32, #tpu.memory_space<hbm>> -> memref<128x128xf32, #tpu.memory_space<hbm>>
    tpu.enqueue_dma source(%arg15 : memref<128x128xf32, #tpu.memory_space<vmem>>) target(%dma_start3A_1356 : memref<128x128xf32, #tpu.memory_space<hbm>>) target_semaphore(%arg19 : memref<!tpu.dma_semaphore, #tpu.memory_space<semaphore_mem>>)
    %add3A_1357 = arith.constant 384 : i32
    %add3A_1358 = vector.broadcast %add3A_1357 : i32 to vector<16xi32>
    %add3A_1359 = arith.addi %add3A_1358, %iota3A : vector<16xi32>
    %mul3A_1360 = arith.constant 6 : i32
    %mul3A_1361 = vector.broadcast %mul3A_1360 : i32 to vector<16xi32>
    %mul3A_1362 = arith.muli %add3A_1359, %mul3A_1361 : vector<16xi32>
    %add3A_1363 = arith.constant 1 : i32
    %add3A_1364 = vector.broadcast %add3A_1363 : i32 to vector<16xi32>
    %add3A_1365 = arith.addi %mul3A_1362, %add3A_1364 : vector<16xi32>
    %gather3A_1366 = tpu.vector_load_idx %arg7[%add3A_1365] : memref<3072xi32, #tpu.memory_space<vmem>>[vector<16xi32>], vector<16xi32>,
    %add3A_1367 = arith.constant 2 : i32
    %add3A_1368 = vector.broadcast %add3A_1367 : i32 to vector<16xi32>
    %add3A_1369 = arith.addi %mul3A_1362, %add3A_1368 : vector<16xi32>
    %gather3A_1370 = tpu.vector_load_idx %arg7[%add3A_1369] : memref<3072xi32, #tpu.memory_space<vmem>>[vector<16xi32>], vector<16xi32>,
    %add3A_1371 = arith.constant 3 : i32
    %add3A_1372 = vector.broadcast %add3A_1371 : i32 to vector<16xi32>
    %add3A_1373 = arith.addi %mul3A_1362, %add3A_1372 : vector<16xi32>
    %gather3A_1374 = tpu.vector_load_idx %arg7[%add3A_1373] : memref<3072xi32, #tpu.memory_space<vmem>>[vector<16xi32>], vector<16xi32>,
    %add3A_1375 = arith.constant 4 : i32
    %add3A_1376 = vector.broadcast %add3A_1375 : i32 to vector<16xi32>
    %add3A_1377 = arith.addi %mul3A_1362, %add3A_1376 : vector<16xi32>
    %gather3A_1378 = tpu.vector_load_idx %arg7[%add3A_1377] : memref<3072xi32, #tpu.memory_space<vmem>>[vector<16xi32>], vector<16xi32>,
    %add3A_1379 = arith.constant 5 : i32
    %add3A_1380 = vector.broadcast %add3A_1379 : i32 to vector<16xi32>
    %add3A_1381 = arith.addi %mul3A_1362, %add3A_1380 : vector<16xi32>
    %gather3A_1382 = tpu.vector_load_idx %arg7[%add3A_1381] : memref<3072xi32, #tpu.memory_space<vmem>>[vector<16xi32>], vector<16xi32>,
    %mul3A_1383 = arith.constant 18 : i32
    %mul3A_1384 = vector.broadcast %mul3A_1383 : i32 to vector<16xi32>
    %mul3A_1385 = arith.muli %gather3A_1374, %mul3A_1384 : vector<16xi32>
    %mul3A_1386 = arith.constant 6 : i32
    %mul3A_1387 = vector.broadcast %mul3A_1386 : i32 to vector<16xi32>
    %mul3A_1388 = arith.muli %gather3A_1366, %mul3A_1387 : vector<16xi32>
    %add3A_1389 = arith.addi %mul3A_1385, %mul3A_1388 : vector<16xi32>
    %add3A_1390 = arith.addi %add3A_1389, %gather3A_1370 : vector<16xi32>
    %swap3A_1391 = arith.constant 0 : index
    %swap3A_1392 = tpu.vector_load %arg10[%swap3A_1391] {strides = array<i32>} : memref<128xi32, #tpu.memory_space<vmem>>, vector<16xi32>,
    tpu.vector_store %arg10[%swap3A_1391], %add3A_1390 {strides = array<i32>} : memref<128xi32, #tpu.memory_space<vmem>>, vector<16xi32>,
    %mul3A_1393 = arith.constant 32 : i32
    %mul3A_1394 = vector.broadcast %mul3A_1393 : i32 to vector<16xi32>
    %mul3A_1395 = arith.muli %gather3A_1378, %mul3A_1394 : vector<16xi32>
    %add3A_1396 = arith.addi %mul3A_1395, %gather3A_1382 : vector<16xi32>
    %swap3A_1397 = arith.constant 0 : index
    %swap3A_1398 = tpu.vector_load %arg11[%swap3A_1397] {strides = array<i32>} : memref<128xi32, #tpu.memory_space<vmem>>, vector<16xi32>,
    tpu.vector_store %arg11[%swap3A_1397], %add3A_1396 {strides = array<i32>} : memref<128xi32, #tpu.memory_space<vmem>>, vector<16xi32>,
    %add3A_1399 = arith.constant 400 : i32
    %add3A_1400 = vector.broadcast %add3A_1399 : i32 to vector<16xi32>
    %add3A_1401 = arith.addi %add3A_1400, %iota3A : vector<16xi32>
    %mul3A_1402 = arith.constant 6 : i32
    %mul3A_1403 = vector.broadcast %mul3A_1402 : i32 to vector<16xi32>
    %mul3A_1404 = arith.muli %add3A_1401, %mul3A_1403 : vector<16xi32>
    %add3A_1405 = arith.constant 1 : i32
    %add3A_1406 = vector.broadcast %add3A_1405 : i32 to vector<16xi32>
    %add3A_1407 = arith.addi %mul3A_1404, %add3A_1406 : vector<16xi32>
    %gather3A_1408 = tpu.vector_load_idx %arg7[%add3A_1407] : memref<3072xi32, #tpu.memory_space<vmem>>[vector<16xi32>], vector<16xi32>,
    %add3A_1409 = arith.constant 2 : i32
    %add3A_1410 = vector.broadcast %add3A_1409 : i32 to vector<16xi32>
    %add3A_1411 = arith.addi %mul3A_1404, %add3A_1410 : vector<16xi32>
    %gather3A_1412 = tpu.vector_load_idx %arg7[%add3A_1411] : memref<3072xi32, #tpu.memory_space<vmem>>[vector<16xi32>], vector<16xi32>,
    %add3A_1413 = arith.constant 3 : i32
    %add3A_1414 = vector.broadcast %add3A_1413 : i32 to vector<16xi32>
    %add3A_1415 = arith.addi %mul3A_1404, %add3A_1414 : vector<16xi32>
    %gather3A_1416 = tpu.vector_load_idx %arg7[%add3A_1415] : memref<3072xi32, #tpu.memory_space<vmem>>[vector<16xi32>], vector<16xi32>,
    %add3A_1417 = arith.constant 4 : i32
    %add3A_1418 = vector.broadcast %add3A_1417 : i32 to vector<16xi32>
    %add3A_1419 = arith.addi %mul3A_1404, %add3A_1418 : vector<16xi32>
    %gather3A_1420 = tpu.vector_load_idx %arg7[%add3A_1419] : memref<3072xi32, #tpu.memory_space<vmem>>[vector<16xi32>], vector<16xi32>,
    %add3A_1421 = arith.constant 5 : i32
    %add3A_1422 = vector.broadcast %add3A_1421 : i32 to vector<16xi32>
    %add3A_1423 = arith.addi %mul3A_1404, %add3A_1422 : vector<16xi32>
    %gather3A_1424 = tpu.vector_load_idx %arg7[%add3A_1423] : memref<3072xi32, #tpu.memory_space<vmem>>[vector<16xi32>], vector<16xi32>,
    %mul3A_1425 = arith.constant 18 : i32
    %mul3A_1426 = vector.broadcast %mul3A_1425 : i32 to vector<16xi32>
    %mul3A_1427 = arith.muli %gather3A_1416, %mul3A_1426 : vector<16xi32>
    %mul3A_1428 = arith.constant 6 : i32
    %mul3A_1429 = vector.broadcast %mul3A_1428 : i32 to vector<16xi32>
    %mul3A_1430 = arith.muli %gather3A_1408, %mul3A_1429 : vector<16xi32>
    %add3A_1431 = arith.addi %mul3A_1427, %mul3A_1430 : vector<16xi32>
    %add3A_1432 = arith.addi %add3A_1431, %gather3A_1412 : vector<16xi32>
    %swap3A_1433 = arith.constant 16 : index
    %swap3A_1434 = tpu.vector_load %arg10[%swap3A_1433] {strides = array<i32>} : memref<128xi32, #tpu.memory_space<vmem>>, vector<16xi32>,
    tpu.vector_store %arg10[%swap3A_1433], %add3A_1432 {strides = array<i32>} : memref<128xi32, #tpu.memory_space<vmem>>, vector<16xi32>,
    %mul3A_1435 = arith.constant 32 : i32
    %mul3A_1436 = vector.broadcast %mul3A_1435 : i32 to vector<16xi32>
    %mul3A_1437 = arith.muli %gather3A_1420, %mul3A_1436 : vector<16xi32>
    %add3A_1438 = arith.addi %mul3A_1437, %gather3A_1424 : vector<16xi32>
    %swap3A_1439 = arith.constant 16 : index
    %swap3A_1440 = tpu.vector_load %arg11[%swap3A_1439] {strides = array<i32>} : memref<128xi32, #tpu.memory_space<vmem>>, vector<16xi32>,
    tpu.vector_store %arg11[%swap3A_1439], %add3A_1438 {strides = array<i32>} : memref<128xi32, #tpu.memory_space<vmem>>, vector<16xi32>,
    %add3A_1441 = arith.constant 416 : i32
    %add3A_1442 = vector.broadcast %add3A_1441 : i32 to vector<16xi32>
    %add3A_1443 = arith.addi %add3A_1442, %iota3A : vector<16xi32>
    %mul3A_1444 = arith.constant 6 : i32
    %mul3A_1445 = vector.broadcast %mul3A_1444 : i32 to vector<16xi32>
    %mul3A_1446 = arith.muli %add3A_1443, %mul3A_1445 : vector<16xi32>
    %add3A_1447 = arith.constant 1 : i32
    %add3A_1448 = vector.broadcast %add3A_1447 : i32 to vector<16xi32>
    %add3A_1449 = arith.addi %mul3A_1446, %add3A_1448 : vector<16xi32>
    %gather3A_1450 = tpu.vector_load_idx %arg7[%add3A_1449] : memref<3072xi32, #tpu.memory_space<vmem>>[vector<16xi32>], vector<16xi32>,
    %add3A_1451 = arith.constant 2 : i32
    %add3A_1452 = vector.broadcast %add3A_1451 : i32 to vector<16xi32>
    %add3A_1453 = arith.addi %mul3A_1446, %add3A_1452 : vector<16xi32>
    %gather3A_1454 = tpu.vector_load_idx %arg7[%add3A_1453] : memref<3072xi32, #tpu.memory_space<vmem>>[vector<16xi32>], vector<16xi32>,
    %add3A_1455 = arith.constant 3 : i32
    %add3A_1456 = vector.broadcast %add3A_1455 : i32 to vector<16xi32>
    %add3A_1457 = arith.addi %mul3A_1446, %add3A_1456 : vector<16xi32>
    %gather3A_1458 = tpu.vector_load_idx %arg7[%add3A_1457] : memref<3072xi32, #tpu.memory_space<vmem>>[vector<16xi32>], vector<16xi32>,
    %add3A_1459 = arith.constant 4 : i32
    %add3A_1460 = vector.broadcast %add3A_1459 : i32 to vector<16xi32>
    %add3A_1461 = arith.addi %mul3A_1446, %add3A_1460 : vector<16xi32>
    %gather3A_1462 = tpu.vector_load_idx %arg7[%add3A_1461] : memref<3072xi32, #tpu.memory_space<vmem>>[vector<16xi32>], vector<16xi32>,
    %add3A_1463 = arith.constant 5 : i32
    %add3A_1464 = vector.broadcast %add3A_1463 : i32 to vector<16xi32>
    %add3A_1465 = arith.addi %mul3A_1446, %add3A_1464 : vector<16xi32>
    %gather3A_1466 = tpu.vector_load_idx %arg7[%add3A_1465] : memref<3072xi32, #tpu.memory_space<vmem>>[vector<16xi32>], vector<16xi32>,
    %mul3A_1467 = arith.constant 18 : i32
    %mul3A_1468 = vector.broadcast %mul3A_1467 : i32 to vector<16xi32>
    %mul3A_1469 = arith.muli %gather3A_1458, %mul3A_1468 : vector<16xi32>
    %mul3A_1470 = arith.constant 6 : i32
    %mul3A_1471 = vector.broadcast %mul3A_1470 : i32 to vector<16xi32>
    %mul3A_1472 = arith.muli %gather3A_1450, %mul3A_1471 : vector<16xi32>
    %add3A_1473 = arith.addi %mul3A_1469, %mul3A_1472 : vector<16xi32>
    %add3A_1474 = arith.addi %add3A_1473, %gather3A_1454 : vector<16xi32>
    %swap3A_1475 = arith.constant 32 : index
    %swap3A_1476 = tpu.vector_load %arg10[%swap3A_1475] {strides = array<i32>} : memref<128xi32, #tpu.memory_space<vmem>>, vector<16xi32>,
    tpu.vector_store %arg10[%swap3A_1475], %add3A_1474 {strides = array<i32>} : memref<128xi32, #tpu.memory_space<vmem>>, vector<16xi32>,
    %mul3A_1477 = arith.constant 32 : i32
    %mul3A_1478 = vector.broadcast %mul3A_1477 : i32 to vector<16xi32>
    %mul3A_1479 = arith.muli %gather3A_1462, %mul3A_1478 : vector<16xi32>
    %add3A_1480 = arith.addi %mul3A_1479, %gather3A_1466 : vector<16xi32>
    %swap3A_1481 = arith.constant 32 : index
    %swap3A_1482 = tpu.vector_load %arg11[%swap3A_1481] {strides = array<i32>} : memref<128xi32, #tpu.memory_space<vmem>>, vector<16xi32>,
    tpu.vector_store %arg11[%swap3A_1481], %add3A_1480 {strides = array<i32>} : memref<128xi32, #tpu.memory_space<vmem>>, vector<16xi32>,
    %add3A_1483 = arith.constant 432 : i32
    %add3A_1484 = vector.broadcast %add3A_1483 : i32 to vector<16xi32>
    %add3A_1485 = arith.addi %add3A_1484, %iota3A : vector<16xi32>
    %mul3A_1486 = arith.constant 6 : i32
    %mul3A_1487 = vector.broadcast %mul3A_1486 : i32 to vector<16xi32>
    %mul3A_1488 = arith.muli %add3A_1485, %mul3A_1487 : vector<16xi32>
    %add3A_1489 = arith.constant 1 : i32
    %add3A_1490 = vector.broadcast %add3A_1489 : i32 to vector<16xi32>
    %add3A_1491 = arith.addi %mul3A_1488, %add3A_1490 : vector<16xi32>
    %gather3A_1492 = tpu.vector_load_idx %arg7[%add3A_1491] : memref<3072xi32, #tpu.memory_space<vmem>>[vector<16xi32>], vector<16xi32>,
    %add3A_1493 = arith.constant 2 : i32
    %add3A_1494 = vector.broadcast %add3A_1493 : i32 to vector<16xi32>
    %add3A_1495 = arith.addi %mul3A_1488, %add3A_1494 : vector<16xi32>
    %gather3A_1496 = tpu.vector_load_idx %arg7[%add3A_1495] : memref<3072xi32, #tpu.memory_space<vmem>>[vector<16xi32>], vector<16xi32>,
    %add3A_1497 = arith.constant 3 : i32
    %add3A_1498 = vector.broadcast %add3A_1497 : i32 to vector<16xi32>
    %add3A_1499 = arith.addi %mul3A_1488, %add3A_1498 : vector<16xi32>
    %gather3A_1500 = tpu.vector_load_idx %arg7[%add3A_1499] : memref<3072xi32, #tpu.memory_space<vmem>>[vector<16xi32>], vector<16xi32>,
    %add3A_1501 = arith.constant 4 : i32
    %add3A_1502 = vector.broadcast %add3A_1501 : i32 to vector<16xi32>
    %add3A_1503 = arith.addi %mul3A_1488, %add3A_1502 : vector<16xi32>
    %gather3A_1504 = tpu.vector_load_idx %arg7[%add3A_1503] : memref<3072xi32, #tpu.memory_space<vmem>>[vector<16xi32>], vector<16xi32>,
    %add3A_1505 = arith.constant 5 : i32
    %add3A_1506 = vector.broadcast %add3A_1505 : i32 to vector<16xi32>
    %add3A_1507 = arith.addi %mul3A_1488, %add3A_1506 : vector<16xi32>
    %gather3A_1508 = tpu.vector_load_idx %arg7[%add3A_1507] : memref<3072xi32, #tpu.memory_space<vmem>>[vector<16xi32>], vector<16xi32>,
    %mul3A_1509 = arith.constant 18 : i32
    %mul3A_1510 = vector.broadcast %mul3A_1509 : i32 to vector<16xi32>
    %mul3A_1511 = arith.muli %gather3A_1500, %mul3A_1510 : vector<16xi32>
    %mul3A_1512 = arith.constant 6 : i32
    %mul3A_1513 = vector.broadcast %mul3A_1512 : i32 to vector<16xi32>
    %mul3A_1514 = arith.muli %gather3A_1492, %mul3A_1513 : vector<16xi32>
    %add3A_1515 = arith.addi %mul3A_1511, %mul3A_1514 : vector<16xi32>
    %add3A_1516 = arith.addi %add3A_1515, %gather3A_1496 : vector<16xi32>
    %swap3A_1517 = arith.constant 48 : index
    %swap3A_1518 = tpu.vector_load %arg10[%swap3A_1517] {strides = array<i32>} : memref<128xi32, #tpu.memory_space<vmem>>, vector<16xi32>,
    tpu.vector_store %arg10[%swap3A_1517], %add3A_1516 {strides = array<i32>} : memref<128xi32, #tpu.memory_space<vmem>>, vector<16xi32>,
    %mul3A_1519 = arith.constant 32 : i32
    %mul3A_1520 = vector.broadcast %mul3A_1519 : i32 to vector<16xi32>
    %mul3A_1521 = arith.muli %gather3A_1504, %mul3A_1520 : vector<16xi32>
    %add3A_1522 = arith.addi %mul3A_1521, %gather3A_1508 : vector<16xi32>
    %swap3A_1523 = arith.constant 48 : index
    %swap3A_1524 = tpu.vector_load %arg11[%swap3A_1523] {strides = array<i32>} : memref<128xi32, #tpu.memory_space<vmem>>, vector<16xi32>,
    tpu.vector_store %arg11[%swap3A_1523], %add3A_1522 {strides = array<i32>} : memref<128xi32, #tpu.memory_space<vmem>>, vector<16xi32>,
    %add3A_1525 = arith.constant 448 : i32
    %add3A_1526 = vector.broadcast %add3A_1525 : i32 to vector<16xi32>
    %add3A_1527 = arith.addi %add3A_1526, %iota3A : vector<16xi32>
    %mul3A_1528 = arith.constant 6 : i32
    %mul3A_1529 = vector.broadcast %mul3A_1528 : i32 to vector<16xi32>
    %mul3A_1530 = arith.muli %add3A_1527, %mul3A_1529 : vector<16xi32>
    %add3A_1531 = arith.constant 1 : i32
    %add3A_1532 = vector.broadcast %add3A_1531 : i32 to vector<16xi32>
    %add3A_1533 = arith.addi %mul3A_1530, %add3A_1532 : vector<16xi32>
    %gather3A_1534 = tpu.vector_load_idx %arg7[%add3A_1533] : memref<3072xi32, #tpu.memory_space<vmem>>[vector<16xi32>], vector<16xi32>,
    %add3A_1535 = arith.constant 2 : i32
    %add3A_1536 = vector.broadcast %add3A_1535 : i32 to vector<16xi32>
    %add3A_1537 = arith.addi %mul3A_1530, %add3A_1536 : vector<16xi32>
    %gather3A_1538 = tpu.vector_load_idx %arg7[%add3A_1537] : memref<3072xi32, #tpu.memory_space<vmem>>[vector<16xi32>], vector<16xi32>,
    %add3A_1539 = arith.constant 3 : i32
    %add3A_1540 = vector.broadcast %add3A_1539 : i32 to vector<16xi32>
    %add3A_1541 = arith.addi %mul3A_1530, %add3A_1540 : vector<16xi32>
    %gather3A_1542 = tpu.vector_load_idx %arg7[%add3A_1541] : memref<3072xi32, #tpu.memory_space<vmem>>[vector<16xi32>], vector<16xi32>,
    %add3A_1543 = arith.constant 4 : i32
    %add3A_1544 = vector.broadcast %add3A_1543 : i32 to vector<16xi32>
    %add3A_1545 = arith.addi %mul3A_1530, %add3A_1544 : vector<16xi32>
    %gather3A_1546 = tpu.vector_load_idx %arg7[%add3A_1545] : memref<3072xi32, #tpu.memory_space<vmem>>[vector<16xi32>], vector<16xi32>,
    %add3A_1547 = arith.constant 5 : i32
    %add3A_1548 = vector.broadcast %add3A_1547 : i32 to vector<16xi32>
    %add3A_1549 = arith.addi %mul3A_1530, %add3A_1548 : vector<16xi32>
    %gather3A_1550 = tpu.vector_load_idx %arg7[%add3A_1549] : memref<3072xi32, #tpu.memory_space<vmem>>[vector<16xi32>], vector<16xi32>,
    %mul3A_1551 = arith.constant 18 : i32
    %mul3A_1552 = vector.broadcast %mul3A_1551 : i32 to vector<16xi32>
    %mul3A_1553 = arith.muli %gather3A_1542, %mul3A_1552 : vector<16xi32>
    %mul3A_1554 = arith.constant 6 : i32
    %mul3A_1555 = vector.broadcast %mul3A_1554 : i32 to vector<16xi32>
    %mul3A_1556 = arith.muli %gather3A_1534, %mul3A_1555 : vector<16xi32>
    %add3A_1557 = arith.addi %mul3A_1553, %mul3A_1556 : vector<16xi32>
    %add3A_1558 = arith.addi %add3A_1557, %gather3A_1538 : vector<16xi32>
    %swap3A_1559 = arith.constant 64 : index
    %swap3A_1560 = tpu.vector_load %arg10[%swap3A_1559] {strides = array<i32>} : memref<128xi32, #tpu.memory_space<vmem>>, vector<16xi32>,
    tpu.vector_store %arg10[%swap3A_1559], %add3A_1558 {strides = array<i32>} : memref<128xi32, #tpu.memory_space<vmem>>, vector<16xi32>,
    %mul3A_1561 = arith.constant 32 : i32
    %mul3A_1562 = vector.broadcast %mul3A_1561 : i32 to vector<16xi32>
    %mul3A_1563 = arith.muli %gather3A_1546, %mul3A_1562 : vector<16xi32>
    %add3A_1564 = arith.addi %mul3A_1563, %gather3A_1550 : vector<16xi32>
    %swap3A_1565 = arith.constant 64 : index
    %swap3A_1566 = tpu.vector_load %arg11[%swap3A_1565] {strides = array<i32>} : memref<128xi32, #tpu.memory_space<vmem>>, vector<16xi32>,
    tpu.vector_store %arg11[%swap3A_1565], %add3A_1564 {strides = array<i32>} : memref<128xi32, #tpu.memory_space<vmem>>, vector<16xi32>,
    %add3A_1567 = arith.constant 464 : i32
    %add3A_1568 = vector.broadcast %add3A_1567 : i32 to vector<16xi32>
    %add3A_1569 = arith.addi %add3A_1568, %iota3A : vector<16xi32>
    %mul3A_1570 = arith.constant 6 : i32
    %mul3A_1571 = vector.broadcast %mul3A_1570 : i32 to vector<16xi32>
    %mul3A_1572 = arith.muli %add3A_1569, %mul3A_1571 : vector<16xi32>
    %add3A_1573 = arith.constant 1 : i32
    %add3A_1574 = vector.broadcast %add3A_1573 : i32 to vector<16xi32>
    %add3A_1575 = arith.addi %mul3A_1572, %add3A_1574 : vector<16xi32>
    %gather3A_1576 = tpu.vector_load_idx %arg7[%add3A_1575] : memref<3072xi32, #tpu.memory_space<vmem>>[vector<16xi32>], vector<16xi32>,
    %add3A_1577 = arith.constant 2 : i32
    %add3A_1578 = vector.broadcast %add3A_1577 : i32 to vector<16xi32>
    %add3A_1579 = arith.addi %mul3A_1572, %add3A_1578 : vector<16xi32>
    %gather3A_1580 = tpu.vector_load_idx %arg7[%add3A_1579] : memref<3072xi32, #tpu.memory_space<vmem>>[vector<16xi32>], vector<16xi32>,
    %add3A_1581 = arith.constant 3 : i32
    %add3A_1582 = vector.broadcast %add3A_1581 : i32 to vector<16xi32>
    %add3A_1583 = arith.addi %mul3A_1572, %add3A_1582 : vector<16xi32>
    %gather3A_1584 = tpu.vector_load_idx %arg7[%add3A_1583] : memref<3072xi32, #tpu.memory_space<vmem>>[vector<16xi32>], vector<16xi32>,
    %add3A_1585 = arith.constant 4 : i32
    %add3A_1586 = vector.broadcast %add3A_1585 : i32 to vector<16xi32>
    %add3A_1587 = arith.addi %mul3A_1572, %add3A_1586 : vector<16xi32>
    %gather3A_1588 = tpu.vector_load_idx %arg7[%add3A_1587] : memref<3072xi32, #tpu.memory_space<vmem>>[vector<16xi32>], vector<16xi32>,
    %add3A_1589 = arith.constant 5 : i32
    %add3A_1590 = vector.broadcast %add3A_1589 : i32 to vector<16xi32>
    %add3A_1591 = arith.addi %mul3A_1572, %add3A_1590 : vector<16xi32>
    %gather3A_1592 = tpu.vector_load_idx %arg7[%add3A_1591] : memref<3072xi32, #tpu.memory_space<vmem>>[vector<16xi32>], vector<16xi32>,
    %mul3A_1593 = arith.constant 18 : i32
    %mul3A_1594 = vector.broadcast %mul3A_1593 : i32 to vector<16xi32>
    %mul3A_1595 = arith.muli %gather3A_1584, %mul3A_1594 : vector<16xi32>
    %mul3A_1596 = arith.constant 6 : i32
    %mul3A_1597 = vector.broadcast %mul3A_1596 : i32 to vector<16xi32>
    %mul3A_1598 = arith.muli %gather3A_1576, %mul3A_1597 : vector<16xi32>
    %add3A_1599 = arith.addi %mul3A_1595, %mul3A_1598 : vector<16xi32>
    %add3A_1600 = arith.addi %add3A_1599, %gather3A_1580 : vector<16xi32>
    %swap3A_1601 = arith.constant 80 : index
    %swap3A_1602 = tpu.vector_load %arg10[%swap3A_1601] {strides = array<i32>} : memref<128xi32, #tpu.memory_space<vmem>>, vector<16xi32>,
    tpu.vector_store %arg10[%swap3A_1601], %add3A_1600 {strides = array<i32>} : memref<128xi32, #tpu.memory_space<vmem>>, vector<16xi32>,
    %mul3A_1603 = arith.constant 32 : i32
    %mul3A_1604 = vector.broadcast %mul3A_1603 : i32 to vector<16xi32>
    %mul3A_1605 = arith.muli %gather3A_1588, %mul3A_1604 : vector<16xi32>
    %add3A_1606 = arith.addi %mul3A_1605, %gather3A_1592 : vector<16xi32>
    %swap3A_1607 = arith.constant 80 : index
    %swap3A_1608 = tpu.vector_load %arg11[%swap3A_1607] {strides = array<i32>} : memref<128xi32, #tpu.memory_space<vmem>>, vector<16xi32>,
    tpu.vector_store %arg11[%swap3A_1607], %add3A_1606 {strides = array<i32>} : memref<128xi32, #tpu.memory_space<vmem>>, vector<16xi32>,
    %add3A_1609 = arith.constant 480 : i32
    %add3A_1610 = vector.broadcast %add3A_1609 : i32 to vector<16xi32>
    %add3A_1611 = arith.addi %add3A_1610, %iota3A : vector<16xi32>
    %mul3A_1612 = arith.constant 6 : i32
    %mul3A_1613 = vector.broadcast %mul3A_1612 : i32 to vector<16xi32>
    %mul3A_1614 = arith.muli %add3A_1611, %mul3A_1613 : vector<16xi32>
    %add3A_1615 = arith.constant 1 : i32
    %add3A_1616 = vector.broadcast %add3A_1615 : i32 to vector<16xi32>
    %add3A_1617 = arith.addi %mul3A_1614, %add3A_1616 : vector<16xi32>
    %gather3A_1618 = tpu.vector_load_idx %arg7[%add3A_1617] : memref<3072xi32, #tpu.memory_space<vmem>>[vector<16xi32>], vector<16xi32>,
    %add3A_1619 = arith.constant 2 : i32
    %add3A_1620 = vector.broadcast %add3A_1619 : i32 to vector<16xi32>
    %add3A_1621 = arith.addi %mul3A_1614, %add3A_1620 : vector<16xi32>
    %gather3A_1622 = tpu.vector_load_idx %arg7[%add3A_1621] : memref<3072xi32, #tpu.memory_space<vmem>>[vector<16xi32>], vector<16xi32>,
    %add3A_1623 = arith.constant 3 : i32
    %add3A_1624 = vector.broadcast %add3A_1623 : i32 to vector<16xi32>
    %add3A_1625 = arith.addi %mul3A_1614, %add3A_1624 : vector<16xi32>
    %gather3A_1626 = tpu.vector_load_idx %arg7[%add3A_1625] : memref<3072xi32, #tpu.memory_space<vmem>>[vector<16xi32>], vector<16xi32>,
    %add3A_1627 = arith.constant 4 : i32
    %add3A_1628 = vector.broadcast %add3A_1627 : i32 to vector<16xi32>
    %add3A_1629 = arith.addi %mul3A_1614, %add3A_1628 : vector<16xi32>
    %gather3A_1630 = tpu.vector_load_idx %arg7[%add3A_1629] : memref<3072xi32, #tpu.memory_space<vmem>>[vector<16xi32>], vector<16xi32>,
    %add3A_1631 = arith.constant 5 : i32
    %add3A_1632 = vector.broadcast %add3A_1631 : i32 to vector<16xi32>
    %add3A_1633 = arith.addi %mul3A_1614, %add3A_1632 : vector<16xi32>
    %gather3A_1634 = tpu.vector_load_idx %arg7[%add3A_1633] : memref<3072xi32, #tpu.memory_space<vmem>>[vector<16xi32>], vector<16xi32>,
    %mul3A_1635 = arith.constant 18 : i32
    %mul3A_1636 = vector.broadcast %mul3A_1635 : i32 to vector<16xi32>
    %mul3A_1637 = arith.muli %gather3A_1626, %mul3A_1636 : vector<16xi32>
    %mul3A_1638 = arith.constant 6 : i32
    %mul3A_1639 = vector.broadcast %mul3A_1638 : i32 to vector<16xi32>
    %mul3A_1640 = arith.muli %gather3A_1618, %mul3A_1639 : vector<16xi32>
    %add3A_1641 = arith.addi %mul3A_1637, %mul3A_1640 : vector<16xi32>
    %add3A_1642 = arith.addi %add3A_1641, %gather3A_1622 : vector<16xi32>
    %swap3A_1643 = arith.constant 96 : index
    %swap3A_1644 = tpu.vector_load %arg10[%swap3A_1643] {strides = array<i32>} : memref<128xi32, #tpu.memory_space<vmem>>, vector<16xi32>,
    tpu.vector_store %arg10[%swap3A_1643], %add3A_1642 {strides = array<i32>} : memref<128xi32, #tpu.memory_space<vmem>>, vector<16xi32>,
    %mul3A_1645 = arith.constant 32 : i32
    %mul3A_1646 = vector.broadcast %mul3A_1645 : i32 to vector<16xi32>
    %mul3A_1647 = arith.muli %gather3A_1630, %mul3A_1646 : vector<16xi32>
    %add3A_1648 = arith.addi %mul3A_1647, %gather3A_1634 : vector<16xi32>
    %swap3A_1649 = arith.constant 96 : index
    %swap3A_1650 = tpu.vector_load %arg11[%swap3A_1649] {strides = array<i32>} : memref<128xi32, #tpu.memory_space<vmem>>, vector<16xi32>,
    tpu.vector_store %arg11[%swap3A_1649], %add3A_1648 {strides = array<i32>} : memref<128xi32, #tpu.memory_space<vmem>>, vector<16xi32>,
    %add3A_1651 = arith.constant 496 : i32
    %add3A_1652 = vector.broadcast %add3A_1651 : i32 to vector<16xi32>
    %add3A_1653 = arith.addi %add3A_1652, %iota3A : vector<16xi32>
    %mul3A_1654 = arith.constant 6 : i32
    %mul3A_1655 = vector.broadcast %mul3A_1654 : i32 to vector<16xi32>
    %mul3A_1656 = arith.muli %add3A_1653, %mul3A_1655 : vector<16xi32>
    %add3A_1657 = arith.constant 1 : i32
    %add3A_1658 = vector.broadcast %add3A_1657 : i32 to vector<16xi32>
    %add3A_1659 = arith.addi %mul3A_1656, %add3A_1658 : vector<16xi32>
    %gather3A_1660 = tpu.vector_load_idx %arg7[%add3A_1659] : memref<3072xi32, #tpu.memory_space<vmem>>[vector<16xi32>], vector<16xi32>,
    %add3A_1661 = arith.constant 2 : i32
    %add3A_1662 = vector.broadcast %add3A_1661 : i32 to vector<16xi32>
    %add3A_1663 = arith.addi %mul3A_1656, %add3A_1662 : vector<16xi32>
    %gather3A_1664 = tpu.vector_load_idx %arg7[%add3A_1663] : memref<3072xi32, #tpu.memory_space<vmem>>[vector<16xi32>], vector<16xi32>,
    %add3A_1665 = arith.constant 3 : i32
    %add3A_1666 = vector.broadcast %add3A_1665 : i32 to vector<16xi32>
    %add3A_1667 = arith.addi %mul3A_1656, %add3A_1666 : vector<16xi32>
    %gather3A_1668 = tpu.vector_load_idx %arg7[%add3A_1667] : memref<3072xi32, #tpu.memory_space<vmem>>[vector<16xi32>], vector<16xi32>,
    %add3A_1669 = arith.constant 4 : i32
    %add3A_1670 = vector.broadcast %add3A_1669 : i32 to vector<16xi32>
    %add3A_1671 = arith.addi %mul3A_1656, %add3A_1670 : vector<16xi32>
    %gather3A_1672 = tpu.vector_load_idx %arg7[%add3A_1671] : memref<3072xi32, #tpu.memory_space<vmem>>[vector<16xi32>], vector<16xi32>,
    %add3A_1673 = arith.constant 5 : i32
    %add3A_1674 = vector.broadcast %add3A_1673 : i32 to vector<16xi32>
    %add3A_1675 = arith.addi %mul3A_1656, %add3A_1674 : vector<16xi32>
    %gather3A_1676 = tpu.vector_load_idx %arg7[%add3A_1675] : memref<3072xi32, #tpu.memory_space<vmem>>[vector<16xi32>], vector<16xi32>,
    %mul3A_1677 = arith.constant 18 : i32
    %mul3A_1678 = vector.broadcast %mul3A_1677 : i32 to vector<16xi32>
    %mul3A_1679 = arith.muli %gather3A_1668, %mul3A_1678 : vector<16xi32>
    %mul3A_1680 = arith.constant 6 : i32
    %mul3A_1681 = vector.broadcast %mul3A_1680 : i32 to vector<16xi32>
    %mul3A_1682 = arith.muli %gather3A_1660, %mul3A_1681 : vector<16xi32>
    %add3A_1683 = arith.addi %mul3A_1679, %mul3A_1682 : vector<16xi32>
    %add3A_1684 = arith.addi %add3A_1683, %gather3A_1664 : vector<16xi32>
    %swap3A_1685 = arith.constant 112 : index
    %swap3A_1686 = tpu.vector_load %arg10[%swap3A_1685] {strides = array<i32>} : memref<128xi32, #tpu.memory_space<vmem>>, vector<16xi32>,
    tpu.vector_store %arg10[%swap3A_1685], %add3A_1684 {strides = array<i32>} : memref<128xi32, #tpu.memory_space<vmem>>, vector<16xi32>,
    %mul3A_1687 = arith.constant 32 : i32
    %mul3A_1688 = vector.broadcast %mul3A_1687 : i32 to vector<16xi32>
    %mul3A_1689 = arith.muli %gather3A_1672, %mul3A_1688 : vector<16xi32>
    %add3A_1690 = arith.addi %mul3A_1689, %gather3A_1676 : vector<16xi32>
    %swap3A_1691 = arith.constant 112 : index
    %swap3A_1692 = tpu.vector_load %arg11[%swap3A_1691] {strides = array<i32>} : memref<128xi32, #tpu.memory_space<vmem>>, vector<16xi32>,
    tpu.vector_store %arg11[%swap3A_1691], %add3A_1690 {strides = array<i32>} : memref<128xi32, #tpu.memory_space<vmem>>, vector<16xi32>,
    %dma_wait3A_1693 = arith.constant 0 : i32
    %dma_wait3A_1694 = tpu.memref_slice %arg5[%add3A_1348, %dma_wait3A_1693] : memref<16384x128xf32, #tpu.memory_space<hbm>> -> memref<128x128xf32, #tpu.memory_space<hbm>>
    %dma_wait3A_1695 = arith.constant 0 : i32
    %dma_wait3A_1696 = tpu.memref_slice %arg5[%add3A_1348, %dma_wait3A_1695] : memref<16384x128xf32, #tpu.memory_space<hbm>> -> memref<128x128xf32, #tpu.memory_space<hbm>>
    tpu.wait_dma2 semaphore(%arg19 : memref<!tpu.dma_semaphore, #tpu.memory_space<semaphore_mem>>) src(%arg14 : memref<128x128xf32, #tpu.memory_space<vmem>>) dst(%dma_wait3A_1696 : memref<128x128xf32, #tpu.memory_space<hbm>>)
    %dma_wait3A_1697 = arith.constant 0 : i32
    %dma_wait3A_1698 = tpu.memref_slice %arg6[%add3A_1348, %dma_wait3A_1697] : memref<16384x128xf32, #tpu.memory_space<hbm>> -> memref<128x128xf32, #tpu.memory_space<hbm>>
    %dma_wait3A_1699 = arith.constant 0 : i32
    %dma_wait3A_1700 = tpu.memref_slice %arg6[%add3A_1348, %dma_wait3A_1699] : memref<16384x128xf32, #tpu.memory_space<hbm>> -> memref<128x128xf32, #tpu.memory_space<hbm>>
    tpu.wait_dma2 semaphore(%arg19 : memref<!tpu.dma_semaphore, #tpu.memory_space<semaphore_mem>>) src(%arg15 : memref<128x128xf32, #tpu.memory_space<vmem>>) dst(%dma_wait3A_1700 : memref<128x128xf32, #tpu.memory_space<hbm>>)
    %dma_start3A_1701 = arith.constant 0 : i32
    %dma_start3A_1702 = arith.constant 0 : i32
    %dma_start3A_1703 = tpu.memref_slice %arg14[%dma_start3A_1701, %dma_start3A_1702] : memref<128x128xf32, #tpu.memory_space<vmem>> -> memref<32x128xf32, #tpu.memory_space<vmem>>
    %dma_start3A_1704 = arith.constant 0 : i32
    %dma_start3A_1705 = tpu.memref_slice %arg10[%dma_start3A_1704] : memref<128xi32, #tpu.memory_space<vmem>> -> memref<32xi32, #tpu.memory_space<vmem>>
    %dma_start3A_1706 = arith.constant 0 : i32
    %dma_start3A_1707 = arith.constant 0 : i32
    %dma_start3A_1708 = tpu.memref_slice %arg3[%dma_start3A_1706, %dma_start3A_1707] : memref<720x128xf32, #tpu.memory_space<hbm>> -> memref<720x128xf32, #tpu.memory_space<hbm>>
    tpu.enqueue_indirect_dma source(%dma_start3A_1708 : memref<720x128xf32, #tpu.memory_space<hbm>>) target(%dma_start3A_1703 : memref<32x128xf32, #tpu.memory_space<vmem>>) offsets(%dma_start3A_1705 : memref<32xi32, #tpu.memory_space<vmem>>) semaphore(%arg17 : memref<!tpu.dma_semaphore, #tpu.memory_space<semaphore_mem>>)
    %dma_start3A_1709 = arith.constant 32 : i32
    %dma_start3A_1710 = arith.constant 0 : i32
    %dma_start3A_1711 = tpu.memref_slice %arg14[%dma_start3A_1709, %dma_start3A_1710] : memref<128x128xf32, #tpu.memory_space<vmem>> -> memref<32x128xf32, #tpu.memory_space<vmem>>
    %dma_start3A_1712 = arith.constant 32 : i32
    %dma_start3A_1713 = tpu.memref_slice %arg10[%dma_start3A_1712] : memref<128xi32, #tpu.memory_space<vmem>> -> memref<32xi32, #tpu.memory_space<vmem>>
    %dma_start3A_1714 = arith.constant 0 : i32
    %dma_start3A_1715 = arith.constant 0 : i32
    %dma_start3A_1716 = tpu.memref_slice %arg3[%dma_start3A_1714, %dma_start3A_1715] : memref<720x128xf32, #tpu.memory_space<hbm>> -> memref<720x128xf32, #tpu.memory_space<hbm>>
    tpu.enqueue_indirect_dma source(%dma_start3A_1716 : memref<720x128xf32, #tpu.memory_space<hbm>>) target(%dma_start3A_1711 : memref<32x128xf32, #tpu.memory_space<vmem>>) offsets(%dma_start3A_1713 : memref<32xi32, #tpu.memory_space<vmem>>) semaphore(%arg17 : memref<!tpu.dma_semaphore, #tpu.memory_space<semaphore_mem>>)
    %dma_start3A_1717 = arith.constant 64 : i32
    %dma_start3A_1718 = arith.constant 0 : i32
    %dma_start3A_1719 = tpu.memref_slice %arg14[%dma_start3A_1717, %dma_start3A_1718] : memref<128x128xf32, #tpu.memory_space<vmem>> -> memref<32x128xf32, #tpu.memory_space<vmem>>
    %dma_start3A_1720 = arith.constant 64 : i32
    %dma_start3A_1721 = tpu.memref_slice %arg10[%dma_start3A_1720] : memref<128xi32, #tpu.memory_space<vmem>> -> memref<32xi32, #tpu.memory_space<vmem>>
    %dma_start3A_1722 = arith.constant 0 : i32
    %dma_start3A_1723 = arith.constant 0 : i32
    %dma_start3A_1724 = tpu.memref_slice %arg3[%dma_start3A_1722, %dma_start3A_1723] : memref<720x128xf32, #tpu.memory_space<hbm>> -> memref<720x128xf32, #tpu.memory_space<hbm>>
    tpu.enqueue_indirect_dma source(%dma_start3A_1724 : memref<720x128xf32, #tpu.memory_space<hbm>>) target(%dma_start3A_1719 : memref<32x128xf32, #tpu.memory_space<vmem>>) offsets(%dma_start3A_1721 : memref<32xi32, #tpu.memory_space<vmem>>) semaphore(%arg17 : memref<!tpu.dma_semaphore, #tpu.memory_space<semaphore_mem>>)
    %dma_start3A_1725 = arith.constant 96 : i32
    %dma_start3A_1726 = arith.constant 0 : i32
    %dma_start3A_1727 = tpu.memref_slice %arg14[%dma_start3A_1725, %dma_start3A_1726] : memref<128x128xf32, #tpu.memory_space<vmem>> -> memref<32x128xf32, #tpu.memory_space<vmem>>
    %dma_start3A_1728 = arith.constant 96 : i32
    %dma_start3A_1729 = tpu.memref_slice %arg10[%dma_start3A_1728] : memref<128xi32, #tpu.memory_space<vmem>> -> memref<32xi32, #tpu.memory_space<vmem>>
    %dma_start3A_1730 = arith.constant 0 : i32
    %dma_start3A_1731 = arith.constant 0 : i32
    %dma_start3A_1732 = tpu.memref_slice %arg3[%dma_start3A_1730, %dma_start3A_1731] : memref<720x128xf32, #tpu.memory_space<hbm>> -> memref<720x128xf32, #tpu.memory_space<hbm>>
    tpu.enqueue_indirect_dma source(%dma_start3A_1732 : memref<720x128xf32, #tpu.memory_space<hbm>>) target(%dma_start3A_1727 : memref<32x128xf32, #tpu.memory_space<vmem>>) offsets(%dma_start3A_1729 : memref<32xi32, #tpu.memory_space<vmem>>) semaphore(%arg17 : memref<!tpu.dma_semaphore, #tpu.memory_space<semaphore_mem>>)
    %dma_start3A_1733 = arith.constant 0 : i32
    %dma_start3A_1734 = arith.constant 0 : i32
    %dma_start3A_1735 = tpu.memref_slice %arg15[%dma_start3A_1733, %dma_start3A_1734] : memref<128x128xf32, #tpu.memory_space<vmem>> -> memref<32x128xf32, #tpu.memory_space<vmem>>
    %dma_start3A_1736 = arith.constant 0 : i32
    %dma_start3A_1737 = tpu.memref_slice %arg11[%dma_start3A_1736] : memref<128xi32, #tpu.memory_space<vmem>> -> memref<32xi32, #tpu.memory_space<vmem>>
    %dma_start3A_1738 = arith.constant 0 : i32
    %dma_start3A_1739 = arith.constant 0 : i32
    %dma_start3A_1740 = tpu.memref_slice %arg4[%dma_start3A_1738, %dma_start3A_1739] : memref<1024x128xf32, #tpu.memory_space<hbm>> -> memref<1024x128xf32, #tpu.memory_space<hbm>>
    tpu.enqueue_indirect_dma source(%dma_start3A_1740 : memref<1024x128xf32, #tpu.memory_space<hbm>>) target(%dma_start3A_1735 : memref<32x128xf32, #tpu.memory_space<vmem>>) offsets(%dma_start3A_1737 : memref<32xi32, #tpu.memory_space<vmem>>) semaphore(%arg17 : memref<!tpu.dma_semaphore, #tpu.memory_space<semaphore_mem>>)
    %dma_start3A_1741 = arith.constant 32 : i32
    %dma_start3A_1742 = arith.constant 0 : i32
    %dma_start3A_1743 = tpu.memref_slice %arg15[%dma_start3A_1741, %dma_start3A_1742] : memref<128x128xf32, #tpu.memory_space<vmem>> -> memref<32x128xf32, #tpu.memory_space<vmem>>
    %dma_start3A_1744 = arith.constant 32 : i32
    %dma_start3A_1745 = tpu.memref_slice %arg11[%dma_start3A_1744] : memref<128xi32, #tpu.memory_space<vmem>> -> memref<32xi32, #tpu.memory_space<vmem>>
    %dma_start3A_1746 = arith.constant 0 : i32
    %dma_start3A_1747 = arith.constant 0 : i32
    %dma_start3A_1748 = tpu.memref_slice %arg4[%dma_start3A_1746, %dma_start3A_1747] : memref<1024x128xf32, #tpu.memory_space<hbm>> -> memref<1024x128xf32, #tpu.memory_space<hbm>>
    tpu.enqueue_indirect_dma source(%dma_start3A_1748 : memref<1024x128xf32, #tpu.memory_space<hbm>>) target(%dma_start3A_1743 : memref<32x128xf32, #tpu.memory_space<vmem>>) offsets(%dma_start3A_1745 : memref<32xi32, #tpu.memory_space<vmem>>) semaphore(%arg17 : memref<!tpu.dma_semaphore, #tpu.memory_space<semaphore_mem>>)
    %dma_start3A_1749 = arith.constant 64 : i32
    %dma_start3A_1750 = arith.constant 0 : i32
    %dma_start3A_1751 = tpu.memref_slice %arg15[%dma_start3A_1749, %dma_start3A_1750] : memref<128x128xf32, #tpu.memory_space<vmem>> -> memref<32x128xf32, #tpu.memory_space<vmem>>
    %dma_start3A_1752 = arith.constant 64 : i32
    %dma_start3A_1753 = tpu.memref_slice %arg11[%dma_start3A_1752] : memref<128xi32, #tpu.memory_space<vmem>> -> memref<32xi32, #tpu.memory_space<vmem>>
    %dma_start3A_1754 = arith.constant 0 : i32
    %dma_start3A_1755 = arith.constant 0 : i32
    %dma_start3A_1756 = tpu.memref_slice %arg4[%dma_start3A_1754, %dma_start3A_1755] : memref<1024x128xf32, #tpu.memory_space<hbm>> -> memref<1024x128xf32, #tpu.memory_space<hbm>>
    tpu.enqueue_indirect_dma source(%dma_start3A_1756 : memref<1024x128xf32, #tpu.memory_space<hbm>>) target(%dma_start3A_1751 : memref<32x128xf32, #tpu.memory_space<vmem>>) offsets(%dma_start3A_1753 : memref<32xi32, #tpu.memory_space<vmem>>) semaphore(%arg17 : memref<!tpu.dma_semaphore, #tpu.memory_space<semaphore_mem>>)
    %dma_start3A_1757 = arith.constant 96 : i32
    %dma_start3A_1758 = arith.constant 0 : i32
    %dma_start3A_1759 = tpu.memref_slice %arg15[%dma_start3A_1757, %dma_start3A_1758] : memref<128x128xf32, #tpu.memory_space<vmem>> -> memref<32x128xf32, #tpu.memory_space<vmem>>
    %dma_start3A_1760 = arith.constant 96 : i32
    %dma_start3A_1761 = tpu.memref_slice %arg11[%dma_start3A_1760] : memref<128xi32, #tpu.memory_space<vmem>> -> memref<32xi32, #tpu.memory_space<vmem>>
    %dma_start3A_1762 = arith.constant 0 : i32
    %dma_start3A_1763 = arith.constant 0 : i32
    %dma_start3A_1764 = tpu.memref_slice %arg4[%dma_start3A_1762, %dma_start3A_1763] : memref<1024x128xf32, #tpu.memory_space<hbm>> -> memref<1024x128xf32, #tpu.memory_space<hbm>>
    tpu.enqueue_indirect_dma source(%dma_start3A_1764 : memref<1024x128xf32, #tpu.memory_space<hbm>>) target(%dma_start3A_1759 : memref<32x128xf32, #tpu.memory_space<vmem>>) offsets(%dma_start3A_1761 : memref<32xi32, #tpu.memory_space<vmem>>) semaphore(%arg17 : memref<!tpu.dma_semaphore, #tpu.memory_space<semaphore_mem>>)
    %dma_wait3A_1765 = arith.constant 0 : i32
    %dma_wait3A_1766 = arith.constant 0 : i32
    %dma_wait3A_1767 = tpu.memref_slice %arg12[%dma_wait3A_1765, %dma_wait3A_1766] : memref<128x128xf32, #tpu.memory_space<vmem>> -> memref<32x128xf32, #tpu.memory_space<vmem>>
    %dma_wait3A_1768 = arith.constant 0 : i32
    %dma_wait3A_1769 = tpu.memref_slice %arg8[%dma_wait3A_1768] : memref<128xi32, #tpu.memory_space<vmem>> -> memref<32xi32, #tpu.memory_space<vmem>>
    %dma_wait3A_1770 = arith.constant 0 : i32
    %dma_wait3A_1771 = arith.constant 0 : i32
    %dma_wait3A_1772 = tpu.memref_slice %arg3[%dma_wait3A_1770, %dma_wait3A_1771] : memref<720x128xf32, #tpu.memory_space<hbm>> -> memref<720x128xf32, #tpu.memory_space<hbm>>
    tpu.wait_indirect_dma semaphore(%arg16 : memref<!tpu.dma_semaphore, #tpu.memory_space<semaphore_mem>>) src(%dma_wait3A_1772 : memref<720x128xf32, #tpu.memory_space<hbm>>) dst(%dma_wait3A_1767 : memref<32x128xf32, #tpu.memory_space<vmem>>)
    %dma_wait3A_1773 = arith.constant 32 : i32
    %dma_wait3A_1774 = arith.constant 0 : i32
    %dma_wait3A_1775 = tpu.memref_slice %arg12[%dma_wait3A_1773, %dma_wait3A_1774] : memref<128x128xf32, #tpu.memory_space<vmem>> -> memref<32x128xf32, #tpu.memory_space<vmem>>
    %dma_wait3A_1776 = arith.constant 32 : i32
    %dma_wait3A_1777 = tpu.memref_slice %arg8[%dma_wait3A_1776] : memref<128xi32, #tpu.memory_space<vmem>> -> memref<32xi32, #tpu.memory_space<vmem>>
    %dma_wait3A_1778 = arith.constant 0 : i32
    %dma_wait3A_1779 = arith.constant 0 : i32
    %dma_wait3A_1780 = tpu.memref_slice %arg3[%dma_wait3A_1778, %dma_wait3A_1779] : memref<720x128xf32, #tpu.memory_space<hbm>> -> memref<720x128xf32, #tpu.memory_space<hbm>>
    tpu.wait_indirect_dma semaphore(%arg16 : memref<!tpu.dma_semaphore, #tpu.memory_space<semaphore_mem>>) src(%dma_wait3A_1780 : memref<720x128xf32, #tpu.memory_space<hbm>>) dst(%dma_wait3A_1775 : memref<32x128xf32, #tpu.memory_space<vmem>>)
    %dma_wait3A_1781 = arith.constant 64 : i32
    %dma_wait3A_1782 = arith.constant 0 : i32
    %dma_wait3A_1783 = tpu.memref_slice %arg12[%dma_wait3A_1781, %dma_wait3A_1782] : memref<128x128xf32, #tpu.memory_space<vmem>> -> memref<32x128xf32, #tpu.memory_space<vmem>>
    %dma_wait3A_1784 = arith.constant 64 : i32
    %dma_wait3A_1785 = tpu.memref_slice %arg8[%dma_wait3A_1784] : memref<128xi32, #tpu.memory_space<vmem>> -> memref<32xi32, #tpu.memory_space<vmem>>
    %dma_wait3A_1786 = arith.constant 0 : i32
    %dma_wait3A_1787 = arith.constant 0 : i32
    %dma_wait3A_1788 = tpu.memref_slice %arg3[%dma_wait3A_1786, %dma_wait3A_1787] : memref<720x128xf32, #tpu.memory_space<hbm>> -> memref<720x128xf32, #tpu.memory_space<hbm>>
    tpu.wait_indirect_dma semaphore(%arg16 : memref<!tpu.dma_semaphore, #tpu.memory_space<semaphore_mem>>) src(%dma_wait3A_1788 : memref<720x128xf32, #tpu.memory_space<hbm>>) dst(%dma_wait3A_1783 : memref<32x128xf32, #tpu.memory_space<vmem>>)
    %dma_wait3A_1789 = arith.constant 96 : i32
    %dma_wait3A_1790 = arith.constant 0 : i32
    %dma_wait3A_1791 = tpu.memref_slice %arg12[%dma_wait3A_1789, %dma_wait3A_1790] : memref<128x128xf32, #tpu.memory_space<vmem>> -> memref<32x128xf32, #tpu.memory_space<vmem>>
    %dma_wait3A_1792 = arith.constant 96 : i32
    %dma_wait3A_1793 = tpu.memref_slice %arg8[%dma_wait3A_1792] : memref<128xi32, #tpu.memory_space<vmem>> -> memref<32xi32, #tpu.memory_space<vmem>>
    %dma_wait3A_1794 = arith.constant 0 : i32
    %dma_wait3A_1795 = arith.constant 0 : i32
    %dma_wait3A_1796 = tpu.memref_slice %arg3[%dma_wait3A_1794, %dma_wait3A_1795] : memref<720x128xf32, #tpu.memory_space<hbm>> -> memref<720x128xf32, #tpu.memory_space<hbm>>
    tpu.wait_indirect_dma semaphore(%arg16 : memref<!tpu.dma_semaphore, #tpu.memory_space<semaphore_mem>>) src(%dma_wait3A_1796 : memref<720x128xf32, #tpu.memory_space<hbm>>) dst(%dma_wait3A_1791 : memref<32x128xf32, #tpu.memory_space<vmem>>)
    %dma_wait3A_1797 = arith.constant 0 : i32
    %dma_wait3A_1798 = arith.constant 0 : i32
    %dma_wait3A_1799 = tpu.memref_slice %arg13[%dma_wait3A_1797, %dma_wait3A_1798] : memref<128x128xf32, #tpu.memory_space<vmem>> -> memref<32x128xf32, #tpu.memory_space<vmem>>
    %dma_wait3A_1800 = arith.constant 0 : i32
    %dma_wait3A_1801 = tpu.memref_slice %arg9[%dma_wait3A_1800] : memref<128xi32, #tpu.memory_space<vmem>> -> memref<32xi32, #tpu.memory_space<vmem>>
    %dma_wait3A_1802 = arith.constant 0 : i32
    %dma_wait3A_1803 = arith.constant 0 : i32
    %dma_wait3A_1804 = tpu.memref_slice %arg4[%dma_wait3A_1802, %dma_wait3A_1803] : memref<1024x128xf32, #tpu.memory_space<hbm>> -> memref<1024x128xf32, #tpu.memory_space<hbm>>
    tpu.wait_indirect_dma semaphore(%arg16 : memref<!tpu.dma_semaphore, #tpu.memory_space<semaphore_mem>>) src(%dma_wait3A_1804 : memref<1024x128xf32, #tpu.memory_space<hbm>>) dst(%dma_wait3A_1799 : memref<32x128xf32, #tpu.memory_space<vmem>>)
    %dma_wait3A_1805 = arith.constant 32 : i32
    %dma_wait3A_1806 = arith.constant 0 : i32
    %dma_wait3A_1807 = tpu.memref_slice %arg13[%dma_wait3A_1805, %dma_wait3A_1806] : memref<128x128xf32, #tpu.memory_space<vmem>> -> memref<32x128xf32, #tpu.memory_space<vmem>>
    %dma_wait3A_1808 = arith.constant 32 : i32
    %dma_wait3A_1809 = tpu.memref_slice %arg9[%dma_wait3A_1808] : memref<128xi32, #tpu.memory_space<vmem>> -> memref<32xi32, #tpu.memory_space<vmem>>
    %dma_wait3A_1810 = arith.constant 0 : i32
    %dma_wait3A_1811 = arith.constant 0 : i32
    %dma_wait3A_1812 = tpu.memref_slice %arg4[%dma_wait3A_1810, %dma_wait3A_1811] : memref<1024x128xf32, #tpu.memory_space<hbm>> -> memref<1024x128xf32, #tpu.memory_space<hbm>>
    tpu.wait_indirect_dma semaphore(%arg16 : memref<!tpu.dma_semaphore, #tpu.memory_space<semaphore_mem>>) src(%dma_wait3A_1812 : memref<1024x128xf32, #tpu.memory_space<hbm>>) dst(%dma_wait3A_1807 : memref<32x128xf32, #tpu.memory_space<vmem>>)
    %dma_wait3A_1813 = arith.constant 64 : i32
    %dma_wait3A_1814 = arith.constant 0 : i32
    %dma_wait3A_1815 = tpu.memref_slice %arg13[%dma_wait3A_1813, %dma_wait3A_1814] : memref<128x128xf32, #tpu.memory_space<vmem>> -> memref<32x128xf32, #tpu.memory_space<vmem>>
    %dma_wait3A_1816 = arith.constant 64 : i32
    %dma_wait3A_1817 = tpu.memref_slice %arg9[%dma_wait3A_1816] : memref<128xi32, #tpu.memory_space<vmem>> -> memref<32xi32, #tpu.memory_space<vmem>>
    %dma_wait3A_1818 = arith.constant 0 : i32
    %dma_wait3A_1819 = arith.constant 0 : i32
    %dma_wait3A_1820 = tpu.memref_slice %arg4[%dma_wait3A_1818, %dma_wait3A_1819] : memref<1024x128xf32, #tpu.memory_space<hbm>> -> memref<1024x128xf32, #tpu.memory_space<hbm>>
    tpu.wait_indirect_dma semaphore(%arg16 : memref<!tpu.dma_semaphore, #tpu.memory_space<semaphore_mem>>) src(%dma_wait3A_1820 : memref<1024x128xf32, #tpu.memory_space<hbm>>) dst(%dma_wait3A_1815 : memref<32x128xf32, #tpu.memory_space<vmem>>)
    %dma_wait3A_1821 = arith.constant 96 : i32
    %dma_wait3A_1822 = arith.constant 0 : i32
    %dma_wait3A_1823 = tpu.memref_slice %arg13[%dma_wait3A_1821, %dma_wait3A_1822] : memref<128x128xf32, #tpu.memory_space<vmem>> -> memref<32x128xf32, #tpu.memory_space<vmem>>
    %dma_wait3A_1824 = arith.constant 96 : i32
    %dma_wait3A_1825 = tpu.memref_slice %arg9[%dma_wait3A_1824] : memref<128xi32, #tpu.memory_space<vmem>> -> memref<32xi32, #tpu.memory_space<vmem>>
    %dma_wait3A_1826 = arith.constant 0 : i32
    %dma_wait3A_1827 = arith.constant 0 : i32
    %dma_wait3A_1828 = tpu.memref_slice %arg4[%dma_wait3A_1826, %dma_wait3A_1827] : memref<1024x128xf32, #tpu.memory_space<hbm>> -> memref<1024x128xf32, #tpu.memory_space<hbm>>
    tpu.wait_indirect_dma semaphore(%arg16 : memref<!tpu.dma_semaphore, #tpu.memory_space<semaphore_mem>>) src(%dma_wait3A_1828 : memref<1024x128xf32, #tpu.memory_space<hbm>>) dst(%dma_wait3A_1823 : memref<32x128xf32, #tpu.memory_space<vmem>>)
    %add3A_1829 = arith.constant 256 : i32
    %add3A_1830 = arith.addi %mul3A_2, %add3A_1829 : i32
    %dma_start3A_1831 = arith.constant 0 : i32
    %dma_start3A_1832 = tpu.memref_slice %arg5[%add3A_1830, %dma_start3A_1831] : memref<16384x128xf32, #tpu.memory_space<hbm>> -> memref<128x128xf32, #tpu.memory_space<hbm>>
    %dma_start3A_1833 = arith.constant 0 : i32
    %dma_start3A_1834 = tpu.memref_slice %arg5[%add3A_1830, %dma_start3A_1833] : memref<16384x128xf32, #tpu.memory_space<hbm>> -> memref<128x128xf32, #tpu.memory_space<hbm>>
    tpu.enqueue_dma source(%arg12 : memref<128x128xf32, #tpu.memory_space<vmem>>) target(%dma_start3A_1834 : memref<128x128xf32, #tpu.memory_space<hbm>>) target_semaphore(%arg18 : memref<!tpu.dma_semaphore, #tpu.memory_space<semaphore_mem>>)
    %dma_start3A_1835 = arith.constant 0 : i32
    %dma_start3A_1836 = tpu.memref_slice %arg6[%add3A_1830, %dma_start3A_1835] : memref<16384x128xf32, #tpu.memory_space<hbm>> -> memref<128x128xf32, #tpu.memory_space<hbm>>
    %dma_start3A_1837 = arith.constant 0 : i32
    %dma_start3A_1838 = tpu.memref_slice %arg6[%add3A_1830, %dma_start3A_1837] : memref<16384x128xf32, #tpu.memory_space<hbm>> -> memref<128x128xf32, #tpu.memory_space<hbm>>
    tpu.enqueue_dma source(%arg13 : memref<128x128xf32, #tpu.memory_space<vmem>>) target(%dma_start3A_1838 : memref<128x128xf32, #tpu.memory_space<hbm>>) target_semaphore(%arg18 : memref<!tpu.dma_semaphore, #tpu.memory_space<semaphore_mem>>)
    %dma_wait3A_1839 = arith.constant 0 : i32
    %dma_wait3A_1840 = tpu.memref_slice %arg5[%add3A_1830, %dma_wait3A_1839] : memref<16384x128xf32, #tpu.memory_space<hbm>> -> memref<128x128xf32, #tpu.memory_space<hbm>>
    %dma_wait3A_1841 = arith.constant 0 : i32
    %dma_wait3A_1842 = tpu.memref_slice %arg5[%add3A_1830, %dma_wait3A_1841] : memref<16384x128xf32, #tpu.memory_space<hbm>> -> memref<128x128xf32, #tpu.memory_space<hbm>>
    tpu.wait_dma2 semaphore(%arg18 : memref<!tpu.dma_semaphore, #tpu.memory_space<semaphore_mem>>) src(%arg12 : memref<128x128xf32, #tpu.memory_space<vmem>>) dst(%dma_wait3A_1842 : memref<128x128xf32, #tpu.memory_space<hbm>>)
    %dma_wait3A_1843 = arith.constant 0 : i32
    %dma_wait3A_1844 = tpu.memref_slice %arg6[%add3A_1830, %dma_wait3A_1843] : memref<16384x128xf32, #tpu.memory_space<hbm>> -> memref<128x128xf32, #tpu.memory_space<hbm>>
    %dma_wait3A_1845 = arith.constant 0 : i32
    %dma_wait3A_1846 = tpu.memref_slice %arg6[%add3A_1830, %dma_wait3A_1845] : memref<16384x128xf32, #tpu.memory_space<hbm>> -> memref<128x128xf32, #tpu.memory_space<hbm>>
    tpu.wait_dma2 semaphore(%arg18 : memref<!tpu.dma_semaphore, #tpu.memory_space<semaphore_mem>>) src(%arg13 : memref<128x128xf32, #tpu.memory_space<vmem>>) dst(%dma_wait3A_1846 : memref<128x128xf32, #tpu.memory_space<hbm>>)
    %dma_wait3A_1847 = arith.constant 0 : i32
    %dma_wait3A_1848 = arith.constant 0 : i32
    %dma_wait3A_1849 = tpu.memref_slice %arg14[%dma_wait3A_1847, %dma_wait3A_1848] : memref<128x128xf32, #tpu.memory_space<vmem>> -> memref<32x128xf32, #tpu.memory_space<vmem>>
    %dma_wait3A_1850 = arith.constant 0 : i32
    %dma_wait3A_1851 = tpu.memref_slice %arg10[%dma_wait3A_1850] : memref<128xi32, #tpu.memory_space<vmem>> -> memref<32xi32, #tpu.memory_space<vmem>>
    %dma_wait3A_1852 = arith.constant 0 : i32
    %dma_wait3A_1853 = arith.constant 0 : i32
    %dma_wait3A_1854 = tpu.memref_slice %arg3[%dma_wait3A_1852, %dma_wait3A_1853] : memref<720x128xf32, #tpu.memory_space<hbm>> -> memref<720x128xf32, #tpu.memory_space<hbm>>
    tpu.wait_indirect_dma semaphore(%arg17 : memref<!tpu.dma_semaphore, #tpu.memory_space<semaphore_mem>>) src(%dma_wait3A_1854 : memref<720x128xf32, #tpu.memory_space<hbm>>) dst(%dma_wait3A_1849 : memref<32x128xf32, #tpu.memory_space<vmem>>)
    %dma_wait3A_1855 = arith.constant 32 : i32
    %dma_wait3A_1856 = arith.constant 0 : i32
    %dma_wait3A_1857 = tpu.memref_slice %arg14[%dma_wait3A_1855, %dma_wait3A_1856] : memref<128x128xf32, #tpu.memory_space<vmem>> -> memref<32x128xf32, #tpu.memory_space<vmem>>
    %dma_wait3A_1858 = arith.constant 32 : i32
    %dma_wait3A_1859 = tpu.memref_slice %arg10[%dma_wait3A_1858] : memref<128xi32, #tpu.memory_space<vmem>> -> memref<32xi32, #tpu.memory_space<vmem>>
    %dma_wait3A_1860 = arith.constant 0 : i32
    %dma_wait3A_1861 = arith.constant 0 : i32
    %dma_wait3A_1862 = tpu.memref_slice %arg3[%dma_wait3A_1860, %dma_wait3A_1861] : memref<720x128xf32, #tpu.memory_space<hbm>> -> memref<720x128xf32, #tpu.memory_space<hbm>>
    tpu.wait_indirect_dma semaphore(%arg17 : memref<!tpu.dma_semaphore, #tpu.memory_space<semaphore_mem>>) src(%dma_wait3A_1862 : memref<720x128xf32, #tpu.memory_space<hbm>>) dst(%dma_wait3A_1857 : memref<32x128xf32, #tpu.memory_space<vmem>>)
    %dma_wait3A_1863 = arith.constant 64 : i32
    %dma_wait3A_1864 = arith.constant 0 : i32
    %dma_wait3A_1865 = tpu.memref_slice %arg14[%dma_wait3A_1863, %dma_wait3A_1864] : memref<128x128xf32, #tpu.memory_space<vmem>> -> memref<32x128xf32, #tpu.memory_space<vmem>>
    %dma_wait3A_1866 = arith.constant 64 : i32
    %dma_wait3A_1867 = tpu.memref_slice %arg10[%dma_wait3A_1866] : memref<128xi32, #tpu.memory_space<vmem>> -> memref<32xi32, #tpu.memory_space<vmem>>
    %dma_wait3A_1868 = arith.constant 0 : i32
    %dma_wait3A_1869 = arith.constant 0 : i32
    %dma_wait3A_1870 = tpu.memref_slice %arg3[%dma_wait3A_1868, %dma_wait3A_1869] : memref<720x128xf32, #tpu.memory_space<hbm>> -> memref<720x128xf32, #tpu.memory_space<hbm>>
    tpu.wait_indirect_dma semaphore(%arg17 : memref<!tpu.dma_semaphore, #tpu.memory_space<semaphore_mem>>) src(%dma_wait3A_1870 : memref<720x128xf32, #tpu.memory_space<hbm>>) dst(%dma_wait3A_1865 : memref<32x128xf32, #tpu.memory_space<vmem>>)
    %dma_wait3A_1871 = arith.constant 96 : i32
    %dma_wait3A_1872 = arith.constant 0 : i32
    %dma_wait3A_1873 = tpu.memref_slice %arg14[%dma_wait3A_1871, %dma_wait3A_1872] : memref<128x128xf32, #tpu.memory_space<vmem>> -> memref<32x128xf32, #tpu.memory_space<vmem>>
    %dma_wait3A_1874 = arith.constant 96 : i32
    %dma_wait3A_1875 = tpu.memref_slice %arg10[%dma_wait3A_1874] : memref<128xi32, #tpu.memory_space<vmem>> -> memref<32xi32, #tpu.memory_space<vmem>>
    %dma_wait3A_1876 = arith.constant 0 : i32
    %dma_wait3A_1877 = arith.constant 0 : i32
    %dma_wait3A_1878 = tpu.memref_slice %arg3[%dma_wait3A_1876, %dma_wait3A_1877] : memref<720x128xf32, #tpu.memory_space<hbm>> -> memref<720x128xf32, #tpu.memory_space<hbm>>
    tpu.wait_indirect_dma semaphore(%arg17 : memref<!tpu.dma_semaphore, #tpu.memory_space<semaphore_mem>>) src(%dma_wait3A_1878 : memref<720x128xf32, #tpu.memory_space<hbm>>) dst(%dma_wait3A_1873 : memref<32x128xf32, #tpu.memory_space<vmem>>)
    %dma_wait3A_1879 = arith.constant 0 : i32
    %dma_wait3A_1880 = arith.constant 0 : i32
    %dma_wait3A_1881 = tpu.memref_slice %arg15[%dma_wait3A_1879, %dma_wait3A_1880] : memref<128x128xf32, #tpu.memory_space<vmem>> -> memref<32x128xf32, #tpu.memory_space<vmem>>
    %dma_wait3A_1882 = arith.constant 0 : i32
    %dma_wait3A_1883 = tpu.memref_slice %arg11[%dma_wait3A_1882] : memref<128xi32, #tpu.memory_space<vmem>> -> memref<32xi32, #tpu.memory_space<vmem>>
    %dma_wait3A_1884 = arith.constant 0 : i32
    %dma_wait3A_1885 = arith.constant 0 : i32
    %dma_wait3A_1886 = tpu.memref_slice %arg4[%dma_wait3A_1884, %dma_wait3A_1885] : memref<1024x128xf32, #tpu.memory_space<hbm>> -> memref<1024x128xf32, #tpu.memory_space<hbm>>
    tpu.wait_indirect_dma semaphore(%arg17 : memref<!tpu.dma_semaphore, #tpu.memory_space<semaphore_mem>>) src(%dma_wait3A_1886 : memref<1024x128xf32, #tpu.memory_space<hbm>>) dst(%dma_wait3A_1881 : memref<32x128xf32, #tpu.memory_space<vmem>>)
    %dma_wait3A_1887 = arith.constant 32 : i32
    %dma_wait3A_1888 = arith.constant 0 : i32
    %dma_wait3A_1889 = tpu.memref_slice %arg15[%dma_wait3A_1887, %dma_wait3A_1888] : memref<128x128xf32, #tpu.memory_space<vmem>> -> memref<32x128xf32, #tpu.memory_space<vmem>>
    %dma_wait3A_1890 = arith.constant 32 : i32
    %dma_wait3A_1891 = tpu.memref_slice %arg11[%dma_wait3A_1890] : memref<128xi32, #tpu.memory_space<vmem>> -> memref<32xi32, #tpu.memory_space<vmem>>
    %dma_wait3A_1892 = arith.constant 0 : i32
    %dma_wait3A_1893 = arith.constant 0 : i32
    %dma_wait3A_1894 = tpu.memref_slice %arg4[%dma_wait3A_1892, %dma_wait3A_1893] : memref<1024x128xf32, #tpu.memory_space<hbm>> -> memref<1024x128xf32, #tpu.memory_space<hbm>>
    tpu.wait_indirect_dma semaphore(%arg17 : memref<!tpu.dma_semaphore, #tpu.memory_space<semaphore_mem>>) src(%dma_wait3A_1894 : memref<1024x128xf32, #tpu.memory_space<hbm>>) dst(%dma_wait3A_1889 : memref<32x128xf32, #tpu.memory_space<vmem>>)
    %dma_wait3A_1895 = arith.constant 64 : i32
    %dma_wait3A_1896 = arith.constant 0 : i32
    %dma_wait3A_1897 = tpu.memref_slice %arg15[%dma_wait3A_1895, %dma_wait3A_1896] : memref<128x128xf32, #tpu.memory_space<vmem>> -> memref<32x128xf32, #tpu.memory_space<vmem>>
    %dma_wait3A_1898 = arith.constant 64 : i32
    %dma_wait3A_1899 = tpu.memref_slice %arg11[%dma_wait3A_1898] : memref<128xi32, #tpu.memory_space<vmem>> -> memref<32xi32, #tpu.memory_space<vmem>>
    %dma_wait3A_1900 = arith.constant 0 : i32
    %dma_wait3A_1901 = arith.constant 0 : i32
    %dma_wait3A_1902 = tpu.memref_slice %arg4[%dma_wait3A_1900, %dma_wait3A_1901] : memref<1024x128xf32, #tpu.memory_space<hbm>> -> memref<1024x128xf32, #tpu.memory_space<hbm>>
    tpu.wait_indirect_dma semaphore(%arg17 : memref<!tpu.dma_semaphore, #tpu.memory_space<semaphore_mem>>) src(%dma_wait3A_1902 : memref<1024x128xf32, #tpu.memory_space<hbm>>) dst(%dma_wait3A_1897 : memref<32x128xf32, #tpu.memory_space<vmem>>)
    %dma_wait3A_1903 = arith.constant 96 : i32
    %dma_wait3A_1904 = arith.constant 0 : i32
    %dma_wait3A_1905 = tpu.memref_slice %arg15[%dma_wait3A_1903, %dma_wait3A_1904] : memref<128x128xf32, #tpu.memory_space<vmem>> -> memref<32x128xf32, #tpu.memory_space<vmem>>
    %dma_wait3A_1906 = arith.constant 96 : i32
    %dma_wait3A_1907 = tpu.memref_slice %arg11[%dma_wait3A_1906] : memref<128xi32, #tpu.memory_space<vmem>> -> memref<32xi32, #tpu.memory_space<vmem>>
    %dma_wait3A_1908 = arith.constant 0 : i32
    %dma_wait3A_1909 = arith.constant 0 : i32
    %dma_wait3A_1910 = tpu.memref_slice %arg4[%dma_wait3A_1908, %dma_wait3A_1909] : memref<1024x128xf32, #tpu.memory_space<hbm>> -> memref<1024x128xf32, #tpu.memory_space<hbm>>
    tpu.wait_indirect_dma semaphore(%arg17 : memref<!tpu.dma_semaphore, #tpu.memory_space<semaphore_mem>>) src(%dma_wait3A_1910 : memref<1024x128xf32, #tpu.memory_space<hbm>>) dst(%dma_wait3A_1905 : memref<32x128xf32, #tpu.memory_space<vmem>>)
    %add3A_1911 = arith.constant 384 : i32
    %add3A_1912 = arith.addi %mul3A_2, %add3A_1911 : i32
    %dma_start3A_1913 = arith.constant 0 : i32
    %dma_start3A_1914 = tpu.memref_slice %arg5[%add3A_1912, %dma_start3A_1913] : memref<16384x128xf32, #tpu.memory_space<hbm>> -> memref<128x128xf32, #tpu.memory_space<hbm>>
    %dma_start3A_1915 = arith.constant 0 : i32
    %dma_start3A_1916 = tpu.memref_slice %arg5[%add3A_1912, %dma_start3A_1915] : memref<16384x128xf32, #tpu.memory_space<hbm>> -> memref<128x128xf32, #tpu.memory_space<hbm>>
    tpu.enqueue_dma source(%arg14 : memref<128x128xf32, #tpu.memory_space<vmem>>) target(%dma_start3A_1916 : memref<128x128xf32, #tpu.memory_space<hbm>>) target_semaphore(%arg19 : memref<!tpu.dma_semaphore, #tpu.memory_space<semaphore_mem>>)
    %dma_start3A_1917 = arith.constant 0 : i32
    %dma_start3A_1918 = tpu.memref_slice %arg6[%add3A_1912, %dma_start3A_1917] : memref<16384x128xf32, #tpu.memory_space<hbm>> -> memref<128x128xf32, #tpu.memory_space<hbm>>
    %dma_start3A_1919 = arith.constant 0 : i32
    %dma_start3A_1920 = tpu.memref_slice %arg6[%add3A_1912, %dma_start3A_1919] : memref<16384x128xf32, #tpu.memory_space<hbm>> -> memref<128x128xf32, #tpu.memory_space<hbm>>
    tpu.enqueue_dma source(%arg15 : memref<128x128xf32, #tpu.memory_space<vmem>>) target(%dma_start3A_1920 : memref<128x128xf32, #tpu.memory_space<hbm>>) target_semaphore(%arg19 : memref<!tpu.dma_semaphore, #tpu.memory_space<semaphore_mem>>)
    %dma_wait3A_1921 = arith.constant 0 : i32
    %dma_wait3A_1922 = tpu.memref_slice %arg5[%add3A_1912, %dma_wait3A_1921] : memref<16384x128xf32, #tpu.memory_space<hbm>> -> memref<128x128xf32, #tpu.memory_space<hbm>>
    %dma_wait3A_1923 = arith.constant 0 : i32
    %dma_wait3A_1924 = tpu.memref_slice %arg5[%add3A_1912, %dma_wait3A_1923] : memref<16384x128xf32, #tpu.memory_space<hbm>> -> memref<128x128xf32, #tpu.memory_space<hbm>>
    tpu.wait_dma2 semaphore(%arg19 : memref<!tpu.dma_semaphore, #tpu.memory_space<semaphore_mem>>) src(%arg14 : memref<128x128xf32, #tpu.memory_space<vmem>>) dst(%dma_wait3A_1924 : memref<128x128xf32, #tpu.memory_space<hbm>>)
    %dma_wait3A_1925 = arith.constant 0 : i32
    %dma_wait3A_1926 = tpu.memref_slice %arg6[%add3A_1912, %dma_wait3A_1925] : memref<16384x128xf32, #tpu.memory_space<hbm>> -> memref<128x128xf32, #tpu.memory_space<hbm>>
    %dma_wait3A_1927 = arith.constant 0 : i32
    %dma_wait3A_1928 = tpu.memref_slice %arg6[%add3A_1912, %dma_wait3A_1927] : memref<16384x128xf32, #tpu.memory_space<hbm>> -> memref<128x128xf32, #tpu.memory_space<hbm>>
    tpu.wait_dma2 semaphore(%arg19 : memref<!tpu.dma_semaphore, #tpu.memory_space<semaphore_mem>>) src(%arg15 : memref<128x128xf32, #tpu.memory_space<vmem>>) dst(%dma_wait3A_1928 : memref<128x128xf32, #tpu.memory_space<hbm>>)
    return
  }
}

module attributes {stable_mosaic.version = 14 : i64} {
  func.func @_tables_body(%arg0: memref<3x128xf32, #tpu.memory_space<vmem>>, %arg1: memref<6x128xf32, #tpu.memory_space<vmem>>, %arg2: memref<40x128xf32, #tpu.memory_space<vmem>>, %arg3: memref<32x128xf32, #tpu.memory_space<vmem>>, %arg4: memref<32x128xf32, #tpu.memory_space<vmem>>, %arg5: memref<640x128xf32, #tpu.memory_space<vmem>>, %arg6: memref<128xf32, #tpu.memory_space<vmem>>, %arg7: memref<720x128xf32, #tpu.memory_space<vmem>>, %arg8: memref<1024x128xf32, #tpu.memory_space<vmem>>) attributes {dimension_semantics = [], scalar_prefetch = 0 : i64, scratch_operands = 0 : i64, tpu.core_type = #tpu.core_type<tc>} {
    %get3A = arith.constant 0 : index
    %get3A_0 = arith.constant 0 : index
    %get3A_1 = vector.load %arg0[%get3A, %get3A_0] : memref<3x128xf32, #tpu.memory_space<vmem>>, vector<3x128xf32>
    %get3A_2 = arith.constant 0 : index
    %get3A_3 = arith.constant 0 : index
    %get3A_4 = vector.load %arg5[%get3A_2, %get3A_3] : memref<640x128xf32, #tpu.memory_space<vmem>>, vector<128x128xf32>
    %dot_general3A = arith.constant dense<0.000000e+00> : vector<3x128xf32>
    %dot_general3A_5 = tpu.matmul %get3A_1, %get3A_4, %dot_general3A {dimension_numbers = #tpu.dot_dimension_numbers<[1], [0], [0], [1], [0, 0, 1, 1], [], []>, transpose_lhs_hint = false} : vector<3x128xf32>, vector<128x128xf32>, vector<3x128xf32> -> vector<3x128xf32>
    %get3A_6 = arith.constant 0 : index
    %get3A_7 = arith.constant 0 : index
    %get3A_8 = vector.load %arg1[%get3A_6, %get3A_7] : memref<6x128xf32, #tpu.memory_space<vmem>>, vector<6x128xf32>
    %get3A_9 = arith.constant 128 : index
    %get3A_10 = arith.constant 0 : index
    %get3A_11 = vector.load %arg5[%get3A_9, %get3A_10] : memref<640x128xf32, #tpu.memory_space<vmem>>, vector<128x128xf32>
    %dot_general3A_12 = arith.constant dense<0.000000e+00> : vector<6x128xf32>
    %dot_general3A_13 = tpu.matmul %get3A_8, %get3A_11, %dot_general3A_12 {dimension_numbers = #tpu.dot_dimension_numbers<[1], [0], [0], [1], [0, 0, 1, 1], [], []>, transpose_lhs_hint = false} : vector<6x128xf32>, vector<128x128xf32>, vector<6x128xf32> -> vector<6x128xf32>
    %get3A_14 = arith.constant 0 : index
    %get3A_15 = arith.constant 0 : index
    %get3A_16 = vector.load %arg2[%get3A_14, %get3A_15] : memref<40x128xf32, #tpu.memory_space<vmem>>, vector<40x128xf32>
    %get3A_17 = arith.constant 256 : index
    %get3A_18 = arith.constant 0 : index
    %get3A_19 = vector.load %arg5[%get3A_17, %get3A_18] : memref<640x128xf32, #tpu.memory_space<vmem>>, vector<128x128xf32>
    %dot_general3A_20 = arith.constant dense<0.000000e+00> : vector<40x128xf32>
    %dot_general3A_21 = tpu.matmul %get3A_16, %get3A_19, %dot_general3A_20 {dimension_numbers = #tpu.dot_dimension_numbers<[1], [0], [0], [1], [0, 0, 1, 1], [], []>, transpose_lhs_hint = false} : vector<40x128xf32>, vector<128x128xf32>, vector<40x128xf32> -> vector<40x128xf32>
    %get3A_22 = arith.constant 0 : index
    %get3A_23 = arith.constant 0 : index
    %get3A_24 = vector.load %arg3[%get3A_22, %get3A_23] : memref<32x128xf32, #tpu.memory_space<vmem>>, vector<32x128xf32>
    %get3A_25 = arith.constant 384 : index
    %get3A_26 = arith.constant 0 : index
    %get3A_27 = vector.load %arg5[%get3A_25, %get3A_26] : memref<640x128xf32, #tpu.memory_space<vmem>>, vector<128x128xf32>
    %dot_general3A_28 = arith.constant dense<0.000000e+00> : vector<32x128xf32>
    %dot_general3A_29 = tpu.matmul %get3A_24, %get3A_27, %dot_general3A_28 {dimension_numbers = #tpu.dot_dimension_numbers<[1], [0], [0], [1], [0, 0, 1, 1], [], []>, transpose_lhs_hint = false} : vector<32x128xf32>, vector<128x128xf32>, vector<32x128xf32> -> vector<32x128xf32>
    %get3A_30 = arith.constant 0 : index
    %get3A_31 = arith.constant 0 : index
    %get3A_32 = vector.load %arg4[%get3A_30, %get3A_31] : memref<32x128xf32, #tpu.memory_space<vmem>>, vector<32x128xf32>
    %get3A_33 = arith.constant 512 : index
    %get3A_34 = arith.constant 0 : index
    %get3A_35 = vector.load %arg5[%get3A_33, %get3A_34] : memref<640x128xf32, #tpu.memory_space<vmem>>, vector<128x128xf32>
    %dot_general3A_36 = arith.constant dense<0.000000e+00> : vector<32x128xf32>
    %dot_general3A_37 = tpu.matmul %get3A_32, %get3A_35, %dot_general3A_36 {dimension_numbers = #tpu.dot_dimension_numbers<[1], [0], [0], [1], [0, 0, 1, 1], [], []>, transpose_lhs_hint = false} : vector<32x128xf32>, vector<128x128xf32>, vector<32x128xf32> -> vector<32x128xf32>
    %get3A_38 = arith.constant 0 : index
    %get3A_39 = vector.load %arg6[%get3A_38] : memref<128xf32, #tpu.memory_space<vmem>>, vector<128xf32>
    %mul3A = arith.constant 5.000000e-01 : f32
    %mul3A_40 = vector.broadcast %mul3A : f32 to vector<128xf32>
    %mul3A_41 = arith.mulf %get3A_39, %mul3A_40 : vector<128xf32>
    %broadcast_in_dim3A = vector.shape_cast %mul3A_41 : vector<128xf32> to vector<1x128xf32>
    %iota3A = tpu.iota {dimensions = array<i32: 0>} : vector<720x40xi32>
    %iota3A_42 = tpu.iota {dimensions = array<i32: 1>} : vector<720x40xi32>
    %jit3A = arith.constant 18 : i32
    %div3A = vector.broadcast %jit3A : i32 to vector<720x40xi32>
    %div3A_43 = arith.divsi %iota3A, %div3A : vector<720x40xi32>
    %sign3A = arith.constant 0 : i32
    %sign3A_44 = vector.broadcast %sign3A : i32 to vector<720x40xi32>
    %sign3A_45 = arith.cmpi sgt, %iota3A, %sign3A_44 : vector<720x40xi32>
    %sign3A_46 = arith.extui %sign3A_45 : vector<720x40xi1> to vector<720x40xi32>
    %sign3A_47 = arith.constant 0 : i32
    %sign3A_48 = vector.broadcast %sign3A_47 : i32 to vector<720x40xi32>
    %sign3A_49 = arith.cmpi slt, %iota3A, %sign3A_48 : vector<720x40xi32>
    %sign3A_50 = arith.extui %sign3A_49 : vector<720x40xi1> to vector<720x40xi32>
    %sign3A_51 = arith.subi %sign3A_46, %sign3A_50 : vector<720x40xi32>
    %sign3A_52 = arith.constant 0 : i32
    %sign3A_53 = arith.cmpi sgt, %jit3A, %sign3A_52 : i32
    %sign3A_54 = arith.extui %sign3A_53 : i1 to i32
    %sign3A_55 = arith.constant 0 : i32
    %sign3A_56 = arith.cmpi slt, %jit3A, %sign3A_55 : i32
    %sign3A_57 = arith.extui %sign3A_56 : i1 to i32
    %sign3A_58 = arith.subi %sign3A_54, %sign3A_57 : i32
    %ne3A = vector.broadcast %sign3A_58 : i32 to vector<720x40xi32>
    %ne3A_59 = arith.cmpi ne, %sign3A_51, %ne3A : vector<720x40xi32>
    %rem3A = vector.broadcast %jit3A : i32 to vector<720x40xi32>
    %rem3A_60 = arith.remsi %iota3A, %rem3A : vector<720x40xi32>
    %ne3A_61 = arith.constant 0 : i32
    %ne3A_62 = vector.broadcast %ne3A_61 : i32 to vector<720x40xi32>
    %ne3A_63 = arith.cmpi ne, %rem3A_60, %ne3A_62 : vector<720x40xi32>
    %and3A = arith.andi %ne3A_59, %ne3A_63 : vector<720x40xi1>
    %sub3A = arith.constant 1 : i32
    %sub3A_64 = vector.broadcast %sub3A : i32 to vector<720x40xi32>
    %sub3A_65 = arith.subi %div3A_43, %sub3A_64 : vector<720x40xi32>
    %select_n3A = arith.select %and3A, %sub3A_65, %div3A_43 : vector<720x40xi1>, vector<720x40xi32>
    %eq3A = arith.cmpi eq, %iota3A_42, %select_n3A : vector<720x40xi32>
    %convert_element_type3A = arith.extui %eq3A : vector<720x40xi1> to vector<720x40xi32>
    %convert_element_type3A_66 = arith.sitofp %convert_element_type3A : vector<720x40xi32> to vector<720x40xf32>
    %dot_general3A_67 = arith.constant dense<0.000000e+00> : vector<720x128xf32>
    %dot_general3A_68 = tpu.matmul %convert_element_type3A_66, %dot_general3A_21, %dot_general3A_67 {dimension_numbers = #tpu.dot_dimension_numbers<[1], [0], [0], [1], [0, 0, 1, 1], [], []>, transpose_lhs_hint = false} : vector<720x40xf32>, vector<40x128xf32>, vector<720x128xf32> -> vector<720x128xf32>
    %iota3A_69 = tpu.iota {dimensions = array<i32: 0>} : vector<720x3xi32>
    %iota3A_70 = tpu.iota {dimensions = array<i32: 1>} : vector<720x3xi32>
    %jit3A_71 = arith.constant 18 : i32
    %eq3A_72 = arith.constant 0 : i32
    %eq3A_73 = arith.cmpi eq, %jit3A_71, %eq3A_72 : i32
    %jit3A_74 = arith.constant 1 : i32
    %select_n3A_75 = arith.select %eq3A_73, %jit3A_74, %jit3A_71 : i32
    %rem3A_76 = vector.broadcast %select_n3A_75 : i32 to vector<720x3xi32>
    %rem3A_77 = arith.remsi %iota3A_69, %rem3A_76 : vector<720x3xi32>
    %ne3A_78 = arith.constant 0 : i32
    %ne3A_79 = vector.broadcast %ne3A_78 : i32 to vector<720x3xi32>
    %ne3A_80 = arith.cmpi ne, %rem3A_77, %ne3A_79 : vector<720x3xi32>
    %lt3A = arith.constant 0 : i32
    %lt3A_81 = vector.broadcast %lt3A : i32 to vector<720x3xi32>
    %lt3A_82 = arith.cmpi slt, %rem3A_77, %lt3A_81 : vector<720x3xi32>
    %lt3A_83 = arith.constant 0 : i32
    %lt3A_84 = arith.cmpi slt, %select_n3A_75, %lt3A_83 : i32
    %ne3A_85 = vector.broadcast %lt3A_84 : i1 to vector<720x3xi1>
    %ne3A_86 = vector.broadcast %ne3A_85 : vector<720x3xi1> to vector<720x3xi1>
    %ne3A_87 = arith.xori %lt3A_82, %ne3A_86 : vector<720x3xi1>
    %and3A_88 = arith.andi %ne3A_87, %ne3A_80 : vector<720x3xi1>
    %add3A = vector.broadcast %select_n3A_75 : i32 to vector<720x3xi32>
    %add3A_89 = arith.addi %rem3A_77, %add3A : vector<720x3xi32>
    %select_n3A_90 = arith.select %and3A_88, %add3A_89, %rem3A_77 : vector<720x3xi1>, vector<720x3xi32>
    %jit3A_91 = arith.constant 6 : i32
    %div3A_92 = vector.broadcast %jit3A_91 : i32 to vector<720x3xi32>
    %div3A_93 = arith.divsi %select_n3A_90, %div3A_92 : vector<720x3xi32>
    %sign3A_94 = arith.constant 0 : i32
    %sign3A_95 = vector.broadcast %sign3A_94 : i32 to vector<720x3xi32>
    %sign3A_96 = arith.cmpi sgt, %select_n3A_90, %sign3A_95 : vector<720x3xi32>
    %sign3A_97 = arith.extui %sign3A_96 : vector<720x3xi1> to vector<720x3xi32>
    %sign3A_98 = arith.constant 0 : i32
    %sign3A_99 = vector.broadcast %sign3A_98 : i32 to vector<720x3xi32>
    %sign3A_100 = arith.cmpi slt, %select_n3A_90, %sign3A_99 : vector<720x3xi32>
    %sign3A_101 = arith.extui %sign3A_100 : vector<720x3xi1> to vector<720x3xi32>
    %sign3A_102 = arith.subi %sign3A_97, %sign3A_101 : vector<720x3xi32>
    %sign3A_103 = arith.constant 0 : i32
    %sign3A_104 = arith.cmpi sgt, %jit3A_91, %sign3A_103 : i32
    %sign3A_105 = arith.extui %sign3A_104 : i1 to i32
    %sign3A_106 = arith.constant 0 : i32
    %sign3A_107 = arith.cmpi slt, %jit3A_91, %sign3A_106 : i32
    %sign3A_108 = arith.extui %sign3A_107 : i1 to i32
    %sign3A_109 = arith.subi %sign3A_105, %sign3A_108 : i32
    %ne3A_110 = vector.broadcast %sign3A_109 : i32 to vector<720x3xi32>
    %ne3A_111 = arith.cmpi ne, %sign3A_102, %ne3A_110 : vector<720x3xi32>
    %rem3A_112 = vector.broadcast %jit3A_91 : i32 to vector<720x3xi32>
    %rem3A_113 = arith.remsi %select_n3A_90, %rem3A_112 : vector<720x3xi32>
    %ne3A_114 = arith.constant 0 : i32
    %ne3A_115 = vector.broadcast %ne3A_114 : i32 to vector<720x3xi32>
    %ne3A_116 = arith.cmpi ne, %rem3A_113, %ne3A_115 : vector<720x3xi32>
    %and3A_117 = arith.andi %ne3A_111, %ne3A_116 : vector<720x3xi1>
    %sub3A_118 = arith.constant 1 : i32
    %sub3A_119 = vector.broadcast %sub3A_118 : i32 to vector<720x3xi32>
    %sub3A_120 = arith.subi %div3A_93, %sub3A_119 : vector<720x3xi32>
    %select_n3A_121 = arith.select %and3A_117, %sub3A_120, %div3A_93 : vector<720x3xi1>, vector<720x3xi32>
    %eq3A_122 = arith.cmpi eq, %iota3A_70, %select_n3A_121 : vector<720x3xi32>
    %convert_element_type3A_123 = arith.extui %eq3A_122 : vector<720x3xi1> to vector<720x3xi32>
    %convert_element_type3A_124 = arith.sitofp %convert_element_type3A_123 : vector<720x3xi32> to vector<720x3xf32>
    %dot_general3A_125 = arith.constant dense<0.000000e+00> : vector<720x128xf32>
    %dot_general3A_126 = tpu.matmul %convert_element_type3A_124, %dot_general3A_5, %dot_general3A_125 {dimension_numbers = #tpu.dot_dimension_numbers<[1], [0], [0], [1], [0, 0, 1, 1], [], []>, transpose_lhs_hint = false} : vector<720x3xf32>, vector<3x128xf32>, vector<720x128xf32> -> vector<720x128xf32>
    %add3A_127 = arith.addf %dot_general3A_68, %dot_general3A_126 : vector<720x128xf32>
    %iota3A_128 = tpu.iota {dimensions = array<i32: 0>} : vector<720x6xi32>
    %iota3A_129 = tpu.iota {dimensions = array<i32: 1>} : vector<720x6xi32>
    %jit3A_130 = arith.constant 6 : i32
    %eq3A_131 = arith.constant 0 : i32
    %eq3A_132 = arith.cmpi eq, %jit3A_130, %eq3A_131 : i32
    %jit3A_133 = arith.constant 1 : i32
    %select_n3A_134 = arith.select %eq3A_132, %jit3A_133, %jit3A_130 : i32
    %rem3A_135 = vector.broadcast %select_n3A_134 : i32 to vector<720x6xi32>
    %rem3A_136 = arith.remsi %iota3A_128, %rem3A_135 : vector<720x6xi32>
    %ne3A_137 = arith.constant 0 : i32
    %ne3A_138 = vector.broadcast %ne3A_137 : i32 to vector<720x6xi32>
    %ne3A_139 = arith.cmpi ne, %rem3A_136, %ne3A_138 : vector<720x6xi32>
    %lt3A_140 = arith.constant 0 : i32
    %lt3A_141 = vector.broadcast %lt3A_140 : i32 to vector<720x6xi32>
    %lt3A_142 = arith.cmpi slt, %rem3A_136, %lt3A_141 : vector<720x6xi32>
    %lt3A_143 = arith.constant 0 : i32
    %lt3A_144 = arith.cmpi slt, %select_n3A_134, %lt3A_143 : i32
    %ne3A_145 = vector.broadcast %lt3A_144 : i1 to vector<720x6xi1>
    %ne3A_146 = vector.broadcast %ne3A_145 : vector<720x6xi1> to vector<720x6xi1>
    %ne3A_147 = arith.xori %lt3A_142, %ne3A_146 : vector<720x6xi1>
    %and3A_148 = arith.andi %ne3A_147, %ne3A_139 : vector<720x6xi1>
    %add3A_149 = vector.broadcast %select_n3A_134 : i32 to vector<720x6xi32>
    %add3A_150 = arith.addi %rem3A_136, %add3A_149 : vector<720x6xi32>
    %select_n3A_151 = arith.select %and3A_148, %add3A_150, %rem3A_136 : vector<720x6xi1>, vector<720x6xi32>
    %eq3A_152 = arith.cmpi eq, %iota3A_129, %select_n3A_151 : vector<720x6xi32>
    %convert_element_type3A_153 = arith.extui %eq3A_152 : vector<720x6xi1> to vector<720x6xi32>
    %convert_element_type3A_154 = arith.sitofp %convert_element_type3A_153 : vector<720x6xi32> to vector<720x6xf32>
    %dot_general3A_155 = arith.constant dense<0.000000e+00> : vector<720x128xf32>
    %dot_general3A_156 = tpu.matmul %convert_element_type3A_154, %dot_general3A_13, %dot_general3A_155 {dimension_numbers = #tpu.dot_dimension_numbers<[1], [0], [0], [1], [0, 0, 1, 1], [], []>, transpose_lhs_hint = false} : vector<720x6xf32>, vector<6x128xf32>, vector<720x128xf32> -> vector<720x128xf32>
    %add3A_157 = arith.addf %add3A_127, %dot_general3A_156 : vector<720x128xf32>
    %add3A_158 = vector.broadcast %broadcast_in_dim3A : vector<1x128xf32> to vector<720x128xf32>
    %add3A_159 = arith.addf %add3A_157, %add3A_158 : vector<720x128xf32>
    %swap3A = arith.constant 0 : index
    %swap3A_160 = arith.constant 0 : index
    %swap3A_161 = vector.load %arg7[%swap3A, %swap3A_160] : memref<720x128xf32, #tpu.memory_space<vmem>>, vector<720x128xf32>
    tpu.vector_store %arg7[%swap3A, %swap3A_160], %add3A_159 {strides = array<i32>} : memref<720x128xf32, #tpu.memory_space<vmem>>, vector<720x128xf32>,
    %iota3A_162 = tpu.iota {dimensions = array<i32: 0>} : vector<1024x32xi32>
    %iota3A_163 = tpu.iota {dimensions = array<i32: 1>} : vector<1024x32xi32>
    %jit3A_164 = arith.constant 32 : i32
    %div3A_165 = vector.broadcast %jit3A_164 : i32 to vector<1024x32xi32>
    %div3A_166 = arith.divsi %iota3A_162, %div3A_165 : vector<1024x32xi32>
    %sign3A_167 = arith.constant 0 : i32
    %sign3A_168 = vector.broadcast %sign3A_167 : i32 to vector<1024x32xi32>
    %sign3A_169 = arith.cmpi sgt, %iota3A_162, %sign3A_168 : vector<1024x32xi32>
    %sign3A_170 = arith.extui %sign3A_169 : vector<1024x32xi1> to vector<1024x32xi32>
    %sign3A_171 = arith.constant 0 : i32
    %sign3A_172 = vector.broadcast %sign3A_171 : i32 to vector<1024x32xi32>
    %sign3A_173 = arith.cmpi slt, %iota3A_162, %sign3A_172 : vector<1024x32xi32>
    %sign3A_174 = arith.extui %sign3A_173 : vector<1024x32xi1> to vector<1024x32xi32>
    %sign3A_175 = arith.subi %sign3A_170, %sign3A_174 : vector<1024x32xi32>
    %sign3A_176 = arith.constant 0 : i32
    %sign3A_177 = arith.cmpi sgt, %jit3A_164, %sign3A_176 : i32
    %sign3A_178 = arith.extui %sign3A_177 : i1 to i32
    %sign3A_179 = arith.constant 0 : i32
    %sign3A_180 = arith.cmpi slt, %jit3A_164, %sign3A_179 : i32
    %sign3A_181 = arith.extui %sign3A_180 : i1 to i32
    %sign3A_182 = arith.subi %sign3A_178, %sign3A_181 : i32
    %ne3A_183 = vector.broadcast %sign3A_182 : i32 to vector<1024x32xi32>
    %ne3A_184 = arith.cmpi ne, %sign3A_175, %ne3A_183 : vector<1024x32xi32>
    %rem3A_185 = vector.broadcast %jit3A_164 : i32 to vector<1024x32xi32>
    %rem3A_186 = arith.remsi %iota3A_162, %rem3A_185 : vector<1024x32xi32>
    %ne3A_187 = arith.constant 0 : i32
    %ne3A_188 = vector.broadcast %ne3A_187 : i32 to vector<1024x32xi32>
    %ne3A_189 = arith.cmpi ne, %rem3A_186, %ne3A_188 : vector<1024x32xi32>
    %and3A_190 = arith.andi %ne3A_184, %ne3A_189 : vector<1024x32xi1>
    %sub3A_191 = arith.constant 1 : i32
    %sub3A_192 = vector.broadcast %sub3A_191 : i32 to vector<1024x32xi32>
    %sub3A_193 = arith.subi %div3A_166, %sub3A_192 : vector<1024x32xi32>
    %select_n3A_194 = arith.select %and3A_190, %sub3A_193, %div3A_166 : vector<1024x32xi1>, vector<1024x32xi32>
    %eq3A_195 = arith.cmpi eq, %iota3A_163, %select_n3A_194 : vector<1024x32xi32>
    %convert_element_type3A_196 = arith.extui %eq3A_195 : vector<1024x32xi1> to vector<1024x32xi32>
    %convert_element_type3A_197 = arith.sitofp %convert_element_type3A_196 : vector<1024x32xi32> to vector<1024x32xf32>
    %dot_general3A_198 = arith.constant dense<0.000000e+00> : vector<1024x128xf32>
    %dot_general3A_199 = tpu.matmul %convert_element_type3A_197, %dot_general3A_29, %dot_general3A_198 {dimension_numbers = #tpu.dot_dimension_numbers<[1], [0], [0], [1], [0, 0, 1, 1], [], []>, transpose_lhs_hint = false} : vector<1024x32xf32>, vector<32x128xf32>, vector<1024x128xf32> -> vector<1024x128xf32>
    %iota3A_200 = tpu.iota {dimensions = array<i32: 0>} : vector<1024x32xi32>
    %iota3A_201 = tpu.iota {dimensions = array<i32: 1>} : vector<1024x32xi32>
    %jit3A_202 = arith.constant 32 : i32
    %eq3A_203 = arith.constant 0 : i32
    %eq3A_204 = arith.cmpi eq, %jit3A_202, %eq3A_203 : i32
    %jit3A_205 = arith.constant 1 : i32
    %select_n3A_206 = arith.select %eq3A_204, %jit3A_205, %jit3A_202 : i32
    %rem3A_207 = vector.broadcast %select_n3A_206 : i32 to vector<1024x32xi32>
    %rem3A_208 = arith.remsi %iota3A_200, %rem3A_207 : vector<1024x32xi32>
    %ne3A_209 = arith.constant 0 : i32
    %ne3A_210 = vector.broadcast %ne3A_209 : i32 to vector<1024x32xi32>
    %ne3A_211 = arith.cmpi ne, %rem3A_208, %ne3A_210 : vector<1024x32xi32>
    %lt3A_212 = arith.constant 0 : i32
    %lt3A_213 = vector.broadcast %lt3A_212 : i32 to vector<1024x32xi32>
    %lt3A_214 = arith.cmpi slt, %rem3A_208, %lt3A_213 : vector<1024x32xi32>
    %lt3A_215 = arith.constant 0 : i32
    %lt3A_216 = arith.cmpi slt, %select_n3A_206, %lt3A_215 : i32
    %ne3A_217 = vector.broadcast %lt3A_216 : i1 to vector<1024x32xi1>
    %ne3A_218 = vector.broadcast %ne3A_217 : vector<1024x32xi1> to vector<1024x32xi1>
    %ne3A_219 = arith.xori %lt3A_214, %ne3A_218 : vector<1024x32xi1>
    %and3A_220 = arith.andi %ne3A_219, %ne3A_211 : vector<1024x32xi1>
    %add3A_221 = vector.broadcast %select_n3A_206 : i32 to vector<1024x32xi32>
    %add3A_222 = arith.addi %rem3A_208, %add3A_221 : vector<1024x32xi32>
    %select_n3A_223 = arith.select %and3A_220, %add3A_222, %rem3A_208 : vector<1024x32xi1>, vector<1024x32xi32>
    %eq3A_224 = arith.cmpi eq, %iota3A_201, %select_n3A_223 : vector<1024x32xi32>
    %convert_element_type3A_225 = arith.extui %eq3A_224 : vector<1024x32xi1> to vector<1024x32xi32>
    %convert_element_type3A_226 = arith.sitofp %convert_element_type3A_225 : vector<1024x32xi32> to vector<1024x32xf32>
    %dot_general3A_227 = arith.constant dense<0.000000e+00> : vector<1024x128xf32>
    %dot_general3A_228 = tpu.matmul %convert_element_type3A_226, %dot_general3A_37, %dot_general3A_227 {dimension_numbers = #tpu.dot_dimension_numbers<[1], [0], [0], [1], [0, 0, 1, 1], [], []>, transpose_lhs_hint = false} : vector<1024x32xf32>, vector<32x128xf32>, vector<1024x128xf32> -> vector<1024x128xf32>
    %add3A_229 = arith.addf %dot_general3A_199, %dot_general3A_228 : vector<1024x128xf32>
    %add3A_230 = vector.broadcast %broadcast_in_dim3A : vector<1x128xf32> to vector<1024x128xf32>
    %add3A_231 = arith.addf %add3A_229, %add3A_230 : vector<1024x128xf32>
    %swap3A_232 = arith.constant 0 : index
    %swap3A_233 = arith.constant 0 : index
    %swap3A_234 = vector.load %arg8[%swap3A_232, %swap3A_233] : memref<1024x128xf32, #tpu.memory_space<vmem>>, vector<1024x128xf32>
    tpu.vector_store %arg8[%swap3A_232, %swap3A_233], %add3A_231 {strides = array<i32>} : memref<1024x128xf32, #tpu.memory_space<vmem>>, vector<1024x128xf32>,
    return
  }
}

module attributes {stable_mosaic.version = 14 : i64} {
  func.func @_mlp_body(%arg0: i32, %arg1: memref<2048x128xf32, #tpu.memory_space<vmem>>, %arg2: memref<2048x128xf32, #tpu.memory_space<vmem>>, %arg3: memref<128x128xf32, #tpu.memory_space<vmem>>, %arg4: memref<128xf32, #tpu.memory_space<vmem>>, %arg5: memref<2048x128xf32, #tpu.memory_space<vmem>>) attributes {dimension_semantics = [#tpu.dimension_semantics<arbitrary>], iteration_bounds = array<i64: 8>, scalar_prefetch = 0 : i64, scratch_operands = 0 : i64, tpu.core_type = #tpu.core_type<tc>, window_params = [{transform_indices = @transform_0, window_bounds = array<i64: 2048, 128>}, {transform_indices = @transform_1, window_bounds = array<i64: 2048, 128>}, {pipeline_mode = #tpu.pipeline_mode<synchronous>, transform_indices = @transform_2, window_bounds = array<i64: 128, 128>}, {pipeline_mode = #tpu.pipeline_mode<synchronous>, transform_indices = @transform_3, window_bounds = array<i64: 128>}, {transform_indices = @transform_4, window_bounds = array<i64: 2048, 128>}]} {
    %get3A = arith.constant 0 : index
    %get3A_0 = arith.constant 0 : index
    %get3A_1 = vector.load %arg1[%get3A, %get3A_0] : memref<2048x128xf32, #tpu.memory_space<vmem>>, vector<2048x128xf32>
    %get3A_2 = arith.constant 0 : index
    %get3A_3 = arith.constant 0 : index
    %get3A_4 = vector.load %arg2[%get3A_2, %get3A_3] : memref<2048x128xf32, #tpu.memory_space<vmem>>, vector<2048x128xf32>
    %add3A = arith.addf %get3A_1, %get3A_4 : vector<2048x128xf32>
    %logistic3A = arith.negf %add3A : vector<2048x128xf32>
    %logistic3A_5 = math.exp %logistic3A : vector<2048x128xf32>
    %logistic3A_6 = arith.constant 1.000000e+00 : f32
    %logistic3A_7 = vector.broadcast %logistic3A_6 : f32 to vector<2048x128xf32>
    %logistic3A_8 = arith.addf %logistic3A_7, %logistic3A_5 : vector<2048x128xf32>
    %logistic3A_9 = arith.divf %logistic3A_7, %logistic3A_8 : vector<2048x128xf32>
    %mul3A = arith.mulf %add3A, %logistic3A_9 : vector<2048x128xf32>
    %get3A_10 = arith.constant 0 : index
    %get3A_11 = arith.constant 0 : index
    %get3A_12 = vector.load %arg3[%get3A_10, %get3A_11] : memref<128x128xf32, #tpu.memory_space<vmem>>, vector<128x128xf32>
    %dot_general3A = arith.constant dense<0.000000e+00> : vector<2048x128xf32>
    %dot_general3A_13 = tpu.matmul %mul3A, %get3A_12, %dot_general3A {dimension_numbers = #tpu.dot_dimension_numbers<[1], [0], [0], [1], [0, 0, 1, 1], [], []>, transpose_lhs_hint = false} : vector<2048x128xf32>, vector<128x128xf32>, vector<2048x128xf32> -> vector<2048x128xf32>
    %get3A_14 = arith.constant 0 : index
    %get3A_15 = vector.load %arg4[%get3A_14] : memref<128xf32, #tpu.memory_space<vmem>>, vector<128xf32>
    %broadcast_in_dim3A = vector.shape_cast %get3A_15 : vector<128xf32> to vector<1x128xf32>
    %add3A_16 = vector.broadcast %broadcast_in_dim3A : vector<1x128xf32> to vector<2048x128xf32>
    %add3A_17 = arith.addf %dot_general3A_13, %add3A_16 : vector<2048x128xf32>
    %swap3A = arith.constant 0 : index
    %swap3A_18 = arith.constant 0 : index
    %swap3A_19 = vector.load %arg5[%swap3A, %swap3A_18] : memref<2048x128xf32, #tpu.memory_space<vmem>>, vector<2048x128xf32>
    tpu.vector_store %arg5[%swap3A, %swap3A_18], %add3A_17 {strides = array<i32>} : memref<2048x128xf32, #tpu.memory_space<vmem>>, vector<2048x128xf32>,
    return
  }
  func.func @transform_0(%arg0: i32) -> (i32, i32) {
    %c0_i32 = arith.constant 0 : i32
    %c0_i32_0 = arith.constant 0 : i32
    return %arg0, %c0_i32 : i32, i32
  }
  func.func @transform_1(%arg0: i32) -> (i32, i32) {
    %c0_i32 = arith.constant 0 : i32
    %c0_i32_0 = arith.constant 0 : i32
    return %arg0, %c0_i32 : i32, i32
  }
  func.func @transform_2(%arg0: i32) -> (i32, i32) {
    %c0_i32 = arith.constant 0 : i32
    %c0_i32_0 = arith.constant 0 : i32
    %c0_i32_1 = arith.constant 0 : i32
    return %c0_i32, %c0_i32_0 : i32, i32
  }
  func.func @transform_3(%arg0: i32) -> i32 {
    %c0_i32 = arith.constant 0 : i32
    %c0_i32_0 = arith.constant 0 : i32
    return %c0_i32 : i32
  }
  func.func @transform_4(%arg0: i32) -> (i32, i32) {
    %c0_i32 = arith.constant 0 : i32
    %c0_i32_0 = arith.constant 0 : i32
    return %arg0, %c0_i32 : i32, i32
  }
}

</mosaic_0001>

<sc_bundles>
// kernel: kernel.5.cloned.1.call-start
scs
__scs_entry_jumppad:
0x0: {  	(pc) =	sbr.rel $0x88, $3  }
0x1: {  	(tag) =	ssettag $0x0;
	lr =	simm.s32 $0x1  }
0x2: {  	[smem:$0x3F97] =	sst lr;
	_ =	strace $0xD0000000  }
0x3: {  	_ = 	snop  }
0x4: {  	_ = 	snop  }
0x5: {  	_ = 	snop  }
0x6: {  	_ = 	snop  }
0x7: {  	_ = 	snop  }
__scs_overlays_trampoline_lowered:
0x8: {  	[smem:$0x3FA6] =	sst s0  }
0x9: {  	[smem:$0x3FA7] =	sst s1  }
0xa: {  	[smem:$0x3FA8] =	sst s2  }
0xb: {  	[smem:$0x3FA9] =	sst s3  }
0xc: {  	[smem:$0x3FAA] =	sst s4  }
0xd: {  	[smem:$0x3FAB] =	sst s5  }
0xe: {  	[smem:$0x3FAC] =	sst s6  }
0xf: {  	[smem:$0x3FAD] =	sst s7  }
0x10: {  	[smem:$0x3FAE] =	sst s8  }
0x11: {  	[smem:$0x3FAF] =	sst s9;
	s0 =	simm.s32 @!p0 $0x0  }
0x12: {  	s1 =	sld [smem:$0x3F95];
	s0 =	simm.s32 @p0 $0x1  }
0x13: {  	[smem:$0x3FB0] =	sst s0;
	s0 =	simm.s32 @!p1 $0x0  }
0x14: {  	s2 =	sld [smem:$0x3F94];
	s0 =	simm.s32 @p1 $0x1  }
0x15: {  	[smem:$0x3FB1] =	sst s0;
	s0 =	simm.s32 @!p2 $0x0  }
0x16: {  	s3 =	sld [smem:$0x3FDB];
	s0 =	simm.s32 @p2 $0x1  }
0x17: {  	s4 =	simm.s32 $0x1BF5;
	[smem:$0x3FB3] =	sst s0  }
0x18: {  	s0 =	sld [smem:$0x3F96];
	_ =	swait.ge [sflag:s4], $0x0  }
0x19: {  	s7 =	sld [smem:$0x3F97]  }
0x1a: {  	s8 =	sadd.s32 $0xFFFFE003, lr  }
0x1b: {  	s9 =	sadd.s32 $0xFFFFFEF7, lr;
	s5 =	simm.s32 $0xFFFFFFFF;
	p2 =	slt.u32 s8, $0xFFFFF086  }
0x1c: {  	p1 =	slt.u32 s9, $0xF7A;
	s5 =	simm.s32 @!p2 $0x0  }
0x1d: {  	s5 =	simm.s32 @p1 $0x1;
	p0 =	seq.s32 s7, s2  }
0x1e: {  	s7 =	smul.u32 @!p0 $0xF7A, s2;
	p2 =	seq.s32 @!p0 s5, $0x0  }
0x1f: {  	s9 =	smul.u32 $0xF7A, s1;
	s8 =	simm.s32 @!p0 $0x1BF5;
	p2 =	por !p2, p0  }
0x20: {  	[sflag:s8] =	ssyncset.s32 @!p0 $0xFFFFF086;
	s6 =	sadd.s32 @!p0 s3, s7;
	s7 =	simm.s32 @!p0 $0x108  }
0x21: {  	s3 =	sadd.s32 s3, s9;
	s6 =	sadd.s32 @!p0 $0x88, s6;
	s7 =	simm.s32 @p2 $0x1082  }
0x22: {  	[simem:s7], [sflag:s8] =	dma.local @!p0 [hbm:s6], $0xF7A  }
0x23: {  	s9 =	sor.u32 $0xD0000000, s2;
	s6 =	simm.s32 $0x108;
	_ =	swait.ge @!p0 [sflag:s8], $0x0  }
0x24: {  	s3 =	sadd.s32 $0x88, s3;
	s6 =	simm.s32 @!p1 $0x1082;
	[sflag:s4] =	ssyncset.s32 $0xFFFFF086  }
0x25: {  	[simem:s6], [sflag:s4] =	dma.local [hbm:s3], $0xF7A  }
0x26: {  	[smem:$0x3F97] =	sst s1;
	(tag) =	ssettag s2;
	_ =	strace s9  }
0x27: {  	s1 =	sld [smem:$0x3FA7]  }
0x28: {  	s2 =	sld [smem:$0x3FA8]  }
0x29: {  	s4 =	sld [smem:$0x3FAA]  }
0x2a: {  	p0 =	seq.s32 s5, $0x0;
	s5 =	sld [smem:$0x3FAB]  }
0x2b: {  	s6 =	sld [smem:$0x3FAC]  }
0x2c: {  	s7 =	sld [smem:$0x3FAD]  }
0x2d: {  	s3 =	simm.s32 $0x108;
	s8 =	sld [smem:$0x3FAE]  }
0x2e: {  	s3 =	simm.s32 @!p0 $0x1082;
	s9 =	sld [smem:$0x3FAF]  }
0x2f: {  	lr =	sadd.s32 s0, s3;
	s0 =	sld [smem:$0x3FA6]  }
0x30: {  	s3 =	sld [smem:$0x3FA9]  }
0x31: {  	[smem:$0x3FB2] =	sst s10  }
0x32: {  	s10 =	sld [smem:$0x3FB0];
	_ =	sdelay $0x3  }
0x33: {  	p0 =	seq.s32 s10, $0x1;
	s10 =	sld [smem:$0x3FB2];
	_ =	sdelay $0x3  }
0x34: {  	[smem:$0x3FB2] =	sst s10  }
0x35: {  	s10 =	sld [smem:$0x3FB1];
	_ =	sdelay $0x3  }
0x36: {  	p1 =	seq.s32 s10, $0x1;
	s10 =	sld [smem:$0x3FB2];
	_ =	sdelay $0x3  }
0x37: {  	[smem:$0x3FB2] =	sst s10  }
0x38: {  	s10 =	sld [smem:$0x3FB3]  }
0x39: {  	_ = 	snop;
	(pc) =	sbr.ind lr, $3  }
0x3a: {  	_ = 	snop  }
0x3b: {  	_ = 	snop  }
0x3c: {  	p2 =	seq.s32 s10, $0x1;
	s10 =	sld [smem:$0x3FB2]  }
0x3d: {  	_ =	shalt  }
0x3e: {  	_ =	shalt  }
0x3f: {  	_ =	shalt  }
0x40: {  	_ =	shalt  }
0x41: {  	_ =	shalt  }
0x42: {  	_ =	shalt  }
0x43: {  	_ =	shalt  }
0x44: {  	_ =	shalt  }
0x45: {  	_ =	shalt  }
0x46: {  	_ =	shalt  }
0x47: {  	_ =	shalt  }
0x48: {  	_ =	shalt  }
0x49: {  	_ =	shalt  }
0x4a: {  	_ =	shalt  }
0x4b: {  	_ =	shalt  }
0x4c: {  	_ =	shalt  }
0x4d: {  	_ =	shalt  }
0x4e: {  	_ =	shalt  }
0x4f: {  	_ =	shalt  }
0x50: {  	_ =	shalt  }
0x51: {  	_ =	shalt  }
0x52: {  	_ =	shalt  }
0x53: {  	_ =	shalt  }
0x54: {  	_ =	shalt  }
0x55: {  	_ =	shalt  }
0x56: {  	_ =	shalt  }
0x57: {  	_ =	shalt  }
0x58: {  	_ =	shalt  }
0x59: {  	_ =	shalt  }
0x5a: {  	_ =	shalt  }
0x5b: {  	_ =	shalt  }
0x5c: {  	_ =	shalt  }
0x5d: {  	_ =	shalt  }
0x5e: {  	_ =	shalt  }
0x5f: {  	_ =	shalt  }
0x60: {  	_ =	shalt  }
0x61: {  	_ =	shalt  }
0x62: {  	_ =	shalt  }
0x63: {  	_ =	shalt  }
0x64: {  	_ =	shalt  }
0x65: {  	_ =	shalt  }
0x66: {  	_ =	shalt  }
0x67: {  	_ =	shalt  }
0x68: {  	_ =	shalt  }
0x69: {  	_ =	shalt  }
0x6a: {  	_ =	shalt  }
0x6b: {  	_ =	shalt  }
0x6c: {  	_ =	shalt  }
0x6d: {  	_ =	shalt  }
0x6e: {  	_ =	shalt  }
0x6f: {  	_ =	shalt  }
0x70: {  	_ =	shalt  }
0x71: {  	_ =	shalt  }
0x72: {  	_ =	shalt  }
0x73: {  	_ =	shalt  }
0x74: {  	_ =	shalt  }
0x75: {  	_ =	shalt  }
0x76: {  	_ =	shalt  }
0x77: {  	_ =	shalt  }
0x78: {  	_ =	shalt  }
0x79: {  	_ =	shalt  }
0x7a: {  	_ =	shalt  }
0x7b: {  	_ =	shalt  }
0x7c: {  	_ =	shalt  }
0x7d: {  	_ =	shalt  }
0x7e: {  	_ =	shalt  }
0x7f: {  	_ =	shalt  }
0x80: {  	_ =	shalt  }
0x81: {  	_ =	shalt  }
0x82: {  	_ =	shalt  }
0x83: {  	_ =	shalt  }
0x84: {  	_ =	shalt  }
0x85: {  	_ =	shalt  }
0x86: {  	_ =	shalt  }
0x87: {  	_ =	shalt  }
.Lfunc_end0:
.L_simem_size_0:
called_computation_lowered:
.L_overlay_start_0:
0x88: {  	s2 =	sld [smem:$0x3FD9]  }
0x89: {  	s3 =	sld [smem:$0x3FFE];
	_ =	sdelay $0x1  }
0x8a: {  	s1 =	srdreg.scid  }
0x8b: {  	s0 =	sand.u32 $0x1, s1  }
0x8c: {  	s17 =	sshll.u32 s0, $0xA;
	s2 =	sadd.s32 s3, s2  }
0x8d: {  	s2 =	sadd.s32 s2, s17  }
0x8e: {  	[smem:$0x3FBE] =	sst s2  }
0x8f: {  	_ = 	snop  }
0x90: {  	s2 =	sld [smem:$0x3FD0];
	(tm) =	ssettm $0x1  }
0x91: {  	s18 =	sld [smem:$0x3FFB];
	_ =	sdelay $0x3  }
0x92: {  	_ =	strace s18  }
0x93: {  	s3 =	sld [smem:$0x3FFC];
	_ =	sdelay $0x3  }
0x94: {  	_ =	strace s3  }
0x95: {  	s3 =	sld [smem:$0x3FFD];
	_ =	sdelay $0x3  }
0x96: {  	_ =	strace s3  }
0x97: {  	_ =	strace $0x8FFFFFFF  }
0x98: {  	s19 =	sld [smem:$0x3FDB];
	_ =	sdelay $0x1  }
0x99: {  	s4 =	simm.s32 $_scs_section_size  }
0x9a: {  	s5 =	simm.s32 $_size__tile_overlayer_lowered;
	s6 =	simm.s32 $_tile_overlayer_lowered  }
0x9b: {  	s22 =	simm.s32 $0x1BFF;
	s21 =	sshll.u32 s6, $0x1;
	s3 =	sadd.s32 s4, s19  }
0x9c: {  	s7 =	simm.s32 $0x0;
	s20 =	sshll.u32 s5, $0x1;
	s5 =	sadd.s32 s21, s3  }
0x9d: {  	[timem:s7], [sflag:s22] =	dma.local [hbm:s5], s20  }
0x9e: {  	_ =	swait.ge [sflag:s22], s20  }
0x9f: {  	s4 =	ssub.s32 $0x0, s20;
	[sflag:s22] =	ssyncset.done $0x0  }
0xa0: {  	[sflag:s22] =	ssyncadd.s32 s4;
	_ =	sdelay $0x1  }
0xa1: {  	s23 =	simm.s32 $0x1B8B  }
0xa2: {  	_ =	swait.ge [sflag:s23], $0x1  }
0xa3: {  	[sflag:s23] =	ssyncset.done $0x0  }
0xa4: {  	s25 =	simm.s32 $0x1B8E;
	s24 =	sld [smem:$0x3FFE];
	[sflag:s23] =	ssyncadd.s32 $0xFFFFFFFF  }
0xa5: {  	s26 =	simm.s32 $execute0_lowered;
	[smem:$0x3FD2] =	sst s25  }
0xa6: {  	s5 =	sshll.u32 s26, $0x1;
	_ =	strace $0x80000046;
	[dreg:$0x1] =	wrdreg $0xFFFFFFFF  }
0xa7: {  	s28 =	simm.s32 $_size_execute0_lowered;
	s3 =	sadd.s32 s3, s5;
	[dreg:$0x0] =	wrdreg $0x0  }
0xa8: {  	s5 =	sshll.u32 s28, $0x1;
	[dreg:$0x2] =	wrdreg s3  }
0xa9: {  	[dreg:$0x3] =	wrdreg s5  }
0xaa: {  	[dreg:$0x4] =	wrdreg $0xC0  }
0xab: {  	_ =	task [dreg:s7], $0x5FFFF  }
0xac: {  	[dreg:$0x1] =	wrdreg $0xFFFFFFFF  }
0xad: {  	[dreg:$0x0] =	wrdreg $0x60  }
0xae: {  	[dreg:$0x2] =	wrdreg s24  }
0xaf: {  	[dreg:$0x3] =	wrdreg s2  }
0xb0: {  	[dreg:$0x4] =	wrdreg $0x9  }
0xb1: {  	_ =	task.clear_ibuf [dreg:s7], $0x5FFFF;
	_ =	strace $0x90000046  }
0xb2: {  	s29 =	simm.s32 $0x9;
	_ =	strace $0x80000048  }
0xb3: {  	_ =	swait.ge [sflag:s29], $0x1  }
0xb4: {  	[sflag:s29] =	ssyncadd.s32 $0xFFFFFFFF  }
0xb5: {  	_ =	strace $0x90000048  }
0xb6: {  	_ =	sfence  }
0xb7: {  	s30 =	sld [smem:$0x0];
	_ =	sdelay $0x2  }
0xb8: {  	s31 =	sshll.u32 s1, $0xD;
	s1 =	sshrl.u32 s1, $0x2  }
0xb9: {  	s3 =	sand.u32 $0x4000, s31;
	s1 =	sadd.s32 s1, s30  }
0xba: {  	s0 =	sor.u32 s3, s0;
	s1 =	sshll.u32 s1, $0x11  }
0xbb: {  	s0 =	sor.u32 s1, s0  }
0xbc: {  	s0 =	sadd.s32 $0x8F2B, s0  }
0xbd: {  	[sflag:s0] =	ssyncadd.remote.s32 $0x1  }
0xbe: {  	_ =	sfence.sel $0xFFFF  }
0xbf: {  	[dreg:$0x0] =	wrdreg $0xFFFFFFFF;
	(pc) =	sbr.abs _section_cstart, $3  }
0xc0: {  	[dreg:$0x1] =	wrdreg $0xFFFFFFFF  }
0xc1: {  	_ =	task.clear_ibuf [dreg:s7], $0x2FFFF;
	_ =	strace $0x9FFFFFFF  }
0xc2: {  	(tm) =	ssettm $0x7FFFFFFF  }
0xc3: {  	_ =	shalt  }
tec
execute0_lowered:
.L_overlay_start_1:
0x0: {  	(tag) =	ssettag $0x1  }
0x1: {  	v0 =	vlaneseq.u32  }
0x2: {  	v0 =	vmul.u32 $0x6, v0;
	_ =	sdelay $0x1  }
0x3: {  	v1 =	vor.u32 $0x1, v0  }
0x4: {  	s0 =	srdreg.scid;
	s4 =	rddreg [dreg:$0x0];
	v7 =	vadd.s32 $0x62, v0;
	v8 =	vadd.s32 $0x63, v0;
	v9 =	vadd.s32 $0x64, v0  }
0x5: {  	s1 =	stileid.u32;
	s5 =	rddreg [dreg:$0x1];
	s2 =	simm.s32 $0x0;
	v10 =	vadd.s32 $0x65, v0;
	v11 =	vadd.s32 $0xC1, v0;
	v12 =	vadd.s32 $0xC2, v0  }
0x6: {  	s16 =	simm.s32 $0x1;
	s18 =	simm.s32 $0x3;
	s19 =	simm.s32 $0x2;
	v13 =	vadd.s32 $0xC3, v0;
	v14 =	vadd.s32 $0xC4, v0;
	v15 =	vadd.s32 $0xC5, v0  }
0x7: {  	s20 =	simm.s32 $0x4;
	s17 =	simm.s32 $0xE00;
	s28 =	simm.s32 $0xC40;
	v16 =	vadd.s32 $0x121, v0;
	v17 =	vadd.s32 $0x122, v0;
	v18 =	vadd.s32 $0x123, v0  }
0x8: {  	s29 =	simm.s32 $0x2E00;
	s30 =	simm.s32 $0xC60;
	s31 =	simm.s32 $0x3E00;
	v19 =	vadd.s32 $0x124, v0;
	v20 =	vadd.s32 $0x125, v0;
	v21 =	vor.u32 $0x181, v0  }
0x9: {  	s10 =	simm.s32 $0x5E00;
	s11 =	simm.s32 $0xCC0;
	s12 =	simm.s32 $0x6E00;
	v22 =	vadd.s32 $0x182, v0;
	v23 =	vadd.s32 $0x183, v0;
	v24 =	vadd.s32 $0x184, v0  }
0xa: {  	s13 =	simm.s32 $0xCE0;
	s14 =	simm.s32 $0x7E00;
	s9 =	simm.s32 $0x9E00;
	v25 =	vadd.s32 $0x185, v0;
	v26 =	vadd.s32 $0x1E1, v0;
	v27 =	vadd.s32 $0x1E2, v0  }
0xb: {  	s0 =	sand.u32 $0x1, s0;
	s1 =	sshll.u32 s1, $0x1;
	[smem:$0x7FF] =	sst s2;
	v28 =	vadd.s32 $0x1E3, v0;
	v29 =	vadd.s32 $0x1E4, v0;
	v30 =	vadd.s32 $0x1E5, v0  }
0xc: {  	s6 =	sadd.s32 $0xC200, s4;
	s1 =	sor.u32 s0, s1;
	_ =	strace $0x80000047;
	v31 =	vadd.s32 $0x241, v0;
	v32 =	vadd.s32 $0x242, v0;
	v33 =	vadd.s32 $0x243, v0  }
0xd: {  	s0 =	ssub.s32 $0x2, s0;
	s3 =	smul.u32 $0x180, s1;
	s1 =	sshll.u32 s1, $0xD;
	v34 =	vadd.s32 $0x244, v0;
	v35 =	vadd.s32 $0x245, v0;
	v36 =	vadd.s32 $0x2A1, v0  }
0xe: {  	s26 =	sshrl.u32 s0, $0x1;
	v37 =	vadd.s32 $0x2A2, v0;
	v38 =	vadd.s32 $0x2A3, v0;
	v39 =	vadd.s32 $0x2A4, v0;
	s21 =	sadd.s32 s5, s1;
	s22 =	sadd.s32 s6, s1  }
0xf: {  	v40 =	vadd.s32 $0x2A5, v0;
	v41 =	vor.u32 $0x301, v0;
	v42 =	vadd.s32 $0x302, v0;
	s7 =	sor.u32 $0x800, s1;
	s8 =	sor.u32 $0x1000, s1;
	[dreg:$0x4] =	wrdreg s21  }
0x10: {  	v43 =	vadd.s32 $0x303, v0;
	v44 =	vadd.s32 $0x304, v0;
	v45 =	vadd.s32 $0x305, v0;
	s1 =	sor.u32 $0x1800, s1;
	[dreg:$0x5] =	wrdreg s22;
	s23 =	sadd.s32 s5, s7  }
0x11: {  	v46 =	vadd.s32 $0x361, v0;
	v47 =	vadd.s32 $0x362, v0;
	v48 =	vadd.s32 $0x363, v0;
	s0 =	ssub.s32 s0, s26;
	s7 =	sadd.s32 s6, s7;
	[dreg:$0x6] =	wrdreg s23  }
0x12: {  	v49 =	vadd.s32 $0x364, v0;
	v50 =	vadd.s32 $0x365, v0;
	v51 =	vadd.s32 $0x3C1, v0;
	s26 =	simm.s32 $0x1E00;
	s24 =	sadd.s32 s5, s8;
	[dreg:$0x7] =	wrdreg s7  }
0x13: {  	v52 =	vadd.s32 $0x3C2, v0;
	v53 =	vadd.s32 $0x3C3, v0;
	[tilespmem:$0x1FFA0] =	vst v1;
	v1 =	vadd.s32 $0x2, v0;
	s3 =	sadd.s32 s3, s4;
	s25 =	sadd.s32 s6, s8;
	[dreg:$0x8] =	wrdreg s24  }
0x14: {  	v54 =	vadd.s32 $0x3C4, v0;
	v55 =	vadd.s32 $0x3C5, v0;
	[tilespmem:$0x1FFB0] =	vst v1;
	v1 =	vadd.s32 $0x3, v0;
	s5 =	sadd.s32 s5, s1;
	s1 =	sadd.s32 s6, s1;
	[dreg:$0x9] =	wrdreg s25  }
0x15: {  	v56 =	vadd.s32 $0x421, v0;
	v57 =	vadd.s32 $0x422, v0;
	s8 =	simm.s32 $0x8E00;
	s3 =	sadd.s32 $0x2400, s3;
	[tilespmem:$0x1FFC0] =	vst v1;
	v1 =	vadd.s32 $0x4, v0;
	[dreg:$0xa] =	wrdreg s5  }
0x16: {  	v58 =	vadd.s32 $0x423, v0;
	v59 =	vadd.s32 $0x424, v0;
	[dreg:$0xb] =	wrdreg s1;
	s5 =	smax.u32 s0, $0x1;
	s7 =	simm.s32 $0x20;
	[tilespmem:$0x1FFD0] =	vst v1;
	v1 =	vadd.s32 $0x5, v0  }
0x17: {  	v60 =	vadd.s32 $0x425, v0;
	s23 =	simm.s32 $0xC00;
	s24 =	simm.s32 $0xC20;
	s25 =	simm.s32 $0x4E00;
	[tilespmem:$0x1FFE0] =	vst v1;
	v1 =	vadd.s32 $0x61, v0  }
0x18: {  	v61 =	vor.u32 $0x481, v0;
	v62 =	vadd.s32 $0x482, v0;
	v63 =	vadd.s32 $0x483, v0;
	[dreg:$0x3] =	wrdreg s3;
	s3 =	sadd.s32 $0x9400, s4;
	s4 =	sadd.s32 $0x5400, s4;
	[tilespmem:$0x1FFF0] =	vst v1  }
.LBB2_1:
0x19: {  	s21 =	rddreg [dreg:$0x3];
	s0 =	simm.s32 $0x5  }
0x1a: {  	[tilespmem:s2], [sflag:$0x5] =	stream.linear.gather [hbm4b:s21+s2], $0xC00, $0x38;
	[tilespmem:$0x10E00] =	vst v63  }
0x1b: {  	_ =	swait.ge [sflag:s0], $0xC00  }
0x1c: {  	v1 =	vld [tilespmem:$0x1FFA0]  }
0x1d: {  	v2 =	vld [tilespmem:$0x1FFC0]  }
0x1e: {  	v3 =	vld [tilespmem:$0x1FFB0]  }
0x1f: {  	v4 =	vld [tilespmem:$0x1FFD0]  }
0x20: {  	v5 =	vld [tilespmem:$0x1FFE0];
	_ =	sdelay $0x1  }
0x21: {  	[sflag:s0] =	ssyncset.done $0x0  }
0x22: {  	[sflag:s0] =	ssyncadd.s32 $0xFFFFF400  }
0x23: {  	v1 =	vld.idx.msk [tilespmem:v1+s2+$0x0], $0xffff  }
0x24: {  	v2 =	vld.idx.msk [tilespmem:v2+s2+$0x0], $0xffff  }
0x25: {  	v3 =	vld.idx.msk [tilespmem:v3+s2+$0x0], $0xffff  }
0x26: {  	v4 =	vld.idx.msk [tilespmem:v4+s2+$0x0], $0xffff  }
0x27: {  	v5 =	vld.idx.msk [tilespmem:v5+s2+$0x0], $0xffff  }
0x28: {  	v1 =	vmul.u32 $0x6, v1  }
0x29: {  	v2 =	vmul.u32 $0x12, v2  }
0x2a: {  	v1 =	vadd.s32 v1, v3  }
0x2b: {  	v1 =	vadd.s32 v2, v1;
	v2 =	vshll.u32 v4, $0x5  }
0x2c: {  	[tilespmem:$0xC00] =	vst v1;
	v1 =	vadd.s32 v5, v2  }
0x2d: {  	[tilespmem:$0xC80] =	vst v1;
	v1 =	vld [tilespmem:$0x1FFF0];
	_ =	sdelay $0x7  }
0x2e: {  	v1 =	vld.idx.msk [tilespmem:v1+s2+$0x0], $0xffff  }
0x2f: {  	v2 =	vld.idx.msk [tilespmem:v8+s2+$0x0], $0xffff  }
0x30: {  	v3 =	vld.idx.msk [tilespmem:v7+s2+$0x0], $0xffff  }
0x31: {  	v4 =	vld.idx.msk [tilespmem:v9+s2+$0x0], $0xffff  }
0x32: {  	v5 =	vld.idx.msk [tilespmem:v10+s2+$0x0], $0xffff  }
0x33: {  	v1 =	vmul.u32 $0x6, v1  }
0x34: {  	v2 =	vmul.u32 $0x12, v2  }
0x35: {  	v1 =	vadd.s32 v1, v3  }
0x36: {  	v1 =	vadd.s32 v2, v1;
	v2 =	vshll.u32 v4, $0x5  }
0x37: {  	[tilespmem:$0xC10] =	vst v1;
	v1 =	vadd.s32 v5, v2  }
0x38: {  	[tilespmem:$0xC90] =	vst v1  }
0x39: {  	v1 =	vld.idx.msk [tilespmem:v11+s2+$0x0], $0xffff  }
0x3a: {  	v2 =	vld.idx.msk [tilespmem:v13+s2+$0x0], $0xffff  }
0x3b: {  	v3 =	vld.idx.msk [tilespmem:v12+s2+$0x0], $0xffff  }
0x3c: {  	v4 =	vld.idx.msk [tilespmem:v14+s2+$0x0], $0xffff  }
0x3d: {  	v5 =	vld.idx.msk [tilespmem:v15+s2+$0x0], $0xffff  }
0x3e: {  	v1 =	vmul.u32 $0x6, v1  }
0x3f: {  	v2 =	vmul.u32 $0x12, v2  }
0x40: {  	v1 =	vadd.s32 v1, v3  }
0x41: {  	v1 =	vadd.s32 v2, v1;
	v2 =	vshll.u32 v4, $0x5  }
0x42: {  	[tilespmem:$0xC20] =	vst v1;
	v1 =	vadd.s32 v5, v2  }
0x43: {  	[tilespmem:$0xCA0] =	vst v1  }
0x44: {  	v1 =	vld.idx.msk [tilespmem:v16+s2+$0x0], $0xffff  }
0x45: {  	v2 =	vld.idx.msk [tilespmem:v18+s2+$0x0], $0xffff  }
0x46: {  	v3 =	vld.idx.msk [tilespmem:v17+s2+$0x0], $0xffff  }
0x47: {  	v4 =	vld.idx.msk [tilespmem:v19+s2+$0x0], $0xffff  }
0x48: {  	v5 =	vld.idx.msk [tilespmem:v20+s2+$0x0], $0xffff  }
0x49: {  	v1 =	vmul.u32 $0x6, v1  }
0x4a: {  	v2 =	vmul.u32 $0x12, v2  }
0x4b: {  	v1 =	vadd.s32 v1, v3  }
0x4c: {  	v1 =	vadd.s32 v2, v1;
	v2 =	vshll.u32 v4, $0x5  }
0x4d: {  	[tilespmem:$0xC30] =	vst v1;
	v1 =	vadd.s32 v5, v2  }
0x4e: {  	[tilespmem:$0xCB0] =	vst v1  }
0x4f: {  	v1 =	vld.idx.msk [tilespmem:v21+s2+$0x0], $0xffff  }
0x50: {  	v2 =	vld.idx.msk [tilespmem:v23+s2+$0x0], $0xffff  }
0x51: {  	v3 =	vld.idx.msk [tilespmem:v22+s2+$0x0], $0xffff  }
0x52: {  	v4 =	vld.idx.msk [tilespmem:v24+s2+$0x0], $0xffff  }
0x53: {  	v5 =	vld.idx.msk [tilespmem:v25+s2+$0x0], $0xffff  }
0x54: {  	v1 =	vmul.u32 $0x6, v1  }
0x55: {  	v2 =	vmul.u32 $0x12, v2  }
0x56: {  	v1 =	vadd.s32 v1, v3  }
0x57: {  	v1 =	vadd.s32 v2, v1;
	v2 =	vshll.u32 v4, $0x5  }
0x58: {  	[tilespmem:$0xC40] =	vst v1;
	v1 =	vadd.s32 v5, v2  }
0x59: {  	[tilespmem:$0xCC0] =	vst v1  }
0x5a: {  	v1 =	vld.idx.msk [tilespmem:v26+s2+$0x0], $0xffff  }
0x5b: {  	v2 =	vld.idx.msk [tilespmem:v28+s2+$0x0], $0xffff  }
0x5c: {  	v3 =	vld.idx.msk [tilespmem:v27+s2+$0x0], $0xffff  }
0x5d: {  	v4 =	vld.idx.msk [tilespmem:v29+s2+$0x0], $0xffff  }
0x5e: {  	v5 =	vld.idx.msk [tilespmem:v30+s2+$0x0], $0xffff  }
0x5f: {  	v1 =	vmul.u32 $0x6, v1  }
0x60: {  	v2 =	vmul.u32 $0x12, v2  }
0x61: {  	v1 =	vadd.s32 v1, v3  }
0x62: {  	v1 =	vadd.s32 v2, v1;
	v2 =	vshll.u32 v4, $0x5  }
0x63: {  	[tilespmem:$0xC50] =	vst v1;
	v1 =	vadd.s32 v5, v2  }
0x64: {  	[tilespmem:$0xCD0] =	vst v1  }
0x65: {  	v1 =	vld.idx.msk [tilespmem:v31+s2+$0x0], $0xffff  }
0x66: {  	v2 =	vld.idx.msk [tilespmem:v33+s2+$0x0], $0xffff  }
0x67: {  	v3 =	vld.idx.msk [tilespmem:v32+s2+$0x0], $0xffff  }
0x68: {  	v4 =	vld.idx.msk [tilespmem:v34+s2+$0x0], $0xffff  }
0x69: {  	v5 =	vld.idx.msk [tilespmem:v35+s2+$0x0], $0xffff  }
0x6a: {  	v1 =	vmul.u32 $0x6, v1  }
0x6b: {  	v2 =	vmul.u32 $0x12, v2  }
0x6c: {  	v1 =	vadd.s32 v1, v3  }
0x6d: {  	v1 =	vadd.s32 v2, v1;
	v2 =	vshll.u32 v4, $0x5  }
0x6e: {  	[tilespmem:$0xC60] =	vst v1;
	v1 =	vadd.s32 v5, v2  }
0x6f: {  	[tilespmem:$0xCE0] =	vst v1  }
0x70: {  	v1 =	vld.idx.msk [tilespmem:v36+s2+$0x0], $0xffff  }
0x71: {  	v2 =	vld.idx.msk [tilespmem:v38+s2+$0x0], $0xffff  }
0x72: {  	v3 =	vld.idx.msk [tilespmem:v37+s2+$0x0], $0xffff  }
0x73: {  	v4 =	vld.idx.msk [tilespmem:v39+s2+$0x0], $0xffff  }
0x74: {  	v5 =	vld.idx.msk [tilespmem:v40+s2+$0x0], $0xffff  }
0x75: {  	v1 =	vmul.u32 $0x6, v1  }
0x76: {  	v2 =	vmul.u32 $0x12, v2  }
0x77: {  	v1 =	vadd.s32 v1, v3  }
0x78: {  	v1 =	vadd.s32 v2, v1;
	v2 =	vshll.u32 v4, $0x5  }
0x79: {  	[tilespmem:$0xC70] =	vst v1;
	v1 =	vadd.s32 v5, v2  }
0x7a: {  	[tilespmem:$0xCF0] =	vst v1  }
0x7b: {  	[tilespmem:s17], [sflag:$0x1] =	stream.indirect.gather [hbm4b:s3+s7], $0x80, s23, s7, $0xb8;
	[tilespmem:$0x10E00] =	vst v63  }
0x7c: {  	_ = 	snop  }
0x7d: {  	[tilespmem:s26], [sflag:$0x1] =	stream.indirect.gather [hbm4b:s3+s7], $0x80, s24, s7, $0xb8;
	[tilespmem:$0x10E00] =	vst v63  }
0x7e: {  	_ = 	snop  }
0x7f: {  	[tilespmem:s29], [sflag:$0x1] =	stream.indirect.gather [hbm4b:s3+s7], $0x80, s28, s7, $0xb8;
	[tilespmem:$0x10E00] =	vst v63  }
0x80: {  	_ = 	snop  }
0x81: {  	[tilespmem:s31], [sflag:$0x1] =	stream.indirect.gather [hbm4b:s3+s7], $0x80, s30, s7, $0xb8;
	[tilespmem:$0x10E00] =	vst v63  }
0x82: {  	s1 =	simm.s32 $0xC80  }
0x83: {  	[tilespmem:s25], [sflag:$0x1] =	stream.indirect.gather [hbm4b:s4+s7], $0x80, s1, s7, $0xb8;
	[tilespmem:$0x10E00] =	vst v63  }
0x84: {  	s6 =	simm.s32 $0xCA0  }
0x85: {  	[tilespmem:s10], [sflag:$0x1] =	stream.indirect.gather [hbm4b:s4+s7], $0x80, s6, s7, $0xb8;
	[tilespmem:$0x10E00] =	vst v63  }
0x86: {  	_ = 	snop  }
0x87: {  	[tilespmem:s12], [sflag:$0x1] =	stream.indirect.gather [hbm4b:s4+s7], $0x80, s11, s7, $0xb8;
	[tilespmem:$0x10E00] =	vst v63  }
0x88: {  	_ = 	snop  }
0x89: {  	[tilespmem:s14], [sflag:$0x1] =	stream.indirect.gather [hbm4b:s4+s7], $0x80, s13, s7, $0xb8;
	[tilespmem:$0x10E00] =	vst v63  }
0x8a: {  	v1 =	vld.idx.msk [tilespmem:v41+s2+$0x0], $0xffff  }
0x8b: {  	v2 =	vld.idx.msk [tilespmem:v43+s2+$0x0], $0xffff  }
0x8c: {  	v3 =	vld.idx.msk [tilespmem:v42+s2+$0x0], $0xffff  }
0x8d: {  	v4 =	vld.idx.msk [tilespmem:v44+s2+$0x0], $0xffff  }
0x8e: {  	v5 =	vld.idx.msk [tilespmem:v45+s2+$0x0], $0xffff  }
0x8f: {  	v1 =	vmul.u32 $0x6, v1  }
0x90: {  	v2 =	vmul.u32 $0x12, v2  }
0x91: {  	v1 =	vadd.s32 v1, v3  }
0x92: {  	v1 =	vadd.s32 v2, v1;
	v2 =	vshll.u32 v4, $0x5  }
0x93: {  	[tilespmem:$0xD00] =	vst v1;
	v1 =	vadd.s32 v5, v2  }
0x94: {  	[tilespmem:$0xD80] =	vst v1  }
0x95: {  	v1 =	vld.idx.msk [tilespmem:v46+s2+$0x0], $0xffff  }
0x96: {  	v2 =	vld.idx.msk [tilespmem:v48+s2+$0x0], $0xffff  }
0x97: {  	v3 =	vld.idx.msk [tilespmem:v47+s2+$0x0], $0xffff  }
0x98: {  	v4 =	vld.idx.msk [tilespmem:v49+s2+$0x0], $0xffff  }
0x99: {  	v5 =	vld.idx.msk [tilespmem:v50+s2+$0x0], $0xffff  }
0x9a: {  	v1 =	vmul.u32 $0x6, v1  }
0x9b: {  	v2 =	vmul.u32 $0x12, v2  }
0x9c: {  	v1 =	vadd.s32 v1, v3  }
0x9d: {  	v1 =	vadd.s32 v2, v1;
	v2 =	vshll.u32 v4, $0x5  }
0x9e: {  	[tilespmem:$0xD10] =	vst v1;
	v1 =	vadd.s32 v5, v2  }
0x9f: {  	[tilespmem:$0xD90] =	vst v1  }
0xa0: {  	v1 =	vld.idx.msk [tilespmem:v51+s2+$0x0], $0xffff  }
0xa1: {  	v2 =	vld.idx.msk [tilespmem:v53+s2+$0x0], $0xffff  }
0xa2: {  	v3 =	vld.idx.msk [tilespmem:v52+s2+$0x0], $0xffff  }
0xa3: {  	v4 =	vld.idx.msk [tilespmem:v54+s2+$0x0], $0xffff  }
0xa4: {  	v5 =	vld.idx.msk [tilespmem:v55+s2+$0x0], $0xffff  }
0xa5: {  	v1 =	vmul.u32 $0x6, v1  }
0xa6: {  	v2 =	vmul.u32 $0x12, v2  }
0xa7: {  	v1 =	vadd.s32 v1, v3  }
0xa8: {  	v1 =	vadd.s32 v2, v1;
	v2 =	vshll.u32 v4, $0x5  }
0xa9: {  	[tilespmem:$0xD20] =	vst v1;
	v1 =	vadd.s32 v5, v2  }
0xaa: {  	[tilespmem:$0xDA0] =	vst v1  }
0xab: {  	v1 =	vld.idx.msk [tilespmem:v56+s2+$0x0], $0xffff  }
0xac: {  	v2 =	vld.idx.msk [tilespmem:v58+s2+$0x0], $0xffff  }
0xad: {  	v3 =	vld.idx.msk [tilespmem:v57+s2+$0x0], $0xffff  }
0xae: {  	v4 =	vld.idx.msk [tilespmem:v59+s2+$0x0], $0xffff  }
0xaf: {  	v5 =	vld.idx.msk [tilespmem:v60+s2+$0x0], $0xffff  }
0xb0: {  	v1 =	vmul.u32 $0x6, v1  }
0xb1: {  	v2 =	vmul.u32 $0x12, v2  }
0xb2: {  	v1 =	vadd.s32 v1, v3  }
0xb3: {  	v1 =	vadd.s32 v2, v1;
	v2 =	vshll.u32 v4, $0x5  }
0xb4: {  	[tilespmem:$0xD30] =	vst v1;
	v1 =	vadd.s32 v5, v2;
	v2 =	vadd.s32 $0x484, v0  }
0xb5: {  	[tilespmem:$0xDB0] =	vst v1;
	v1 =	vadd.s32 $0x485, v0  }
0xb6: {  	v3 =	vld.idx.msk [tilespmem:v61+s2+$0x0], $0xffff  }
0xb7: {  	v4 =	vld.idx.msk [tilespmem:v63+s2+$0x0], $0xffff  }
0xb8: {  	v5 =	vld.idx.msk [tilespmem:v62+s2+$0x0], $0xffff  }
0xb9: {  	v2 =	vld.idx.msk [tilespmem:v2+s2+$0x0], $0xffff  }
0xba: {  	v1 =	vld.idx.msk [tilespmem:v1+s2+$0x0], $0xffff  }
0xbb: {  	v3 =	vmul.u32 $0x6, v3  }
0xbc: {  	v6 =	vadd.s32 $0x4E1, v0;
	v4 =	vmul.u32 $0x12, v4  }
0xbd: {  	v3 =	vadd.s32 v3, v5;
	v5 =	vadd.s32 $0x4E3, v0  }
0xbe: {  	v3 =	vadd.s32 v4, v3;
	v2 =	vshll.u32 v2, $0x5;
	v4 =	vadd.s32 $0x4E2, v0  }
0xbf: {  	[tilespmem:$0xD40] =	vst v3;
	v1 =	vadd.s32 v1, v2;
	v2 =	vadd.s32 $0x4E4, v0  }
0xc0: {  	[tilespmem:$0xDC0] =	vst v1;
	v1 =	vadd.s32 $0x4E5, v0  }
0xc1: {  	v3 =	vld.idx.msk [tilespmem:v6+s2+$0x0], $0xffff  }
0xc2: {  	v5 =	vld.idx.msk [tilespmem:v5+s2+$0x0], $0xffff  }
0xc3: {  	v4 =	vld.idx.msk [tilespmem:v4+s2+$0x0], $0xffff  }
0xc4: {  	v2 =	vld.idx.msk [tilespmem:v2+s2+$0x0], $0xffff  }
0xc5: {  	v1 =	vld.idx.msk [tilespmem:v1+s2+$0x0], $0xffff  }
0xc6: {  	v3 =	vmul.u32 $0x6, v3  }
0xc7: {  	v6 =	vadd.s32 $0x541, v0;
	v5 =	vmul.u32 $0x12, v5  }
0xc8: {  	v3 =	vadd.s32 v3, v4;
	v4 =	vadd.s32 $0x543, v0  }
0xc9: {  	v3 =	vadd.s32 v5, v3;
	v2 =	vshll.u32 v2, $0x5;
	v5 =	vadd.s32 $0x542, v0  }
0xca: {  	[tilespmem:$0xD50] =	vst v3;
	v1 =	vadd.s32 v1, v2;
	v2 =	vadd.s32 $0x544, v0  }
0xcb: {  	[tilespmem:$0xDD0] =	vst v1;
	v1 =	vadd.s32 $0x545, v0  }
0xcc: {  	v3 =	vld.idx.msk [tilespmem:v6+s2+$0x0], $0xffff  }
0xcd: {  	v4 =	vld.idx.msk [tilespmem:v4+s2+$0x0], $0xffff  }
0xce: {  	v5 =	vld.idx.msk [tilespmem:v5+s2+$0x0], $0xffff  }
0xcf: {  	v2 =	vld.idx.msk [tilespmem:v2+s2+$0x0], $0xffff  }
0xd0: {  	v1 =	vld.idx.msk [tilespmem:v1+s2+$0x0], $0xffff  }
0xd1: {  	v3 =	vmul.u32 $0x6, v3  }
0xd2: {  	v6 =	vadd.s32 $0x5A1, v0;
	v4 =	vmul.u32 $0x12, v4  }
0xd3: {  	v3 =	vadd.s32 v3, v5;
	v5 =	vadd.s32 $0x5A3, v0  }
0xd4: {  	v3 =	vadd.s32 v4, v3;
	v2 =	vshll.u32 v2, $0x5;
	v4 =	vadd.s32 $0x5A2, v0  }
0xd5: {  	[tilespmem:$0xD60] =	vst v3;
	v1 =	vadd.s32 v1, v2;
	v2 =	vadd.s32 $0x5A4, v0  }
0xd6: {  	[tilespmem:$0xDE0] =	vst v1;
	v1 =	vadd.s32 $0x5A5, v0  }
0xd7: {  	v3 =	vld.idx.msk [tilespmem:v6+s2+$0x0], $0xffff  }
0xd8: {  	v5 =	vld.idx.msk [tilespmem:v5+s2+$0x0], $0xffff  }
0xd9: {  	v4 =	vld.idx.msk [tilespmem:v4+s2+$0x0], $0xffff  }
0xda: {  	v2 =	vld.idx.msk [tilespmem:v2+s2+$0x0], $0xffff  }
0xdb: {  	v1 =	vld.idx.msk [tilespmem:v1+s2+$0x0], $0xffff  }
0xdc: {  	v3 =	vmul.u32 $0x6, v3  }
0xdd: {  	v5 =	vmul.u32 $0x12, v5  }
0xde: {  	v3 =	vadd.s32 v3, v4  }
0xdf: {  	v3 =	vadd.s32 v5, v3;
	v2 =	vshll.u32 v2, $0x5  }
0xe0: {  	[tilespmem:$0xD70] =	vst v3;
	v1 =	vadd.s32 v1, v2  }
0xe1: {  	s15 =	simm.s32 $0xD00;
	[tilespmem:$0xDF0] =	vst v1  }
0xe2: {  	[tilespmem:s8], [sflag:$0x2] =	stream.indirect.gather [hbm4b:s3+s7], $0x80, s15, s7, $0xb8;
	[tilespmem:$0x10E00] =	vst v63  }
0xe3: {  	s21 =	simm.s32 $0xD20  }
0xe4: {  	[tilespmem:s9], [sflag:$0x2] =	stream.indirect.gather [hbm4b:s3+s7], $0x80, s21, s7, $0xb8;
	[tilespmem:$0x10E00] =	vst v63  }
0xe5: {  	s22 =	simm.s32 $0xD40;
	s15 =	simm.s32 $0xAE00  }
0xe6: {  	[tilespmem:s15], [sflag:$0x2] =	stream.indirect.gather [hbm4b:s3+s7], $0x80, s22, s7, $0xb8;
	[tilespmem:$0x10E00] =	vst v63  }
0xe7: {  	s21 =	simm.s32 $0xD60;
	s15 =	simm.s32 $0xBE00  }
0xe8: {  	[tilespmem:s15], [sflag:$0x2] =	stream.indirect.gather [hbm4b:s3+s7], $0x80, s21, s7, $0xb8;
	[tilespmem:$0x10E00] =	vst v63  }
0xe9: {  	s0 =	simm.s32 $0xCE00;
	s22 =	simm.s32 $0xD80  }
0xea: {  	[tilespmem:s0], [sflag:$0x2] =	stream.indirect.gather [hbm4b:s4+s7], $0x80, s22, s7, $0xb8;
	[tilespmem:$0x10E00] =	vst v63  }
0xeb: {  	s21 =	simm.s32 $0xDA0;
	s22 =	simm.s32 $0xDE00  }
0xec: {  	[tilespmem:s22], [sflag:$0x2] =	stream.indirect.gather [hbm4b:s4+s7], $0x80, s21, s7, $0xb8;
	[tilespmem:$0x10E00] =	vst v63  }
0xed: {  	s21 =	simm.s32 $0xDC0;
	s22 =	simm.s32 $0xEE00  }
0xee: {  	[tilespmem:s22], [sflag:$0x2] =	stream.indirect.gather [hbm4b:s4+s7], $0x80, s21, s7, $0xb8;
	[tilespmem:$0x10E00] =	vst v63  }
0xef: {  	s21 =	simm.s32 $0xDE0;
	s22 =	simm.s32 $0xFE00  }
0xf0: {  	[tilespmem:s22], [sflag:$0x2] =	stream.indirect.gather [hbm4b:s4+s7], $0x80, s21, s7, $0xb8;
	[tilespmem:$0x10E00] =	vst v63  }
0xf1: {  	_ =	swait.ge [sflag:s16], $0x1000  }
0xf2: {  	[sflag:s16] =	ssyncset.done $0x0  }
0xf3: {  	[sflag:s16] =	ssyncadd.s32 $0xFFFFF000  }
0xf4: {  	_ =	swait.ge [sflag:s16], $0x1000  }
0xf5: {  	[sflag:s16] =	ssyncset.done $0x0  }
0xf6: {  	[sflag:s16] =	ssyncadd.s32 $0xFFFFF000  }
0xf7: {  	_ =	swait.ge [sflag:s16], $0x1000  }
0xf8: {  	[sflag:s16] =	ssyncset.done $0x0  }
0xf9: {  	[sflag:s16] =	ssyncadd.s32 $0xFFFFF000  }
0xfa: {  	_ =	swait.ge [sflag:s16], $0x1000  }
0xfb: {  	[sflag:s16] =	ssyncset.done $0x0  }
0xfc: {  	[sflag:s16] =	ssyncadd.s32 $0xFFFFF000  }
0xfd: {  	_ =	swait.ge [sflag:s16], $0x1000  }
0xfe: {  	[sflag:s16] =	ssyncset.done $0x0  }
0xff: {  	[sflag:s16] =	ssyncadd.s32 $0xFFFFF000  }
0x100: {  	_ =	swait.ge [sflag:s16], $0x1000  }
0x101: {  	[sflag:s16] =	ssyncset.done $0x0  }
0x102: {  	[sflag:s16] =	ssyncadd.s32 $0xFFFFF000  }
0x103: {  	_ =	swait.ge [sflag:s16], $0x1000  }
0x104: {  	[sflag:s16] =	ssyncset.done $0x0  }
0x105: {  	[sflag:s16] =	ssyncadd.s32 $0xFFFFF000  }
0x106: {  	_ =	swait.ge [sflag:s16], $0x1000  }
0x107: {  	v1 =	vor.u32 $0x601, v0;
	[sflag:s16] =	ssyncset.done $0x0  }
0x108: {  	v2 =	vadd.s32 $0x603, v0;
	s21 =	rddreg [dreg:$0x4];
	[sflag:s16] =	ssyncadd.s32 $0xFFFFF000  }
0x109: {  	v3 =	vadd.s32 $0x602, v0;
	[hbm4b:s21+s2] =	stream.linear.scatter [tilespmem:s17], [sflag:$0x3], $0x4000, $0x38;
	[tilespmem:$0x10E00] =	vst v63  }
0x10a: {  	v4 =	vadd.s32 $0x604, v0;
	s22 =	rddreg [dreg:$0x5]  }
0x10b: {  	v5 =	vadd.s32 $0x605, v0;
	[hbm4b:s22+s2] =	stream.linear.scatter [tilespmem:s25], [sflag:$0x3], $0x4000, $0x38;
	[tilespmem:$0x10E00] =	vst v63  }
0x10c: {  	v1 =	vld.idx.msk [tilespmem:v1+s2+$0x0], $0xffff  }
0x10d: {  	v2 =	vld.idx.msk [tilespmem:v2+s2+$0x0], $0xffff  }
0x10e: {  	v3 =	vld.idx.msk [tilespmem:v3+s2+$0x0], $0xffff  }
0x10f: {  	v4 =	vld.idx.msk [tilespmem:v4+s2+$0x0], $0xffff  }
0x110: {  	v5 =	vld.idx.msk [tilespmem:v5+s2+$0x0], $0xffff  }
0x111: {  	v1 =	vmul.u32 $0x6, v1  }
0x112: {  	v6 =	vadd.s32 $0x661, v0;
	v2 =	vmul.u32 $0x12, v2  }
0x113: {  	v1 =	vadd.s32 v1, v3;
	v3 =	vadd.s32 $0x663, v0  }
0x114: {  	v1 =	vadd.s32 v2, v1;
	v2 =	vshll.u32 v4, $0x5;
	v4 =	vadd.s32 $0x662, v0  }
0x115: {  	[tilespmem:$0xC00] =	vst v1;
	v1 =	vadd.s32 v5, v2;
	v2 =	vadd.s32 $0x664, v0  }
0x116: {  	[tilespmem:$0xC80] =	vst v1;
	v1 =	vadd.s32 $0x665, v0  }
0x117: {  	v5 =	vld.idx.msk [tilespmem:v6+s2+$0x0], $0xffff  }
0x118: {  	v3 =	vld.idx.msk [tilespmem:v3+s2+$0x0], $0xffff  }
0x119: {  	v4 =	vld.idx.msk [tilespmem:v4+s2+$0x0], $0xffff  }
0x11a: {  	v2 =	vld.idx.msk [tilespmem:v2+s2+$0x0], $0xffff  }
0x11b: {  	v1 =	vld.idx.msk [tilespmem:v1+s2+$0x0], $0xffff  }
0x11c: {  	v5 =	vmul.u32 $0x6, v5  }
0x11d: {  	v6 =	vadd.s32 $0x6C1, v0;
	v3 =	vmul.u32 $0x12, v3  }
0x11e: {  	v4 =	vadd.s32 v5, v4;
	v5 =	vadd.s32 $0x6C3, v0  }
0x11f: {  	v3 =	vadd.s32 v3, v4;
	v2 =	vshll.u32 v2, $0x5;
	v4 =	vadd.s32 $0x6C2, v0  }
0x120: {  	[tilespmem:$0xC10] =	vst v3;
	v1 =	vadd.s32 v1, v2;
	v2 =	vadd.s32 $0x6C4, v0  }
0x121: {  	[tilespmem:$0xC90] =	vst v1;
	v1 =	vadd.s32 $0x6C5, v0  }
0x122: {  	v3 =	vld.idx.msk [tilespmem:v6+s2+$0x0], $0xffff  }
0x123: {  	v5 =	vld.idx.msk [tilespmem:v5+s2+$0x0], $0xffff  }
0x124: {  	v4 =	vld.idx.msk [tilespmem:v4+s2+$0x0], $0xffff  }
0x125: {  	v2 =	vld.idx.msk [tilespmem:v2+s2+$0x0], $0xffff  }
0x126: {  	v1 =	vld.idx.msk [tilespmem:v1+s2+$0x0], $0xffff  }
0x127: {  	v3 =	vmul.u32 $0x6, v3  }
0x128: {  	v6 =	vadd.s32 $0x721, v0;
	v5 =	vmul.u32 $0x12, v5  }
0x129: {  	v3 =	vadd.s32 v3, v4;
	v4 =	vadd.s32 $0x723, v0  }
0x12a: {  	v3 =	vadd.s32 v5, v3;
	v2 =	vshll.u32 v2, $0x5;
	v5 =	vadd.s32 $0x722, v0  }
0x12b: {  	[tilespmem:$0xC20] =	vst v3;
	v1 =	vadd.s32 v1, v2;
	v2 =	vadd.s32 $0x724, v0  }
0x12c: {  	[tilespmem:$0xCA0] =	vst v1;
	v1 =	vadd.s32 $0x725, v0  }
0x12d: {  	v3 =	vld.idx.msk [tilespmem:v6+s2+$0x0], $0xffff  }
0x12e: {  	v4 =	vld.idx.msk [tilespmem:v4+s2+$0x0], $0xffff  }
0x12f: {  	v5 =	vld.idx.msk [tilespmem:v5+s2+$0x0], $0xffff  }
0x130: {  	v2 =	vld.idx.msk [tilespmem:v2+s2+$0x0], $0xffff  }
0x131: {  	v1 =	vld.idx.msk [tilespmem:v1+s2+$0x0], $0xffff  }
0x132: {  	v3 =	vmul.u32 $0x6, v3  }
0x133: {  	v6 =	vor.u32 $0x781, v0;
	v4 =	vmul.u32 $0x12, v4  }
0x134: {  	v3 =	vadd.s32 v3, v5;
	v5 =	vadd.s32 $0x783, v0  }
0x135: {  	v3 =	vadd.s32 v4, v3;
	v2 =	vshll.u32 v2, $0x5;
	v4 =	vadd.s32 $0x782, v0  }
0x136: {  	[tilespmem:$0xC30] =	vst v3;
	v1 =	vadd.s32 v1, v2;
	v2 =	vadd.s32 $0x784, v0  }
0x137: {  	[tilespmem:$0xCB0] =	vst v1;
	v1 =	vadd.s32 $0x785, v0  }
0x138: {  	v3 =	vld.idx.msk [tilespmem:v6+s2+$0x0], $0xffff  }
0x139: {  	v5 =	vld.idx.msk [tilespmem:v5+s2+$0x0], $0xffff  }
0x13a: {  	v4 =	vld.idx.msk [tilespmem:v4+s2+$0x0], $0xffff  }
0x13b: {  	v2 =	vld.idx.msk [tilespmem:v2+s2+$0x0], $0xffff  }
0x13c: {  	v1 =	vld.idx.msk [tilespmem:v1+s2+$0x0], $0xffff  }
0x13d: {  	v3 =	vmul.u32 $0x6, v3  }
0x13e: {  	v6 =	vadd.s32 $0x7E1, v0;
	v5 =	vmul.u32 $0x12, v5  }
0x13f: {  	v3 =	vadd.s32 v3, v4;
	v4 =	vadd.s32 $0x7E3, v0  }
0x140: {  	v3 =	vadd.s32 v5, v3;
	v2 =	vshll.u32 v2, $0x5;
	v5 =	vadd.s32 $0x7E2, v0  }
0x141: {  	[tilespmem:$0xC40] =	vst v3;
	v1 =	vadd.s32 v1, v2;
	v2 =	vadd.s32 $0x7E4, v0  }
0x142: {  	[tilespmem:$0xCC0] =	vst v1;
	v1 =	vadd.s32 $0x7E5, v0  }
0x143: {  	v3 =	vld.idx.msk [tilespmem:v6+s2+$0x0], $0xffff  }
0x144: {  	v4 =	vld.idx.msk [tilespmem:v4+s2+$0x0], $0xffff  }
0x145: {  	v5 =	vld.idx.msk [tilespmem:v5+s2+$0x0], $0xffff  }
0x146: {  	v2 =	vld.idx.msk [tilespmem:v2+s2+$0x0], $0xffff  }
0x147: {  	v1 =	vld.idx.msk [tilespmem:v1+s2+$0x0], $0xffff  }
0x148: {  	v3 =	vmul.u32 $0x6, v3  }
0x149: {  	v6 =	vadd.s32 $0x841, v0;
	v4 =	vmul.u32 $0x12, v4  }
0x14a: {  	v3 =	vadd.s32 v3, v5;
	v5 =	vadd.s32 $0x843, v0  }
0x14b: {  	v3 =	vadd.s32 v4, v3;
	v2 =	vshll.u32 v2, $0x5;
	v4 =	vadd.s32 $0x842, v0  }
0x14c: {  	[tilespmem:$0xC50] =	vst v3;
	v1 =	vadd.s32 v1, v2;
	v2 =	vadd.s32 $0x844, v0  }
0x14d: {  	[tilespmem:$0xCD0] =	vst v1;
	v1 =	vadd.s32 $0x845, v0  }
0x14e: {  	v3 =	vld.idx.msk [tilespmem:v6+s2+$0x0], $0xffff  }
0x14f: {  	v5 =	vld.idx.msk [tilespmem:v5+s2+$0x0], $0xffff  }
0x150: {  	v4 =	vld.idx.msk [tilespmem:v4+s2+$0x0], $0xffff  }
0x151: {  	v2 =	vld.idx.msk [tilespmem:v2+s2+$0x0], $0xffff  }
0x152: {  	v1 =	vld.idx.msk [tilespmem:v1+s2+$0x0], $0xffff  }
0x153: {  	v3 =	vmul.u32 $0x6, v3  }
0x154: {  	v6 =	vadd.s32 $0x8A1, v0;
	v5 =	vmul.u32 $0x12, v5  }
0x155: {  	v3 =	vadd.s32 v3, v4;
	v4 =	vadd.s32 $0x8A3, v0  }
0x156: {  	v3 =	vadd.s32 v5, v3;
	v2 =	vshll.u32 v2, $0x5;
	v5 =	vadd.s32 $0x8A2, v0  }
0x157: {  	[tilespmem:$0xC60] =	vst v3;
	v1 =	vadd.s32 v1, v2;
	v2 =	vadd.s32 $0x8A4, v0  }
0x158: {  	[tilespmem:$0xCE0] =	vst v1;
	v1 =	vadd.s32 $0x8A5, v0  }
0x159: {  	v3 =	vld.idx.msk [tilespmem:v6+s2+$0x0], $0xffff  }
0x15a: {  	v4 =	vld.idx.msk [tilespmem:v4+s2+$0x0], $0xffff  }
0x15b: {  	v5 =	vld.idx.msk [tilespmem:v5+s2+$0x0], $0xffff  }
0x15c: {  	v2 =	vld.idx.msk [tilespmem:v2+s2+$0x0], $0xffff  }
0x15d: {  	v1 =	vld.idx.msk [tilespmem:v1+s2+$0x0], $0xffff  }
0x15e: {  	v3 =	vmul.u32 $0x6, v3  }
0x15f: {  	v4 =	vmul.u32 $0x12, v4  }
0x160: {  	v3 =	vadd.s32 v3, v5  }
0x161: {  	v3 =	vadd.s32 v4, v3;
	v2 =	vshll.u32 v2, $0x5  }
0x162: {  	[tilespmem:$0xC70] =	vst v3;
	v1 =	vadd.s32 v1, v2  }
0x163: {  	[tilespmem:$0xCF0] =	vst v1  }
0x164: {  	_ =	swait.ge [sflag:s18], $0x4000  }
0x165: {  	[sflag:s18] =	ssyncset.done $0x0  }
0x166: {  	[sflag:s18] =	ssyncadd.s32 $0xFFFFC000  }
0x167: {  	_ =	swait.ge [sflag:s18], $0x4000  }
0x168: {  	[sflag:s18] =	ssyncset.done $0x0  }
0x169: {  	[sflag:s18] =	ssyncadd.s32 $0xFFFFC000  }
0x16a: {  	[tilespmem:s17], [sflag:$0x1] =	stream.indirect.gather [hbm4b:s3+s7], $0x80, s23, s7, $0xb8;
	[tilespmem:$0x10E00] =	vst v63  }
0x16b: {  	_ = 	snop  }
0x16c: {  	[tilespmem:s26], [sflag:$0x1] =	stream.indirect.gather [hbm4b:s3+s7], $0x80, s24, s7, $0xb8;
	[tilespmem:$0x10E00] =	vst v63  }
0x16d: {  	_ = 	snop  }
0x16e: {  	[tilespmem:s29], [sflag:$0x1] =	stream.indirect.gather [hbm4b:s3+s7], $0x80, s28, s7, $0xb8;
	[tilespmem:$0x10E00] =	vst v63  }
0x16f: {  	_ = 	snop  }
0x170: {  	[tilespmem:s31], [sflag:$0x1] =	stream.indirect.gather [hbm4b:s3+s7], $0x80, s30, s7, $0xb8;
	[tilespmem:$0x10E00] =	vst v63  }
0x171: {  	_ = 	snop  }
0x172: {  	[tilespmem:s25], [sflag:$0x1] =	stream.indirect.gather [hbm4b:s4+s7], $0x80, s1, s7, $0xb8;
	[tilespmem:$0x10E00] =	vst v63  }
0x173: {  	_ = 	snop  }
0x174: {  	[tilespmem:s10], [sflag:$0x1] =	stream.indirect.gather [hbm4b:s4+s7], $0x80, s6, s7, $0xb8;
	[tilespmem:$0x10E00] =	vst v63  }
0x175: {  	_ = 	snop  }
0x176: {  	[tilespmem:s12], [sflag:$0x1] =	stream.indirect.gather [hbm4b:s4+s7], $0x80, s11, s7, $0xb8;
	[tilespmem:$0x10E00] =	vst v63  }
0x177: {  	_ = 	snop  }
0x178: {  	[tilespmem:s14], [sflag:$0x1] =	stream.indirect.gather [hbm4b:s4+s7], $0x80, s13, s7, $0xb8;
	[tilespmem:$0x10E00] =	vst v63  }
0x179: {  	_ =	swait.ge [sflag:s19], $0x1000  }
0x17a: {  	[sflag:s19] =	ssyncset.done $0x0  }
0x17b: {  	[sflag:s19] =	ssyncadd.s32 $0xFFFFF000  }
0x17c: {  	_ =	swait.ge [sflag:s19], $0x1000  }
0x17d: {  	[sflag:s19] =	ssyncset.done $0x0  }
0x17e: {  	[sflag:s19] =	ssyncadd.s32 $0xFFFFF000  }
0x17f: {  	_ =	swait.ge [sflag:s19], $0x1000  }
0x180: {  	[sflag:s19] =	ssyncset.done $0x0  }
0x181: {  	[sflag:s19] =	ssyncadd.s32 $0xFFFFF000  }
0x182: {  	_ =	swait.ge [sflag:s19], $0x1000  }
0x183: {  	[sflag:s19] =	ssyncset.done $0x0  }
0x184: {  	[sflag:s19] =	ssyncadd.s32 $0xFFFFF000  }
0x185: {  	_ =	swait.ge [sflag:s19], $0x1000  }
0x186: {  	[sflag:s19] =	ssyncset.done $0x0  }
0x187: {  	[sflag:s19] =	ssyncadd.s32 $0xFFFFF000  }
0x188: {  	_ =	swait.ge [sflag:s19], $0x1000  }
0x189: {  	[sflag:s19] =	ssyncset.done $0x0  }
0x18a: {  	[sflag:s19] =	ssyncadd.s32 $0xFFFFF000  }
0x18b: {  	_ =	swait.ge [sflag:s19], $0x1000  }
0x18c: {  	[sflag:s19] =	ssyncset.done $0x0  }
0x18d: {  	[sflag:s19] =	ssyncadd.s32 $0xFFFFF000  }
0x18e: {  	_ =	swait.ge [sflag:s19], $0x1000  }
0x18f: {  	v1 =	vor.u32 $0x901, v0;
	[sflag:s19] =	ssyncset.done $0x0  }
0x190: {  	v2 =	vadd.s32 $0x903, v0;
	s1 =	rddreg [dreg:$0x6];
	[sflag:s19] =	ssyncadd.s32 $0xFFFFF000  }
0x191: {  	v3 =	vadd.s32 $0x902, v0;
	[hbm4b:s1+s2] =	stream.linear.scatter [tilespmem:s8], [sflag:$0x4], $0x4000, $0x38;
	[tilespmem:$0x10E00] =	vst v63  }
0x192: {  	v4 =	vadd.s32 $0x904, v0;
	s6 =	rddreg [dreg:$0x7]  }
0x193: {  	v5 =	vadd.s32 $0x905, v0;
	[hbm4b:s6+s2] =	stream.linear.scatter [tilespmem:s0], [sflag:$0x4], $0x4000, $0x38;
	[tilespmem:$0x10E00] =	vst v63  }
0x194: {  	v1 =	vld.idx.msk [tilespmem:v1+s2+$0x0], $0xffff  }
0x195: {  	v2 =	vld.idx.msk [tilespmem:v2+s2+$0x0], $0xffff  }
0x196: {  	v3 =	vld.idx.msk [tilespmem:v3+s2+$0x0], $0xffff  }
0x197: {  	v4 =	vld.idx.msk [tilespmem:v4+s2+$0x0], $0xffff  }
0x198: {  	v5 =	vld.idx.msk [tilespmem:v5+s2+$0x0], $0xffff  }
0x199: {  	v1 =	vmul.u32 $0x6, v1  }
0x19a: {  	v6 =	vadd.s32 $0x961, v0;
	v2 =	vmul.u32 $0x12, v2  }
0x19b: {  	v1 =	vadd.s32 v1, v3;
	v3 =	vadd.s32 $0x963, v0  }
0x19c: {  	v1 =	vadd.s32 v2, v1;
	v2 =	vshll.u32 v4, $0x5;
	v4 =	vadd.s32 $0x962, v0  }
0x19d: {  	[tilespmem:$0xD00] =	vst v1;
	v1 =	vadd.s32 v5, v2;
	v2 =	vadd.s32 $0x964, v0  }
0x19e: {  	[tilespmem:$0xD80] =	vst v1;
	v1 =	vadd.s32 $0x965, v0  }
0x19f: {  	v5 =	vld.idx.msk [tilespmem:v6+s2+$0x0], $0xffff  }
0x1a0: {  	v3 =	vld.idx.msk [tilespmem:v3+s2+$0x0], $0xffff  }
0x1a1: {  	v4 =	vld.idx.msk [tilespmem:v4+s2+$0x0], $0xffff  }
0x1a2: {  	v2 =	vld.idx.msk [tilespmem:v2+s2+$0x0], $0xffff  }
0x1a3: {  	v1 =	vld.idx.msk [tilespmem:v1+s2+$0x0], $0xffff  }
0x1a4: {  	v5 =	vmul.u32 $0x6, v5  }
0x1a5: {  	v6 =	vadd.s32 $0x9C1, v0;
	v3 =	vmul.u32 $0x12, v3  }
0x1a6: {  	v4 =	vadd.s32 v5, v4;
	v5 =	vadd.s32 $0x9C3, v0  }
0x1a7: {  	v3 =	vadd.s32 v3, v4;
	v2 =	vshll.u32 v2, $0x5;
	v4 =	vadd.s32 $0x9C2, v0  }
0x1a8: {  	[tilespmem:$0xD10] =	vst v3;
	v1 =	vadd.s32 v1, v2;
	v2 =	vadd.s32 $0x9C4, v0  }
0x1a9: {  	[tilespmem:$0xD90] =	vst v1;
	v1 =	vadd.s32 $0x9C5, v0  }
0x1aa: {  	v3 =	vld.idx.msk [tilespmem:v6+s2+$0x0], $0xffff  }
0x1ab: {  	v5 =	vld.idx.msk [tilespmem:v5+s2+$0x0], $0xffff  }
0x1ac: {  	v4 =	vld.idx.msk [tilespmem:v4+s2+$0x0], $0xffff  }
0x1ad: {  	v2 =	vld.idx.msk [tilespmem:v2+s2+$0x0], $0xffff  }
0x1ae: {  	v1 =	vld.idx.msk [tilespmem:v1+s2+$0x0], $0xffff  }
0x1af: {  	v3 =	vmul.u32 $0x6, v3  }
0x1b0: {  	v6 =	vadd.s32 $0xA21, v0;
	v5 =	vmul.u32 $0x12, v5  }
0x1b1: {  	v3 =	vadd.s32 v3, v4;
	v4 =	vadd.s32 $0xA23, v0  }
0x1b2: {  	v3 =	vadd.s32 v5, v3;
	v2 =	vshll.u32 v2, $0x5;
	v5 =	vadd.s32 $0xA22, v0  }
0x1b3: {  	[tilespmem:$0xD20] =	vst v3;
	v1 =	vadd.s32 v1, v2;
	v2 =	vadd.s32 $0xA24, v0  }
0x1b4: {  	[tilespmem:$0xDA0] =	vst v1;
	v1 =	vadd.s32 $0xA25, v0  }
0x1b5: {  	v3 =	vld.idx.msk [tilespmem:v6+s2+$0x0], $0xffff  }
0x1b6: {  	v4 =	vld.idx.msk [tilespmem:v4+s2+$0x0], $0xffff  }
0x1b7: {  	v5 =	vld.idx.msk [tilespmem:v5+s2+$0x0], $0xffff  }
0x1b8: {  	v2 =	vld.idx.msk [tilespmem:v2+s2+$0x0], $0xffff  }
0x1b9: {  	v1 =	vld.idx.msk [tilespmem:v1+s2+$0x0], $0xffff  }
0x1ba: {  	v3 =	vmul.u32 $0x6, v3  }
0x1bb: {  	v6 =	vor.u32 $0xA81, v0;
	v4 =	vmul.u32 $0x12, v4  }
0x1bc: {  	v3 =	vadd.s32 v3, v5;
	v5 =	vadd.s32 $0xA83, v0  }
0x1bd: {  	v3 =	vadd.s32 v4, v3;
	v2 =	vshll.u32 v2, $0x5;
	v4 =	vadd.s32 $0xA82, v0  }
0x1be: {  	[tilespmem:$0xD30] =	vst v3;
	v1 =	vadd.s32 v1, v2;
	v2 =	vadd.s32 $0xA84, v0  }
0x1bf: {  	[tilespmem:$0xDB0] =	vst v1;
	v1 =	vadd.s32 $0xA85, v0  }
0x1c0: {  	v3 =	vld.idx.msk [tilespmem:v6+s2+$0x0], $0xffff  }
0x1c1: {  	v5 =	vld.idx.msk [tilespmem:v5+s2+$0x0], $0xffff  }
0x1c2: {  	v4 =	vld.idx.msk [tilespmem:v4+s2+$0x0], $0xffff  }
0x1c3: {  	v2 =	vld.idx.msk [tilespmem:v2+s2+$0x0], $0xffff  }
0x1c4: {  	v1 =	vld.idx.msk [tilespmem:v1+s2+$0x0], $0xffff  }
0x1c5: {  	v3 =	vmul.u32 $0x6, v3  }
0x1c6: {  	v6 =	vadd.s32 $0xAE1, v0;
	v5 =	vmul.u32 $0x12, v5  }
0x1c7: {  	v3 =	vadd.s32 v3, v4;
	v4 =	vadd.s32 $0xAE3, v0  }
0x1c8: {  	v3 =	vadd.s32 v5, v3;
	v2 =	vshll.u32 v2, $0x5;
	v5 =	vadd.s32 $0xAE2, v0  }
0x1c9: {  	[tilespmem:$0xD40] =	vst v3;
	v1 =	vadd.s32 v1, v2;
	v2 =	vadd.s32 $0xAE4, v0  }
0x1ca: {  	[tilespmem:$0xDC0] =	vst v1;
	v1 =	vadd.s32 $0xAE5, v0  }
0x1cb: {  	v3 =	vld.idx.msk [tilespmem:v6+s2+$0x0], $0xffff  }
0x1cc: {  	v4 =	vld.idx.msk [tilespmem:v4+s2+$0x0], $0xffff  }
0x1cd: {  	v5 =	vld.idx.msk [tilespmem:v5+s2+$0x0], $0xffff  }
0x1ce: {  	v2 =	vld.idx.msk [tilespmem:v2+s2+$0x0], $0xffff  }
0x1cf: {  	v1 =	vld.idx.msk [tilespmem:v1+s2+$0x0], $0xffff  }
0x1d0: {  	v3 =	vmul.u32 $0x6, v3  }
0x1d1: {  	v6 =	vadd.s32 $0xB41, v0;
	v4 =	vmul.u32 $0x12, v4  }
0x1d2: {  	v3 =	vadd.s32 v3, v5;
	v5 =	vadd.s32 $0xB43, v0  }
0x1d3: {  	v3 =	vadd.s32 v4, v3;
	v2 =	vshll.u32 v2, $0x5;
	v4 =	vadd.s32 $0xB42, v0  }
0x1d4: {  	[tilespmem:$0xD50] =	vst v3;
	v1 =	vadd.s32 v1, v2;
	v2 =	vadd.s32 $0xB44, v0  }
0x1d5: {  	[tilespmem:$0xDD0] =	vst v1;
	v1 =	vadd.s32 $0xB45, v0  }
0x1d6: {  	v3 =	vld.idx.msk [tilespmem:v6+s2+$0x0], $0xffff  }
0x1d7: {  	v5 =	vld.idx.msk [tilespmem:v5+s2+$0x0], $0xffff  }
0x1d8: {  	v4 =	vld.idx.msk [tilespmem:v4+s2+$0x0], $0xffff  }
0x1d9: {  	v2 =	vld.idx.msk [tilespmem:v2+s2+$0x0], $0xffff  }
0x1da: {  	v1 =	vld.idx.msk [tilespmem:v1+s2+$0x0], $0xffff  }
0x1db: {  	v3 =	vmul.u32 $0x6, v3  }
0x1dc: {  	v6 =	vadd.s32 $0xBA1, v0;
	v5 =	vmul.u32 $0x12, v5  }
0x1dd: {  	v3 =	vadd.s32 v3, v4;
	v4 =	vadd.s32 $0xBA3, v0  }
0x1de: {  	v3 =	vadd.s32 v5, v3;
	v2 =	vshll.u32 v2, $0x5;
	v5 =	vadd.s32 $0xBA2, v0  }
0x1df: {  	[tilespmem:$0xD60] =	vst v3;
	v1 =	vadd.s32 v1, v2;
	v2 =	vadd.s32 $0xBA4, v0  }
0x1e0: {  	[tilespmem:$0xDE0] =	vst v1;
	v1 =	vadd.s32 $0xBA5, v0  }
0x1e1: {  	v3 =	vld.idx.msk [tilespmem:v6+s2+$0x0], $0xffff  }
0x1e2: {  	v4 =	vld.idx.msk [tilespmem:v4+s2+$0x0], $0xffff  }
0x1e3: {  	v5 =	vld.idx.msk [tilespmem:v5+s2+$0x0], $0xffff  }
0x1e4: {  	v2 =	vld.idx.msk [tilespmem:v2+s2+$0x0], $0xffff  }
0x1e5: {  	v1 =	vld.idx.msk [tilespmem:v1+s2+$0x0], $0xffff  }
0x1e6: {  	v3 =	vmul.u32 $0x6, v3  }
0x1e7: {  	v4 =	vmul.u32 $0x12, v4  }
0x1e8: {  	v3 =	vadd.s32 v3, v5  }
0x1e9: {  	v3 =	vadd.s32 v4, v3;
	v2 =	vshll.u32 v2, $0x5  }
0x1ea: {  	[tilespmem:$0xD70] =	vst v3;
	v1 =	vadd.s32 v1, v2  }
0x1eb: {  	[tilespmem:$0xDF0] =	vst v1  }
0x1ec: {  	_ =	swait.ge [sflag:s20], $0x4000  }
0x1ed: {  	[sflag:s20] =	ssyncset.done $0x0  }
0x1ee: {  	[sflag:s20] =	ssyncadd.s32 $0xFFFFC000  }
0x1ef: {  	_ =	swait.ge [sflag:s20], $0x4000  }
0x1f0: {  	[sflag:s20] =	ssyncset.done $0x0  }
0x1f1: {  	s22 =	simm.s32 $0xD00;
	[sflag:s20] =	ssyncadd.s32 $0xFFFFC000  }
0x1f2: {  	[tilespmem:s8], [sflag:$0x2] =	stream.indirect.gather [hbm4b:s3+s7], $0x80, s22, s7, $0xb8;
	[tilespmem:$0x10E00] =	vst v63  }
0x1f3: {  	s6 =	simm.s32 $0xD20  }
0x1f4: {  	[tilespmem:s9], [sflag:$0x2] =	stream.indirect.gather [hbm4b:s3+s7], $0x80, s6, s7, $0xb8;
	[tilespmem:$0x10E00] =	vst v63  }
0x1f5: {  	s21 =	simm.s32 $0xD40;
	s22 =	simm.s32 $0xAE00  }
0x1f6: {  	[tilespmem:s22], [sflag:$0x2] =	stream.indirect.gather [hbm4b:s3+s7], $0x80, s21, s7, $0xb8;
	[tilespmem:$0x10E00] =	vst v63  }
0x1f7: {  	s21 =	simm.s32 $0xD60  }
0x1f8: {  	[tilespmem:s15], [sflag:$0x2] =	stream.indirect.gather [hbm4b:s3+s7], $0x80, s21, s7, $0xb8;
	[tilespmem:$0x10E00] =	vst v63  }
0x1f9: {  	s22 =	simm.s32 $0xD80  }
0x1fa: {  	[tilespmem:s0], [sflag:$0x2] =	stream.indirect.gather [hbm4b:s4+s7], $0x80, s22, s7, $0xb8;
	[tilespmem:$0x10E00] =	vst v63  }
0x1fb: {  	s6 =	simm.s32 $0xDA0;
	s15 =	simm.s32 $0xDE00  }
0x1fc: {  	[tilespmem:s15], [sflag:$0x2] =	stream.indirect.gather [hbm4b:s4+s7], $0x80, s6, s7, $0xb8;
	[tilespmem:$0x10E00] =	vst v63  }
0x1fd: {  	s21 =	simm.s32 $0xDC0;
	s22 =	simm.s32 $0xEE00  }
0x1fe: {  	[tilespmem:s22], [sflag:$0x2] =	stream.indirect.gather [hbm4b:s4+s7], $0x80, s21, s7, $0xb8;
	[tilespmem:$0x10E00] =	vst v63  }
0x1ff: {  	s15 =	simm.s32 $0xDE0;
	s21 =	simm.s32 $0xFE00  }
0x200: {  	[tilespmem:s21], [sflag:$0x2] =	stream.indirect.gather [hbm4b:s4+s7], $0x80, s15, s7, $0xb8;
	[tilespmem:$0x10E00] =	vst v63  }
0x201: {  	_ =	swait.ge [sflag:s16], $0x1000  }
0x202: {  	[sflag:s16] =	ssyncset.done $0x0  }
0x203: {  	[sflag:s16] =	ssyncadd.s32 $0xFFFFF000  }
0x204: {  	_ =	swait.ge [sflag:s16], $0x1000  }
0x205: {  	[sflag:s16] =	ssyncset.done $0x0  }
0x206: {  	[sflag:s16] =	ssyncadd.s32 $0xFFFFF000  }
0x207: {  	_ =	swait.ge [sflag:s16], $0x1000  }
0x208: {  	[sflag:s16] =	ssyncset.done $0x0  }
0x209: {  	[sflag:s16] =	ssyncadd.s32 $0xFFFFF000  }
0x20a: {  	_ =	swait.ge [sflag:s16], $0x1000  }
0x20b: {  	[sflag:s16] =	ssyncset.done $0x0  }
0x20c: {  	[sflag:s16] =	ssyncadd.s32 $0xFFFFF000  }
0x20d: {  	_ =	swait.ge [sflag:s16], $0x1000  }
0x20e: {  	[sflag:s16] =	ssyncset.done $0x0  }
0x20f: {  	[sflag:s16] =	ssyncadd.s32 $0xFFFFF000  }
0x210: {  	_ =	swait.ge [sflag:s16], $0x1000  }
0x211: {  	[sflag:s16] =	ssyncset.done $0x0  }
0x212: {  	[sflag:s16] =	ssyncadd.s32 $0xFFFFF000  }
0x213: {  	_ =	swait.ge [sflag:s16], $0x1000  }
0x214: {  	[sflag:s16] =	ssyncset.done $0x0  }
0x215: {  	[sflag:s16] =	ssyncadd.s32 $0xFFFFF000  }
0x216: {  	_ =	swait.ge [sflag:s16], $0x1000  }
0x217: {  	[sflag:s16] =	ssyncset.done $0x0  }
0x218: {  	s22 =	rddreg [dreg:$0x8];
	[sflag:s16] =	ssyncadd.s32 $0xFFFFF000  }
0x219: {  	[hbm4b:s22+s2] =	stream.linear.scatter [tilespmem:s17], [sflag:$0x3], $0x4000, $0x38;
	[tilespmem:$0x10E00] =	vst v63  }
0x21a: {  	s1 =	rddreg [dreg:$0x9]  }
0x21b: {  	[hbm4b:s1+s2] =	stream.linear.scatter [tilespmem:s25], [sflag:$0x3], $0x4000, $0x38;
	[tilespmem:$0x10E00] =	vst v63  }
0x21c: {  	_ =	swait.ge [sflag:s18], $0x4000  }
0x21d: {  	[sflag:s18] =	ssyncset.done $0x0  }
0x21e: {  	[sflag:s18] =	ssyncadd.s32 $0xFFFFC000  }
0x21f: {  	_ =	swait.ge [sflag:s18], $0x4000  }
0x220: {  	[sflag:s18] =	ssyncset.done $0x0  }
0x221: {  	[sflag:s18] =	ssyncadd.s32 $0xFFFFC000  }
0x222: {  	_ =	swait.ge [sflag:s19], $0x1000  }
0x223: {  	[sflag:s19] =	ssyncset.done $0x0  }
0x224: {  	[sflag:s19] =	ssyncadd.s32 $0xFFFFF000  }
0x225: {  	_ =	swait.ge [sflag:s19], $0x1000  }
0x226: {  	[sflag:s19] =	ssyncset.done $0x0  }
0x227: {  	[sflag:s19] =	ssyncadd.s32 $0xFFFFF000  }
0x228: {  	_ =	swait.ge [sflag:s19], $0x1000  }
0x229: {  	[sflag:s19] =	ssyncset.done $0x0  }
0x22a: {  	[sflag:s19] =	ssyncadd.s32 $0xFFFFF000  }
0x22b: {  	_ =	swait.ge [sflag:s19], $0x1000  }
0x22c: {  	[sflag:s19] =	ssyncset.done $0x0  }
0x22d: {  	[sflag:s19] =	ssyncadd.s32 $0xFFFFF000  }
0x22e: {  	_ =	swait.ge [sflag:s19], $0x1000  }
0x22f: {  	[sflag:s19] =	ssyncset.done $0x0  }
0x230: {  	[sflag:s19] =	ssyncadd.s32 $0xFFFFF000  }
0x231: {  	_ =	swait.ge [sflag:s19], $0x1000  }
0x232: {  	[sflag:s19] =	ssyncset.done $0x0  }
0x233: {  	[sflag:s19] =	ssyncadd.s32 $0xFFFFF000  }
0x234: {  	_ =	swait.ge [sflag:s19], $0x1000  }
0x235: {  	[sflag:s19] =	ssyncset.done $0x0  }
0x236: {  	[sflag:s19] =	ssyncadd.s32 $0xFFFFF000  }
0x237: {  	_ =	swait.ge [sflag:s19], $0x1000  }
0x238: {  	[sflag:s19] =	ssyncset.done $0x0  }
0x239: {  	s6 =	rddreg [dreg:$0xa];
	[sflag:s19] =	ssyncadd.s32 $0xFFFFF000  }
0x23a: {  	[hbm4b:s6+s2] =	stream.linear.scatter [tilespmem:s8], [sflag:$0x4], $0x4000, $0x38;
	[tilespmem:$0x10E00] =	vst v63  }
0x23b: {  	s15 =	rddreg [dreg:$0xb]  }
0x23c: {  	[hbm4b:s15+s2] =	stream.linear.scatter [tilespmem:s0], [sflag:$0x4], $0x4000, $0x38;
	[tilespmem:$0x10E00] =	vst v63  }
0x23d: {  	p0 =	sne.s32 s5, $0x1;
	_ =	swait.ge [sflag:s20], $0x4000  }
.Ltmp0:
0x23e: {  	[sflag:s20] =	ssyncset.done $0x0;
	(pc) =	sbr.rel @p0 .LBB2_1-.Ltmp0, $4  }
0x23f: {  	[sflag:s20] =	ssyncadd.s32 $0xFFFFC000  }
0x240: {  	_ =	swait.ge [sflag:s20], $0x4000  }
0x241: {  	[sflag:s20] =	ssyncset.done $0x0  }
0x242: {  	s5 =	sadd.s32 $0xFFFFFFFF, s5;
	[sflag:s20] =	ssyncadd.s32 $0xFFFFC000  }
0x243: {  	_ =	sfence.sel $0x180000  }
0x244: {  	[bflag:$0x0] =	sbarrier.arrive $0xFFFF  }
0x245: {  	_ =	strace $0x90000047  }
0x246: {  	s0 =	stileid.u32;
	[bflag:$0x2] =	sbarrier.arrive $0xFFFF  }
0x247: {  	p0 =	sne.s32 s0, $0x0;
	s0 =	rddreg [dreg:$0x2]  }
0x248: {  	s0 =	sadd.s32 @!p0 $0x100000, s0  }
0x249: {  	[sflag:s0] =	ssyncadd.tile.s32 @!p0 $0x1;
	_ =	shalt  }
.Lfunc_end2:
_tile_overlayer_lowered:
.L_overlay_start_2:
0x24a: {  	(tag) =	ssettag $0x2  }
0x24b: {  	s0 =	rddreg [dreg:$0x0];
	s2 =	stileid.u32  }
0x24c: {  	s1 =	rddreg [dreg:$0x1];
	p0 =	sne.s32 s2, $0x0  }
0x24d: {  	s3 =	rddreg [dreg:$0x2];
	[bflag:$0x3] =	sbarrier.arrive $0xFFFF;
	s2 =	simm.s32 @!p0 $0x1C05  }
0x24e: {  	[timem:s3], [sflag:s2] =	dma.local @!p0 [hbm:s0], s1  }
0x24f: {  	s0 =	simm.s32 @!p0 $0x5  }
0x250: {  	_ =	swait.ge @!p0 [sflag:s0], s1  }
0x251: {  	s1 =	ssub.s32 @!p0 $0x0, s1;
	[sflag:s0] =	ssyncset.done @!p0 $0x0  }
0x252: {  	[sflag:s0] =	ssyncadd.s32 @!p0 s1  }
0x253: {  	[bflag:$0x3] =	sbarrier.arrive $0xFFFF  }
0x254: {  	_ =	shalt  }

</sc_bundles>
